<compile_context>
chip_gen: v7x
topology: tpu7x:2x2x1
jax: 0.10.2.dev20260603
libtpu: 0.0.44.dev20260713+nightly
codegen_flags: <defaults>
</compile_context>

<pallas_src>
import functools

import jax
import jax.numpy as jnp
from jax import lax
from jax.experimental import pallas as pl
from jax.experimental.pallas import tpu as pltpu
from jax.experimental.pallas import tpu_sc as plsc

N = 10000
D = 128
DH = D // 2
E = 320000

NC = 2
NS = 16
NW = NC * NS
K = 128
CPW = 160
E_PAD = NS * CPW * K
N_PAD = 10240
RPT = N_PAD // NS

_mesh = plsc.VectorSubcoreMesh(core_axis_name="c", subcore_axis_name="s")



@functools.partial(
    pl.kernel,
    out_type=jax.ShapeDtypeStruct((NC, N_PAD), jnp.float32),
    mesh=_mesh,
    scratch_types=[
        pltpu.VMEM((CPW // 2, K), jnp.int32),
        pltpu.VMEM((K,), jnp.float32),
        pltpu.VMEM((RPT,), jnp.float32),
        pltpu.VMEM_SHARED((N_PAD,), jnp.float32),
    ],
)
def _sc_degree(dst_hbm, ones_hbm, zvec_hbm, deg_out, didx, ones_v, zv, deg_sh):
    c = lax.axis_index("c")
    s = lax.axis_index("s")
    wid = c * NS + s
    pltpu.sync_copy(zvec_hbm, zv)
    pltpu.sync_copy(zv, deg_sh.at[pl.ds(s * RPT, RPT)])
    pltpu.sync_copy(ones_hbm, ones_v)
    pltpu.sync_copy(dst_hbm.at[wid], didx)
    plsc.subcore_barrier()

    def body(ci, carry):
        pltpu.sync_copy(ones_v, deg_sh.at[didx.at[ci]], add=True)
        return carry

    lax.fori_loop(0, CPW // 2, body, 0)
    plsc.subcore_barrier()
    pltpu.sync_copy(deg_sh.at[pl.ds(s * RPT, RPT)],
                    deg_out.at[c, pl.ds(s * RPT, RPT)])


@functools.partial(
    pl.kernel,
    out_type=jax.ShapeDtypeStruct((NC, N_PAD, DH), jnp.float32),
    mesh=_mesh,
    scratch_types=[
        pltpu.VMEM((CPW, K), jnp.int32),
        pltpu.VMEM((CPW, K), jnp.int32),
        pltpu.VMEM((K, DH), jnp.float32),
        pltpu.VMEM((K, DH), jnp.float32),
        pltpu.VMEM((K, DH), jnp.float32),
        pltpu.VMEM_SHARED((N_PAD, DH), jnp.float32),
        pltpu.SemaphoreType.DMA,
        pltpu.SemaphoreType.DMA,
    ],
    compiler_params=pltpu.CompilerParams(use_tc_tiling_on_sc=False),
)
def _sc_scatter(srcA_hbm, srcB_hbm, dst_hbm, y_hbm, zblk_hbm, z_out,
                sidx, didx, rowsA, rowsB, zblk, z_sh, semA, semB):
    c = lax.axis_index("c")
    s = lax.axis_index("s")
    pltpu.sync_copy(zblk_hbm, zblk)
    for j in range(RPT // K):
        pltpu.sync_copy(zblk, z_sh.at[pl.ds(s * RPT + j * K, K)])

    @pl.when(c == 0)
    def _():
        pltpu.sync_copy(srcA_hbm.at[s], sidx)

    @pl.when(c == 1)
    def _():
        pltpu.sync_copy(srcB_hbm.at[s], sidx)

    pltpu.sync_copy(dst_hbm.at[s], didx)
    plsc.subcore_barrier()

    def start(ci, buf, sem):
        pltpu.async_copy(y_hbm.at[sidx.at[ci]], buf, sem)

    def wait(buf, sem):
        pltpu.make_async_copy(y_hbm.at[sidx.at[0]], buf, sem).wait()

    start(0, rowsA, semA)

    def body(j, carry):
        c0 = 2 * j
        start(c0 + 1, rowsB, semB)
        wait(rowsA, semA)
        pltpu.sync_copy(rowsA, z_sh.at[didx.at[c0]], add=True)

        @pl.when(j < CPW // 2 - 1)
        def _():
            start(c0 + 2, rowsA, semA)

        wait(rowsB, semB)
        pltpu.sync_copy(rowsB, z_sh.at[didx.at[c0 + 1]], add=True)
        return carry

    lax.fori_loop(0, CPW // 2, body, 0)
    plsc.subcore_barrier()
    pltpu.sync_copy(z_sh.at[pl.ds(s * RPT, RPT)],
                    z_out.at[c, pl.ds(s * RPT, RPT)])



def _dinv_body(degp_ref, out_ref):
    d = degp_ref[0] + degp_ref[1] + 1.0
    out_ref[...] = 1.0 / jnp.sqrt(d)


def _tc_dinv(degp):
    return pl.pallas_call(
        _dinv_body,
        grid=(N_PAD // 128,),
        in_specs=[pl.BlockSpec((2, 128, 1), lambda i: (0, i, 0))],
        out_specs=pl.BlockSpec((128, 1), lambda i: (i, 0)),
        out_shape=jax.ShapeDtypeStruct((N_PAD, 1), jnp.float32),
    )(degp.reshape(2, N_PAD, 1))


def _mm_body(t_ref, w_ref, gp_ref, cc_ref, dinv_ref, out_ref):
    i = pl.program_id(0)
    h = t_ref[...] * gp_ref[...] + cc_ref[...]
    y = jnp.dot(h, w_ref[...], preferred_element_type=jnp.float32)
    y = y * dinv_ref[...]
    row = i * 128 + lax.broadcasted_iota(jnp.int32, (128, 1), 0)
    y = jnp.where(row < N, y, 0.0)
    out_ref[0] = y[:, :DH]
    out_ref[1] = y[:, DH:]


def _tc_matmul(t, w, gp, cc, dinv):
    return pl.pallas_call(
        _mm_body,
        grid=(N_PAD // 128,),
        in_specs=[
            pl.BlockSpec((128, D), lambda i: (i, 0)),
            pl.BlockSpec((D, D), lambda i: (0, 0)),
            pl.BlockSpec((1, D), lambda i: (0, 0)),
            pl.BlockSpec((1, D), lambda i: (0, 0)),
            pl.BlockSpec((128, 1), lambda i: (i, 0)),
        ],
        out_specs=pl.BlockSpec((2, 128, DH), lambda i: (0, i, 0)),
        out_shape=jax.ShapeDtypeStruct((NC, N_PAD, DH), jnp.float32),
    )(t, w, gp, cc, dinv)


def _post_body(z_ref, y_ref, b_ref, dinv_ref, t_ref, sums_ref, acc_s, acc_q):
    i = pl.program_id(0)

    @pl.when(i == 0)
    def _():
        acc_s[...] = jnp.zeros_like(acc_s)
        acc_q[...] = jnp.zeros_like(acc_q)

    row = i * 128 + lax.broadcasted_iota(jnp.int32, (128, 1), 0)
    for h in range(2):
        zz = z_ref[h] + y_ref[h]
        pre = dinv_ref[...] * zz + b_ref[:, h * DH:(h + 1) * DH]
        t = jnp.where(pre >= 0, pre, 0.01 * pre)
        t_ref[:, h * DH:(h + 1) * DH] = t
        tm = jnp.where(row < N, t, 0.0)
        acc_s[:, h * DH:(h + 1) * DH] += jnp.sum(tm, axis=0, keepdims=True)
        acc_q[:, h * DH:(h + 1) * DH] += jnp.sum(tm * tm, axis=0,
                                                 keepdims=True)

    @pl.when(i == N_PAD // 128 - 1)
    def _():
        sums_ref[...] = jnp.concatenate([acc_s[...], acc_q[...]], axis=0)


def _tc_post(z, y, b, dinv):
    return pl.pallas_call(
        _post_body,
        grid=(N_PAD // 128,),
        in_specs=[
            pl.BlockSpec((2, 128, DH), lambda i: (0, i, 0)),
            pl.BlockSpec((2, 128, DH), lambda i: (0, i, 0)),
            pl.BlockSpec((1, D), lambda i: (0, 0)),
            pl.BlockSpec((128, 1), lambda i: (i, 0)),
        ],
        out_specs=[
            pl.BlockSpec((128, D), lambda i: (i, 0)),
            pl.BlockSpec((2, D), lambda i: (0, 0)),
        ],
        out_shape=[
            jax.ShapeDtypeStruct((N_PAD, D), jnp.float32),
            jax.ShapeDtypeStruct((2, D), jnp.float32),
        ],
        scratch_shapes=[
            pltpu.VMEM((1, D), jnp.float32),
            pltpu.VMEM((1, D), jnp.float32),
        ],
    )(z, y, b, dinv)


def _final_body(z_ref, y_ref, b_ref, dinv_ref, out_ref):
    for h in range(2):
        zz = z_ref[h] + y_ref[h]
        pre = dinv_ref[...] * zz + b_ref[:, h * DH:(h + 1) * DH]
        out_ref[:, h * DH:(h + 1) * DH] = jnp.where(pre >= 0, pre, 0.01 * pre)


def _tc_final(z, y, b, dinv):
    return pl.pallas_call(
        _final_body,
        grid=(N_PAD // 128,),
        in_specs=[
            pl.BlockSpec((2, 128, DH), lambda i: (0, i, 0)),
            pl.BlockSpec((2, 128, DH), lambda i: (0, i, 0)),
            pl.BlockSpec((1, D), lambda i: (0, 0)),
            pl.BlockSpec((128, 1), lambda i: (i, 0)),
        ],
        out_specs=pl.BlockSpec((128, D), lambda i: (i, 0)),
        out_shape=jax.ShapeDtypeStruct((N_PAD, D), jnp.float32),
    )(z, y, b, dinv)



def kernel(x, edge_index, edge_weights, W1, b1, W2, b2, W3, b3,
           gamma1, beta1, gamma2, beta2):
    del edge_weights
    f32 = jnp.float32
    src = edge_index[0]
    dst = edge_index[1]
    pad = jnp.full((E_PAD - E,), N, jnp.int32)
    srcA = jnp.concatenate([src, pad]).reshape(NS, CPW, K)
    srcB = srcA + N_PAD
    dst3 = jnp.concatenate([dst, pad]).reshape(NS, CPW, K)
    dstw = dst3.reshape(NW, CPW // 2, K)

    ones_k = jnp.ones((K,), f32)
    zvec = jnp.zeros((RPT,), f32)
    zblk = jnp.zeros((K, DH), f32)
    x_pad = jnp.pad(x, ((0, N_PAD - N), (0, 0)))

    degp = _sc_degree(dstw, ones_k, zvec)
    dinv = _tc_dinv(degp)

    ones_row = jnp.ones((1, D), f32)
    zero_row = jnp.zeros((1, D), f32)

    def bn_coeffs(sums, gamma, beta):
        mean = sums[0] / N
        var = sums[1] / N - mean * mean
        gp = gamma / jnp.sqrt(var + 1e-5)
        cc = beta - mean * gp
        return gp.reshape(1, D), cc.reshape(1, D)

    def sc_layer(y):
        yflat = y.reshape(NC * N_PAD, DH)
        return _sc_scatter(srcA, srcB, dst3, yflat, zblk)

    y1 = _tc_matmul(x_pad, W1, ones_row, zero_row, dinv)
    z1 = sc_layer(y1)
    t1, sums1 = _tc_post(z1, y1, b1.reshape(1, D), dinv)
    gp1, cc1 = bn_coeffs(sums1, gamma1, beta1)

    y2 = _tc_matmul(t1, W2, gp1, cc1, dinv)
    z2 = sc_layer(y2)
    t2, sums2 = _tc_post(z2, y2, b2.reshape(1, D), dinv)
    gp2, cc2 = bn_coeffs(sums2, gamma2, beta2)

    y3 = _tc_matmul(t2, W3, gp2, cc2, dinv)
    z3 = sc_layer(y3)
    out = _tc_final(z3, y3, b3.reshape(1, D), dinv)
    return out[:N]

# --- scband reference (transcript-rebuilt; emitter-appended) ---
"""Pipeline reference for scband-gcn-44160853737649 (READ-ONLY COPY).

The authoritative reference and input builder live on the scoring server;
editing this copy changes nothing except your own understanding.
"""

import jax, jax.numpy as jnp
import numpy as np

N = 10000
E = 320000
D_IN = 128
D_H1 = 128
D_H2 = 128
D_OUT = 128


def setup_inputs(seed: int = 0) -> dict:
    key = jax.random.key(seed)
    ks = jax.random.split(key, 16)
    x = jax.random.normal(ks[0], (N, D_IN), dtype=jnp.float32)
    edge_index = jax.random.randint(ks[1], (2, E), 0, N, dtype=jnp.int32)
    edge_weights = jax.random.uniform(ks[2], (E,), dtype=jnp.float32)
    W1 = jax.random.normal(ks[3], (D_IN, D_H1), dtype=jnp.float32) * 0.05
    b1 = jnp.zeros((D_H1,), dtype=jnp.float32)
    W2 = jax.random.normal(ks[4], (D_H1, D_H2), dtype=jnp.float32) * 0.05
    b2 = jnp.zeros((D_H2,), dtype=jnp.float32)
    W3 = jax.random.normal(ks[5], (D_H2, D_OUT), dtype=jnp.float32) * 0.05
    b3 = jnp.zeros((D_OUT,), dtype=jnp.float32)
    gamma1 = jnp.ones((D_H1,), dtype=jnp.float32)
    beta1 = jnp.zeros((D_H1,), dtype=jnp.float32)
    gamma2 = jnp.ones((D_H2,), dtype=jnp.float32)
    beta2 = jnp.zeros((D_H2,), dtype=jnp.float32)
    return {"x": x, "edge_index": edge_index, "edge_weights": edge_weights,
            "W1": W1, "b1": b1, "W2": W2, "b2": b2, "W3": W3, "b3": b3,
            "gamma1": gamma1, "beta1": beta1, "gamma2": gamma2, "beta2": beta2}


def _gcn_conv(x, W, b, src, dst, n):
    # PyG-style GCNConv: add self-loops, symmetric normalization, scatter-add
    xw = x @ W
    loop = jnp.arange(n, dtype=src.dtype)
    src_f = jnp.concatenate([src, loop])
    dst_f = jnp.concatenate([dst, loop])
    deg = jnp.zeros((n,), dtype=x.dtype).at[dst_f].add(1.0)
    dinv = jnp.where(deg > 0, 1.0 / jnp.sqrt(deg), 0.0)
    norm = dinv[src_f] * dinv[dst_f]
    msg = xw[src_f] * norm[:, None]
    out = jnp.zeros((n, W.shape[1]), dtype=x.dtype).at[dst_f].add(msg)
    return out + b


def _batchnorm(x, gamma, beta, eps=1e-5):
    mean = jnp.mean(x, axis=0)
    var = jnp.mean((x - mean) ** 2, axis=0)
    return gamma * (x - mean) / jnp.sqrt(var + eps) + beta


def _leaky(x):
    return jnp.where(x >= 0, x, 0.01 * x)


def reference(x, edge_index, edge_weights, W1, b1, W2, b2, W3, b3, gamma1, beta1, gamma2, beta2):
    # edge_weights is accepted by the original forward but never used
    src = edge_index[0]
    dst = edge_index[1]
    n = x.shape[0]
    h = _leaky(_gcn_conv(x, W1, b1, src, dst, n))
    h = _batchnorm(h, gamma1, beta1)
    h = _leaky(_gcn_conv(h, W2, b2, src, dst, n))
    h = _batchnorm(h, gamma2, beta2)
    h = _leaky(_gcn_conv(h, W3, b3, src, dst, n))
    return h

if __name__ == "__main__":
    import jax
    _d = setup_inputs()
    print(jax.jit(kernel)(*tuple(_d.values())))

</pallas_src>

<mosaic_0001>
#map = affine_map<(d0, d1) -> (0, 0, 0)>
#map1 = affine_map<(d0, d1) -> (0)>
#map2 = affine_map<(d0, d1) -> (0, 0)>
module attributes {stable_mosaic.version = 14 : i64} {
  func.func @_sc_degree(%arg0: i32, %arg1: i32, %arg2: memref<32x80x128xi32, #tpu.memory_space<hbm>>, %arg3: memref<128xf32, #tpu.memory_space<hbm>>, %arg4: memref<640xf32, #tpu.memory_space<hbm>>, %arg5: memref<2x10240xf32, #tpu.memory_space<hbm>>, %arg6: memref<80x128xi32, #tpu.memory_space<vmem>>, %arg7: memref<128xf32, #tpu.memory_space<vmem>>, %arg8: memref<640xf32, #tpu.memory_space<vmem>>, %arg9: memref<10240xf32, #tpu.memory_space<vmem_shared>>) attributes {dimension_semantics = [#tpu.dimension_semantics<core_parallel>, #tpu.dimension_semantics<subcore_parallel>], iteration_bounds = array<i64: 2, 16>, scalar_prefetch = 0 : i64, scratch_operands = 4 : i64, tpu.core_type = #tpu.core_type<sc_vector_subcore>, window_params = [{transform_indices = #map}, {transform_indices = #map1}, {transform_indices = #map1}, {transform_indices = #map2}]} {
    %mul3A = arith.constant 16 : i32
    %mul3A_0 = arith.muli %arg0, %mul3A : i32
    %add3A = arith.addi %mul3A_0, %arg1 : i32
    "tpu.region"() ({
      %run_scoped3A = tpu.sem_alloc : memref<!tpu.dma_semaphore, #tpu.memory_space<semaphore_mem>>
      tpu.enqueue_dma source(%arg4 : memref<640xf32, #tpu.memory_space<hbm>>) target(%arg8 : memref<640xf32, #tpu.memory_space<vmem>>) target_semaphore(%run_scoped3A : memref<!tpu.dma_semaphore, #tpu.memory_space<semaphore_mem>>)
      tpu.wait_dma2 semaphore(%run_scoped3A : memref<!tpu.dma_semaphore, #tpu.memory_space<semaphore_mem>>) src(%arg4 : memref<640xf32, #tpu.memory_space<hbm>>) dst(%arg8 : memref<640xf32, #tpu.memory_space<vmem>>)
      tpu.yield
    }) : () -> ()
    %mul3A_1 = arith.constant 640 : i32
    %mul3A_2 = arith.muli %arg1, %mul3A_1 : i32
    "tpu.region"() ({
      %run_scoped3A = tpu.sem_alloc : memref<!tpu.dma_semaphore, #tpu.memory_space<semaphore_mem>>
      %dma_start3A = tpu.memref_slice %arg9[%mul3A_2] : memref<10240xf32, #tpu.memory_space<vmem_shared>> -> memref<640xf32, #tpu.memory_space<vmem_shared>>
      %dma_start3A_13 = tpu.memref_slice %arg9[%mul3A_2] : memref<10240xf32, #tpu.memory_space<vmem_shared>> -> memref<640xf32, #tpu.memory_space<vmem_shared>>
      tpu.enqueue_dma source(%arg8 : memref<640xf32, #tpu.memory_space<vmem>>) target(%dma_start3A_13 : memref<640xf32, #tpu.memory_space<vmem_shared>>) target_semaphore(%run_scoped3A : memref<!tpu.dma_semaphore, #tpu.memory_space<semaphore_mem>>)
      %dma_wait3A = tpu.memref_slice %arg9[%mul3A_2] : memref<10240xf32, #tpu.memory_space<vmem_shared>> -> memref<640xf32, #tpu.memory_space<vmem_shared>>
      %dma_wait3A_14 = tpu.memref_slice %arg9[%mul3A_2] : memref<10240xf32, #tpu.memory_space<vmem_shared>> -> memref<640xf32, #tpu.memory_space<vmem_shared>>
      tpu.wait_dma2 semaphore(%run_scoped3A : memref<!tpu.dma_semaphore, #tpu.memory_space<semaphore_mem>>) src(%arg8 : memref<640xf32, #tpu.memory_space<vmem>>) dst(%dma_wait3A_14 : memref<640xf32, #tpu.memory_space<vmem_shared>>)
      tpu.yield
    }) : () -> ()
    "tpu.region"() ({
      %run_scoped3A = tpu.sem_alloc : memref<!tpu.dma_semaphore, #tpu.memory_space<semaphore_mem>>
      tpu.enqueue_dma source(%arg3 : memref<128xf32, #tpu.memory_space<hbm>>) target(%arg7 : memref<128xf32, #tpu.memory_space<vmem>>) target_semaphore(%run_scoped3A : memref<!tpu.dma_semaphore, #tpu.memory_space<semaphore_mem>>)
      tpu.wait_dma2 semaphore(%run_scoped3A : memref<!tpu.dma_semaphore, #tpu.memory_space<semaphore_mem>>) src(%arg3 : memref<128xf32, #tpu.memory_space<hbm>>) dst(%arg7 : memref<128xf32, #tpu.memory_space<vmem>>)
      tpu.yield
    }) : () -> ()
    "tpu.region"() ({
      %run_scoped3A = tpu.sem_alloc : memref<!tpu.dma_semaphore, #tpu.memory_space<semaphore_mem>>
      %dma_start3A = arith.constant 0 : i32
      %dma_start3A_13 = arith.constant 0 : i32
      %dma_start3A_14 = tpu.memref_slice %arg2[%add3A, %dma_start3A, %dma_start3A_13] : memref<32x80x128xi32, #tpu.memory_space<hbm>> -> memref<1x80x128xi32, #tpu.memory_space<hbm>>
      %dma_start3A_15 = tpu.memref_squeeze %dma_start3A_14 : memref<1x80x128xi32, #tpu.memory_space<hbm>> -> memref<80x128xi32, #tpu.memory_space<hbm>>
      %dma_start3A_16 = arith.constant 0 : i32
      %dma_start3A_17 = arith.constant 0 : i32
      %dma_start3A_18 = tpu.memref_slice %arg2[%add3A, %dma_start3A_16, %dma_start3A_17] : memref<32x80x128xi32, #tpu.memory_space<hbm>> -> memref<1x80x128xi32, #tpu.memory_space<hbm>>
      %dma_start3A_19 = tpu.memref_squeeze %dma_start3A_18 : memref<1x80x128xi32, #tpu.memory_space<hbm>> -> memref<80x128xi32, #tpu.memory_space<hbm>>
      tpu.enqueue_dma source(%dma_start3A_19 : memref<80x128xi32, #tpu.memory_space<hbm>>) target(%arg6 : memref<80x128xi32, #tpu.memory_space<vmem>>) target_semaphore(%run_scoped3A : memref<!tpu.dma_semaphore, #tpu.memory_space<semaphore_mem>>)
      %dma_wait3A = arith.constant 0 : i32
      %dma_wait3A_20 = arith.constant 0 : i32
      %dma_wait3A_21 = tpu.memref_slice %arg2[%add3A, %dma_wait3A, %dma_wait3A_20] : memref<32x80x128xi32, #tpu.memory_space<hbm>> -> memref<1x80x128xi32, #tpu.memory_space<hbm>>
      %dma_wait3A_22 = tpu.memref_squeeze %dma_wait3A_21 : memref<1x80x128xi32, #tpu.memory_space<hbm>> -> memref<80x128xi32, #tpu.memory_space<hbm>>
      %dma_wait3A_23 = arith.constant 0 : i32
      %dma_wait3A_24 = arith.constant 0 : i32
      %dma_wait3A_25 = tpu.memref_slice %arg2[%add3A, %dma_wait3A_23, %dma_wait3A_24] : memref<32x80x128xi32, #tpu.memory_space<hbm>> -> memref<1x80x128xi32, #tpu.memory_space<hbm>>
      %dma_wait3A_26 = tpu.memref_squeeze %dma_wait3A_25 : memref<1x80x128xi32, #tpu.memory_space<hbm>> -> memref<80x128xi32, #tpu.memory_space<hbm>>
      tpu.wait_dma2 semaphore(%run_scoped3A : memref<!tpu.dma_semaphore, #tpu.memory_space<semaphore_mem>>) src(%dma_wait3A_26 : memref<80x128xi32, #tpu.memory_space<hbm>>) dst(%arg6 : memref<80x128xi32, #tpu.memory_space<vmem>>)
      tpu.yield
    }) : () -> ()
    %barrier3A = arith.constant 0 : index
    tpu.barrier barrier_id(%barrier3A)
    %scan3A = arith.constant 0 : i32
    %scan3A_3 = arith.constant 0 : i32
    %scan3A_4 = arith.constant 80 : i32
    %scan3A_5 = arith.addi %scan3A_3, %scan3A_4 : i32
    %scan3A_6 = arith.constant 1 : i32
    scf.for %scan3A_13 = %scan3A_3 to %scan3A_5 step %scan3A_6  : i32 {
      "tpu.region"() ({
        %run_scoped3A = tpu.sem_alloc : memref<!tpu.dma_semaphore, #tpu.memory_space<semaphore_mem>>
        %dma_start3A = arith.constant 0 : i32
        %dma_start3A_14 = tpu.memref_slice %arg6[%scan3A_13, %dma_start3A] : memref<80x128xi32, #tpu.memory_space<vmem>> -> memref<1x128xi32, #tpu.memory_space<vmem>>
        %dma_start3A_15 = tpu.memref_squeeze %dma_start3A_14 : memref<1x128xi32, #tpu.memory_space<vmem>> -> memref<128xi32, #tpu.memory_space<vmem>>
        %dma_start3A_16 = arith.constant 0 : i32
        %dma_start3A_17 = tpu.memref_slice %arg9[%dma_start3A_16] : memref<10240xf32, #tpu.memory_space<vmem_shared>> -> memref<10240xf32, #tpu.memory_space<vmem_shared>>
        tpu.enqueue_indirect_dma source(%arg7 : memref<128xf32, #tpu.memory_space<vmem>>) target(%dma_start3A_17 : memref<10240xf32, #tpu.memory_space<vmem_shared>>) offsets(%dma_start3A_15 : memref<128xi32, #tpu.memory_space<vmem>>) semaphore(%run_scoped3A : memref<!tpu.dma_semaphore, #tpu.memory_space<semaphore_mem>>) {add = true}
        %dma_wait3A = arith.constant 0 : i32
        %dma_wait3A_18 = tpu.memref_slice %arg6[%scan3A_13, %dma_wait3A] : memref<80x128xi32, #tpu.memory_space<vmem>> -> memref<1x128xi32, #tpu.memory_space<vmem>>
        %dma_wait3A_19 = tpu.memref_squeeze %dma_wait3A_18 : memref<1x128xi32, #tpu.memory_space<vmem>> -> memref<128xi32, #tpu.memory_space<vmem>>
        %dma_wait3A_20 = arith.constant 0 : i32
        %dma_wait3A_21 = tpu.memref_slice %arg9[%dma_wait3A_20] : memref<10240xf32, #tpu.memory_space<vmem_shared>> -> memref<10240xf32, #tpu.memory_space<vmem_shared>>
        tpu.wait_indirect_dma semaphore(%run_scoped3A : memref<!tpu.dma_semaphore, #tpu.memory_space<semaphore_mem>>) src(%arg7 : memref<128xf32, #tpu.memory_space<vmem>>) dst(%dma_wait3A_21 : memref<10240xf32, #tpu.memory_space<vmem_shared>>)
        tpu.yield
      }) : () -> ()
    }
    %scan3A_7 = arith.constant 80 : i32
    %barrier3A_8 = arith.constant 0 : index
    tpu.barrier barrier_id(%barrier3A_8)
    %mul3A_9 = arith.constant 640 : i32
    %mul3A_10 = arith.muli %arg1, %mul3A_9 : i32
    %mul3A_11 = arith.constant 640 : i32
    %mul3A_12 = arith.muli %arg1, %mul3A_11 : i32
    "tpu.region"() ({
      %run_scoped3A = tpu.sem_alloc : memref<!tpu.dma_semaphore, #tpu.memory_space<semaphore_mem>>
      %dma_start3A = tpu.memref_slice %arg5[%arg0, %mul3A_12] : memref<2x10240xf32, #tpu.memory_space<hbm>> -> memref<1x640xf32, #tpu.memory_space<hbm>>
      %dma_start3A_13 = tpu.memref_squeeze %dma_start3A : memref<1x640xf32, #tpu.memory_space<hbm>> -> memref<640xf32, #tpu.memory_space<hbm>>
      %dma_start3A_14 = tpu.memref_slice %arg9[%mul3A_10] : memref<10240xf32, #tpu.memory_space<vmem_shared>> -> memref<640xf32, #tpu.memory_space<vmem_shared>>
      tpu.enqueue_dma source(%dma_start3A_14 : memref<640xf32, #tpu.memory_space<vmem_shared>>) target(%dma_start3A_13 : memref<640xf32, #tpu.memory_space<hbm>>) target_semaphore(%run_scoped3A : memref<!tpu.dma_semaphore, #tpu.memory_space<semaphore_mem>>)
      %dma_wait3A = tpu.memref_slice %arg5[%arg0, %mul3A_12] : memref<2x10240xf32, #tpu.memory_space<hbm>> -> memref<1x640xf32, #tpu.memory_space<hbm>>
      %dma_wait3A_15 = tpu.memref_squeeze %dma_wait3A : memref<1x640xf32, #tpu.memory_space<hbm>> -> memref<640xf32, #tpu.memory_space<hbm>>
      %dma_wait3A_16 = tpu.memref_slice %arg9[%mul3A_10] : memref<10240xf32, #tpu.memory_space<vmem_shared>> -> memref<640xf32, #tpu.memory_space<vmem_shared>>
      tpu.wait_dma2 semaphore(%run_scoped3A : memref<!tpu.dma_semaphore, #tpu.memory_space<semaphore_mem>>) src(%dma_wait3A_16 : memref<640xf32, #tpu.memory_space<vmem_shared>>) dst(%dma_wait3A_15 : memref<640xf32, #tpu.memory_space<hbm>>)
      tpu.yield
    }) : () -> ()
    return
  }
}

#map = affine_map<(d0, d1) -> (0, 0, 0)>
#map1 = affine_map<(d0, d1) -> (0, 0)>
module attributes {stable_mosaic.version = 14 : i64} {
  func.func @_sc_scatter(%arg0: i32, %arg1: i32, %arg2: memref<16x160x128xi32, #tpu.memory_space<hbm>>, %arg3: memref<16x160x128xi32, #tpu.memory_space<hbm>>, %arg4: memref<16x160x128xi32, #tpu.memory_space<hbm>>, %arg5: memref<20480x64xf32, #tpu.memory_space<hbm>>, %arg6: memref<128x64xf32, #tpu.memory_space<hbm>>, %arg7: memref<2x10240x64xf32, #tpu.memory_space<hbm>>, %arg8: memref<160x128xi32, #tpu.memory_space<vmem>>, %arg9: memref<160x128xi32, #tpu.memory_space<vmem>>, %arg10: memref<128x64xf32, #tpu.memory_space<vmem>>, %arg11: memref<128x64xf32, #tpu.memory_space<vmem>>, %arg12: memref<128x64xf32, #tpu.memory_space<vmem>>, %arg13: memref<10240x64xf32, #tpu.memory_space<vmem_shared>>, %arg14: memref<!tpu.dma_semaphore, #tpu.memory_space<semaphore_mem>>, %arg15: memref<!tpu.dma_semaphore, #tpu.memory_space<semaphore_mem>>) attributes {dimension_semantics = [#tpu.dimension_semantics<core_parallel>, #tpu.dimension_semantics<subcore_parallel>], iteration_bounds = array<i64: 2, 16>, scalar_prefetch = 0 : i64, scratch_operands = 8 : i64, tpu.core_type = #tpu.core_type<sc_vector_subcore>, window_params = [{transform_indices = #map}, {transform_indices = #map}, {transform_indices = #map}, {transform_indices = #map1}, {transform_indices = #map1}, {transform_indices = #map}]} {
    "tpu.region"() ({
      %run_scoped3A = tpu.sem_alloc : memref<!tpu.dma_semaphore, #tpu.memory_space<semaphore_mem>>
      tpu.enqueue_dma source(%arg6 : memref<128x64xf32, #tpu.memory_space<hbm>>) target(%arg12 : memref<128x64xf32, #tpu.memory_space<vmem>>) target_semaphore(%run_scoped3A : memref<!tpu.dma_semaphore, #tpu.memory_space<semaphore_mem>>)
      tpu.wait_dma2 semaphore(%run_scoped3A : memref<!tpu.dma_semaphore, #tpu.memory_space<semaphore_mem>>) src(%arg6 : memref<128x64xf32, #tpu.memory_space<hbm>>) dst(%arg12 : memref<128x64xf32, #tpu.memory_space<vmem>>)
      tpu.yield
    }) : () -> ()
    %mul3A = arith.constant 640 : i32
    %mul3A_0 = arith.muli %arg1, %mul3A : i32
    %add3A = arith.constant 0 : i32
    %add3A_1 = arith.addi %mul3A_0, %add3A : i32
    "tpu.region"() ({
      %run_scoped3A = tpu.sem_alloc : memref<!tpu.dma_semaphore, #tpu.memory_space<semaphore_mem>>
      %dma_start3A_41 = arith.constant 0 : i32
      %dma_start3A_42 = tpu.memref_slice %arg13[%add3A_1, %dma_start3A_41] : memref<10240x64xf32, #tpu.memory_space<vmem_shared>> -> memref<128x64xf32, #tpu.memory_space<vmem_shared>>
      %dma_start3A_43 = arith.constant 0 : i32
      %dma_start3A_44 = tpu.memref_slice %arg13[%add3A_1, %dma_start3A_43] : memref<10240x64xf32, #tpu.memory_space<vmem_shared>> -> memref<128x64xf32, #tpu.memory_space<vmem_shared>>
      tpu.enqueue_dma source(%arg12 : memref<128x64xf32, #tpu.memory_space<vmem>>) target(%dma_start3A_44 : memref<128x64xf32, #tpu.memory_space<vmem_shared>>) target_semaphore(%run_scoped3A : memref<!tpu.dma_semaphore, #tpu.memory_space<semaphore_mem>>)
      %dma_wait3A = arith.constant 0 : i32
      %dma_wait3A_45 = tpu.memref_slice %arg13[%add3A_1, %dma_wait3A] : memref<10240x64xf32, #tpu.memory_space<vmem_shared>> -> memref<128x64xf32, #tpu.memory_space<vmem_shared>>
      %dma_wait3A_46 = arith.constant 0 : i32
      %dma_wait3A_47 = tpu.memref_slice %arg13[%add3A_1, %dma_wait3A_46] : memref<10240x64xf32, #tpu.memory_space<vmem_shared>> -> memref<128x64xf32, #tpu.memory_space<vmem_shared>>
      tpu.wait_dma2 semaphore(%run_scoped3A : memref<!tpu.dma_semaphore, #tpu.memory_space<semaphore_mem>>) src(%arg12 : memref<128x64xf32, #tpu.memory_space<vmem>>) dst(%dma_wait3A_47 : memref<128x64xf32, #tpu.memory_space<vmem_shared>>)
      tpu.yield
    }) : () -> ()
    %mul3A_2 = arith.constant 640 : i32
    %mul3A_3 = arith.muli %arg1, %mul3A_2 : i32
    %add3A_4 = arith.constant 128 : i32
    %add3A_5 = arith.addi %mul3A_3, %add3A_4 : i32
    "tpu.region"() ({
      %run_scoped3A = tpu.sem_alloc : memref<!tpu.dma_semaphore, #tpu.memory_space<semaphore_mem>>
      %dma_start3A_41 = arith.constant 0 : i32
      %dma_start3A_42 = tpu.memref_slice %arg13[%add3A_5, %dma_start3A_41] : memref<10240x64xf32, #tpu.memory_space<vmem_shared>> -> memref<128x64xf32, #tpu.memory_space<vmem_shared>>
      %dma_start3A_43 = arith.constant 0 : i32
      %dma_start3A_44 = tpu.memref_slice %arg13[%add3A_5, %dma_start3A_43] : memref<10240x64xf32, #tpu.memory_space<vmem_shared>> -> memref<128x64xf32, #tpu.memory_space<vmem_shared>>
      tpu.enqueue_dma source(%arg12 : memref<128x64xf32, #tpu.memory_space<vmem>>) target(%dma_start3A_44 : memref<128x64xf32, #tpu.memory_space<vmem_shared>>) target_semaphore(%run_scoped3A : memref<!tpu.dma_semaphore, #tpu.memory_space<semaphore_mem>>)
      %dma_wait3A = arith.constant 0 : i32
      %dma_wait3A_45 = tpu.memref_slice %arg13[%add3A_5, %dma_wait3A] : memref<10240x64xf32, #tpu.memory_space<vmem_shared>> -> memref<128x64xf32, #tpu.memory_space<vmem_shared>>
      %dma_wait3A_46 = arith.constant 0 : i32
      %dma_wait3A_47 = tpu.memref_slice %arg13[%add3A_5, %dma_wait3A_46] : memref<10240x64xf32, #tpu.memory_space<vmem_shared>> -> memref<128x64xf32, #tpu.memory_space<vmem_shared>>
      tpu.wait_dma2 semaphore(%run_scoped3A : memref<!tpu.dma_semaphore, #tpu.memory_space<semaphore_mem>>) src(%arg12 : memref<128x64xf32, #tpu.memory_space<vmem>>) dst(%dma_wait3A_47 : memref<128x64xf32, #tpu.memory_space<vmem_shared>>)
      tpu.yield
    }) : () -> ()
    %mul3A_6 = arith.constant 640 : i32
    %mul3A_7 = arith.muli %arg1, %mul3A_6 : i32
    %add3A_8 = arith.constant 256 : i32
    %add3A_9 = arith.addi %mul3A_7, %add3A_8 : i32
    "tpu.region"() ({
      %run_scoped3A = tpu.sem_alloc : memref<!tpu.dma_semaphore, #tpu.memory_space<semaphore_mem>>
      %dma_start3A_41 = arith.constant 0 : i32
      %dma_start3A_42 = tpu.memref_slice %arg13[%add3A_9, %dma_start3A_41] : memref<10240x64xf32, #tpu.memory_space<vmem_shared>> -> memref<128x64xf32, #tpu.memory_space<vmem_shared>>
      %dma_start3A_43 = arith.constant 0 : i32
      %dma_start3A_44 = tpu.memref_slice %arg13[%add3A_9, %dma_start3A_43] : memref<10240x64xf32, #tpu.memory_space<vmem_shared>> -> memref<128x64xf32, #tpu.memory_space<vmem_shared>>
      tpu.enqueue_dma source(%arg12 : memref<128x64xf32, #tpu.memory_space<vmem>>) target(%dma_start3A_44 : memref<128x64xf32, #tpu.memory_space<vmem_shared>>) target_semaphore(%run_scoped3A : memref<!tpu.dma_semaphore, #tpu.memory_space<semaphore_mem>>)
      %dma_wait3A = arith.constant 0 : i32
      %dma_wait3A_45 = tpu.memref_slice %arg13[%add3A_9, %dma_wait3A] : memref<10240x64xf32, #tpu.memory_space<vmem_shared>> -> memref<128x64xf32, #tpu.memory_space<vmem_shared>>
      %dma_wait3A_46 = arith.constant 0 : i32
      %dma_wait3A_47 = tpu.memref_slice %arg13[%add3A_9, %dma_wait3A_46] : memref<10240x64xf32, #tpu.memory_space<vmem_shared>> -> memref<128x64xf32, #tpu.memory_space<vmem_shared>>
      tpu.wait_dma2 semaphore(%run_scoped3A : memref<!tpu.dma_semaphore, #tpu.memory_space<semaphore_mem>>) src(%arg12 : memref<128x64xf32, #tpu.memory_space<vmem>>) dst(%dma_wait3A_47 : memref<128x64xf32, #tpu.memory_space<vmem_shared>>)
      tpu.yield
    }) : () -> ()
    %mul3A_10 = arith.constant 640 : i32
    %mul3A_11 = arith.muli %arg1, %mul3A_10 : i32
    %add3A_12 = arith.constant 384 : i32
    %add3A_13 = arith.addi %mul3A_11, %add3A_12 : i32
    "tpu.region"() ({
      %run_scoped3A = tpu.sem_alloc : memref<!tpu.dma_semaphore, #tpu.memory_space<semaphore_mem>>
      %dma_start3A_41 = arith.constant 0 : i32
      %dma_start3A_42 = tpu.memref_slice %arg13[%add3A_13, %dma_start3A_41] : memref<10240x64xf32, #tpu.memory_space<vmem_shared>> -> memref<128x64xf32, #tpu.memory_space<vmem_shared>>
      %dma_start3A_43 = arith.constant 0 : i32
      %dma_start3A_44 = tpu.memref_slice %arg13[%add3A_13, %dma_start3A_43] : memref<10240x64xf32, #tpu.memory_space<vmem_shared>> -> memref<128x64xf32, #tpu.memory_space<vmem_shared>>
      tpu.enqueue_dma source(%arg12 : memref<128x64xf32, #tpu.memory_space<vmem>>) target(%dma_start3A_44 : memref<128x64xf32, #tpu.memory_space<vmem_shared>>) target_semaphore(%run_scoped3A : memref<!tpu.dma_semaphore, #tpu.memory_space<semaphore_mem>>)
      %dma_wait3A = arith.constant 0 : i32
      %dma_wait3A_45 = tpu.memref_slice %arg13[%add3A_13, %dma_wait3A] : memref<10240x64xf32, #tpu.memory_space<vmem_shared>> -> memref<128x64xf32, #tpu.memory_space<vmem_shared>>
      %dma_wait3A_46 = arith.constant 0 : i32
      %dma_wait3A_47 = tpu.memref_slice %arg13[%add3A_13, %dma_wait3A_46] : memref<10240x64xf32, #tpu.memory_space<vmem_shared>> -> memref<128x64xf32, #tpu.memory_space<vmem_shared>>
      tpu.wait_dma2 semaphore(%run_scoped3A : memref<!tpu.dma_semaphore, #tpu.memory_space<semaphore_mem>>) src(%arg12 : memref<128x64xf32, #tpu.memory_space<vmem>>) dst(%dma_wait3A_47 : memref<128x64xf32, #tpu.memory_space<vmem_shared>>)
      tpu.yield
    }) : () -> ()
    %mul3A_14 = arith.constant 640 : i32
    %mul3A_15 = arith.muli %arg1, %mul3A_14 : i32
    %add3A_16 = arith.constant 512 : i32
    %add3A_17 = arith.addi %mul3A_15, %add3A_16 : i32
    "tpu.region"() ({
      %run_scoped3A = tpu.sem_alloc : memref<!tpu.dma_semaphore, #tpu.memory_space<semaphore_mem>>
      %dma_start3A_41 = arith.constant 0 : i32
      %dma_start3A_42 = tpu.memref_slice %arg13[%add3A_17, %dma_start3A_41] : memref<10240x64xf32, #tpu.memory_space<vmem_shared>> -> memref<128x64xf32, #tpu.memory_space<vmem_shared>>
      %dma_start3A_43 = arith.constant 0 : i32
      %dma_start3A_44 = tpu.memref_slice %arg13[%add3A_17, %dma_start3A_43] : memref<10240x64xf32, #tpu.memory_space<vmem_shared>> -> memref<128x64xf32, #tpu.memory_space<vmem_shared>>
      tpu.enqueue_dma source(%arg12 : memref<128x64xf32, #tpu.memory_space<vmem>>) target(%dma_start3A_44 : memref<128x64xf32, #tpu.memory_space<vmem_shared>>) target_semaphore(%run_scoped3A : memref<!tpu.dma_semaphore, #tpu.memory_space<semaphore_mem>>)
      %dma_wait3A = arith.constant 0 : i32
      %dma_wait3A_45 = tpu.memref_slice %arg13[%add3A_17, %dma_wait3A] : memref<10240x64xf32, #tpu.memory_space<vmem_shared>> -> memref<128x64xf32, #tpu.memory_space<vmem_shared>>
      %dma_wait3A_46 = arith.constant 0 : i32
      %dma_wait3A_47 = tpu.memref_slice %arg13[%add3A_17, %dma_wait3A_46] : memref<10240x64xf32, #tpu.memory_space<vmem_shared>> -> memref<128x64xf32, #tpu.memory_space<vmem_shared>>
      tpu.wait_dma2 semaphore(%run_scoped3A : memref<!tpu.dma_semaphore, #tpu.memory_space<semaphore_mem>>) src(%arg12 : memref<128x64xf32, #tpu.memory_space<vmem>>) dst(%dma_wait3A_47 : memref<128x64xf32, #tpu.memory_space<vmem_shared>>)
      tpu.yield
    }) : () -> ()
    %eq3A = arith.constant 0 : i32
    %eq3A_18 = arith.cmpi eq, %arg0, %eq3A : i32
    %convert_element_type3A = arith.extui %eq3A_18 : i1 to i32
    %cond3A = arith.constant 0 : i32
    %cond3A_19 = arith.cmpi ne, %convert_element_type3A, %cond3A : i32
    scf.if %cond3A_19 {
      "tpu.region"() ({
        %run_scoped3A = tpu.sem_alloc : memref<!tpu.dma_semaphore, #tpu.memory_space<semaphore_mem>>
        %dma_start3A_41 = arith.constant 0 : i32
        %dma_start3A_42 = arith.constant 0 : i32
        %dma_start3A_43 = tpu.memref_slice %arg2[%arg1, %dma_start3A_41, %dma_start3A_42] : memref<16x160x128xi32, #tpu.memory_space<hbm>> -> memref<1x160x128xi32, #tpu.memory_space<hbm>>
        %dma_start3A_44 = tpu.memref_squeeze %dma_start3A_43 : memref<1x160x128xi32, #tpu.memory_space<hbm>> -> memref<160x128xi32, #tpu.memory_space<hbm>>
        %dma_start3A_45 = arith.constant 0 : i32
        %dma_start3A_46 = arith.constant 0 : i32
        %dma_start3A_47 = tpu.memref_slice %arg2[%arg1, %dma_start3A_45, %dma_start3A_46] : memref<16x160x128xi32, #tpu.memory_space<hbm>> -> memref<1x160x128xi32, #tpu.memory_space<hbm>>
        %dma_start3A_48 = tpu.memref_squeeze %dma_start3A_47 : memref<1x160x128xi32, #tpu.memory_space<hbm>> -> memref<160x128xi32, #tpu.memory_space<hbm>>
        tpu.enqueue_dma source(%dma_start3A_48 : memref<160x128xi32, #tpu.memory_space<hbm>>) target(%arg8 : memref<160x128xi32, #tpu.memory_space<vmem>>) target_semaphore(%run_scoped3A : memref<!tpu.dma_semaphore, #tpu.memory_space<semaphore_mem>>)
        %dma_wait3A = arith.constant 0 : i32
        %dma_wait3A_49 = arith.constant 0 : i32
        %dma_wait3A_50 = tpu.memref_slice %arg2[%arg1, %dma_wait3A, %dma_wait3A_49] : memref<16x160x128xi32, #tpu.memory_space<hbm>> -> memref<1x160x128xi32, #tpu.memory_space<hbm>>
        %dma_wait3A_51 = tpu.memref_squeeze %dma_wait3A_50 : memref<1x160x128xi32, #tpu.memory_space<hbm>> -> memref<160x128xi32, #tpu.memory_space<hbm>>
        %dma_wait3A_52 = arith.constant 0 : i32
        %dma_wait3A_53 = arith.constant 0 : i32
        %dma_wait3A_54 = tpu.memref_slice %arg2[%arg1, %dma_wait3A_52, %dma_wait3A_53] : memref<16x160x128xi32, #tpu.memory_space<hbm>> -> memref<1x160x128xi32, #tpu.memory_space<hbm>>
        %dma_wait3A_55 = tpu.memref_squeeze %dma_wait3A_54 : memref<1x160x128xi32, #tpu.memory_space<hbm>> -> memref<160x128xi32, #tpu.memory_space<hbm>>
        tpu.wait_dma2 semaphore(%run_scoped3A : memref<!tpu.dma_semaphore, #tpu.memory_space<semaphore_mem>>) src(%dma_wait3A_55 : memref<160x128xi32, #tpu.memory_space<hbm>>) dst(%arg8 : memref<160x128xi32, #tpu.memory_space<vmem>>)
        tpu.yield
      }) : () -> ()
    } else {
    }
    %eq3A_20 = arith.constant 1 : i32
    %eq3A_21 = arith.cmpi eq, %arg0, %eq3A_20 : i32
    %convert_element_type3A_22 = arith.extui %eq3A_21 : i1 to i32
    %cond3A_23 = arith.constant 0 : i32
    %cond3A_24 = arith.cmpi ne, %convert_element_type3A_22, %cond3A_23 : i32
    scf.if %cond3A_24 {
      "tpu.region"() ({
        %run_scoped3A = tpu.sem_alloc : memref<!tpu.dma_semaphore, #tpu.memory_space<semaphore_mem>>
        %dma_start3A_41 = arith.constant 0 : i32
        %dma_start3A_42 = arith.constant 0 : i32
        %dma_start3A_43 = tpu.memref_slice %arg3[%arg1, %dma_start3A_41, %dma_start3A_42] : memref<16x160x128xi32, #tpu.memory_space<hbm>> -> memref<1x160x128xi32, #tpu.memory_space<hbm>>
        %dma_start3A_44 = tpu.memref_squeeze %dma_start3A_43 : memref<1x160x128xi32, #tpu.memory_space<hbm>> -> memref<160x128xi32, #tpu.memory_space<hbm>>
        %dma_start3A_45 = arith.constant 0 : i32
        %dma_start3A_46 = arith.constant 0 : i32
        %dma_start3A_47 = tpu.memref_slice %arg3[%arg1, %dma_start3A_45, %dma_start3A_46] : memref<16x160x128xi32, #tpu.memory_space<hbm>> -> memref<1x160x128xi32, #tpu.memory_space<hbm>>
        %dma_start3A_48 = tpu.memref_squeeze %dma_start3A_47 : memref<1x160x128xi32, #tpu.memory_space<hbm>> -> memref<160x128xi32, #tpu.memory_space<hbm>>
        tpu.enqueue_dma source(%dma_start3A_48 : memref<160x128xi32, #tpu.memory_space<hbm>>) target(%arg8 : memref<160x128xi32, #tpu.memory_space<vmem>>) target_semaphore(%run_scoped3A : memref<!tpu.dma_semaphore, #tpu.memory_space<semaphore_mem>>)
        %dma_wait3A = arith.constant 0 : i32
        %dma_wait3A_49 = arith.constant 0 : i32
        %dma_wait3A_50 = tpu.memref_slice %arg3[%arg1, %dma_wait3A, %dma_wait3A_49] : memref<16x160x128xi32, #tpu.memory_space<hbm>> -> memref<1x160x128xi32, #tpu.memory_space<hbm>>
        %dma_wait3A_51 = tpu.memref_squeeze %dma_wait3A_50 : memref<1x160x128xi32, #tpu.memory_space<hbm>> -> memref<160x128xi32, #tpu.memory_space<hbm>>
        %dma_wait3A_52 = arith.constant 0 : i32
        %dma_wait3A_53 = arith.constant 0 : i32
        %dma_wait3A_54 = tpu.memref_slice %arg3[%arg1, %dma_wait3A_52, %dma_wait3A_53] : memref<16x160x128xi32, #tpu.memory_space<hbm>> -> memref<1x160x128xi32, #tpu.memory_space<hbm>>
        %dma_wait3A_55 = tpu.memref_squeeze %dma_wait3A_54 : memref<1x160x128xi32, #tpu.memory_space<hbm>> -> memref<160x128xi32, #tpu.memory_space<hbm>>
        tpu.wait_dma2 semaphore(%run_scoped3A : memref<!tpu.dma_semaphore, #tpu.memory_space<semaphore_mem>>) src(%dma_wait3A_55 : memref<160x128xi32, #tpu.memory_space<hbm>>) dst(%arg8 : memref<160x128xi32, #tpu.memory_space<vmem>>)
        tpu.yield
      }) : () -> ()
    } else {
    }
    "tpu.region"() ({
      %run_scoped3A = tpu.sem_alloc : memref<!tpu.dma_semaphore, #tpu.memory_space<semaphore_mem>>
      %dma_start3A_41 = arith.constant 0 : i32
      %dma_start3A_42 = arith.constant 0 : i32
      %dma_start3A_43 = tpu.memref_slice %arg4[%arg1, %dma_start3A_41, %dma_start3A_42] : memref<16x160x128xi32, #tpu.memory_space<hbm>> -> memref<1x160x128xi32, #tpu.memory_space<hbm>>
      %dma_start3A_44 = tpu.memref_squeeze %dma_start3A_43 : memref<1x160x128xi32, #tpu.memory_space<hbm>> -> memref<160x128xi32, #tpu.memory_space<hbm>>
      %dma_start3A_45 = arith.constant 0 : i32
      %dma_start3A_46 = arith.constant 0 : i32
      %dma_start3A_47 = tpu.memref_slice %arg4[%arg1, %dma_start3A_45, %dma_start3A_46] : memref<16x160x128xi32, #tpu.memory_space<hbm>> -> memref<1x160x128xi32, #tpu.memory_space<hbm>>
      %dma_start3A_48 = tpu.memref_squeeze %dma_start3A_47 : memref<1x160x128xi32, #tpu.memory_space<hbm>> -> memref<160x128xi32, #tpu.memory_space<hbm>>
      tpu.enqueue_dma source(%dma_start3A_48 : memref<160x128xi32, #tpu.memory_space<hbm>>) target(%arg9 : memref<160x128xi32, #tpu.memory_space<vmem>>) target_semaphore(%run_scoped3A : memref<!tpu.dma_semaphore, #tpu.memory_space<semaphore_mem>>)
      %dma_wait3A = arith.constant 0 : i32
      %dma_wait3A_49 = arith.constant 0 : i32
      %dma_wait3A_50 = tpu.memref_slice %arg4[%arg1, %dma_wait3A, %dma_wait3A_49] : memref<16x160x128xi32, #tpu.memory_space<hbm>> -> memref<1x160x128xi32, #tpu.memory_space<hbm>>
      %dma_wait3A_51 = tpu.memref_squeeze %dma_wait3A_50 : memref<1x160x128xi32, #tpu.memory_space<hbm>> -> memref<160x128xi32, #tpu.memory_space<hbm>>
      %dma_wait3A_52 = arith.constant 0 : i32
      %dma_wait3A_53 = arith.constant 0 : i32
      %dma_wait3A_54 = tpu.memref_slice %arg4[%arg1, %dma_wait3A_52, %dma_wait3A_53] : memref<16x160x128xi32, #tpu.memory_space<hbm>> -> memref<1x160x128xi32, #tpu.memory_space<hbm>>
      %dma_wait3A_55 = tpu.memref_squeeze %dma_wait3A_54 : memref<1x160x128xi32, #tpu.memory_space<hbm>> -> memref<160x128xi32, #tpu.memory_space<hbm>>
      tpu.wait_dma2 semaphore(%run_scoped3A : memref<!tpu.dma_semaphore, #tpu.memory_space<semaphore_mem>>) src(%dma_wait3A_55 : memref<160x128xi32, #tpu.memory_space<hbm>>) dst(%arg9 : memref<160x128xi32, #tpu.memory_space<vmem>>)
      tpu.yield
    }) : () -> ()
    %barrier3A = arith.constant 0 : index
    tpu.barrier barrier_id(%barrier3A)
    %dma_start3A = arith.constant 0 : i32
    %dma_start3A_25 = arith.constant 0 : i32
    %dma_start3A_26 = tpu.memref_slice %arg8[%dma_start3A, %dma_start3A_25] : memref<160x128xi32, #tpu.memory_space<vmem>> -> memref<1x128xi32, #tpu.memory_space<vmem>>
    %dma_start3A_27 = tpu.memref_squeeze %dma_start3A_26 : memref<1x128xi32, #tpu.memory_space<vmem>> -> memref<128xi32, #tpu.memory_space<vmem>>
    %dma_start3A_28 = arith.constant 0 : i32
    %dma_start3A_29 = arith.constant 0 : i32
    %dma_start3A_30 = tpu.memref_slice %arg5[%dma_start3A_28, %dma_start3A_29] : memref<20480x64xf32, #tpu.memory_space<hbm>> -> memref<20480x64xf32, #tpu.memory_space<hbm>>
    tpu.enqueue_indirect_dma source(%dma_start3A_30 : memref<20480x64xf32, #tpu.memory_space<hbm>>) target(%arg10 : memref<128x64xf32, #tpu.memory_space<vmem>>) offsets(%dma_start3A_27 : memref<128xi32, #tpu.memory_space<vmem>>) semaphore(%arg14 : memref<!tpu.dma_semaphore, #tpu.memory_space<semaphore_mem>>)
    %scan3A = arith.constant 0 : i32
    %scan3A_31 = arith.constant 0 : i32
    %scan3A_32 = arith.constant 80 : i32
    %scan3A_33 = arith.addi %scan3A_31, %scan3A_32 : i32
    %scan3A_34 = arith.constant 1 : i32
    scf.for %scan3A_41 = %scan3A_31 to %scan3A_33 step %scan3A_34  : i32 {
      %mul3A_42 = arith.constant 2 : i32
      %mul3A_43 = arith.muli %mul3A_42, %scan3A_41 : i32
      %add3A_44 = arith.constant 1 : i32
      %add3A_45 = arith.addi %mul3A_43, %add3A_44 : i32
      %dma_start3A_46 = arith.constant 0 : i32
      %dma_start3A_47 = tpu.memref_slice %arg8[%add3A_45, %dma_start3A_46] : memref<160x128xi32, #tpu.memory_space<vmem>> -> memref<1x128xi32, #tpu.memory_space<vmem>>
      %dma_start3A_48 = tpu.memref_squeeze %dma_start3A_47 : memref<1x128xi32, #tpu.memory_space<vmem>> -> memref<128xi32, #tpu.memory_space<vmem>>
      %dma_start3A_49 = arith.constant 0 : i32
      %dma_start3A_50 = arith.constant 0 : i32
      %dma_start3A_51 = tpu.memref_slice %arg5[%dma_start3A_49, %dma_start3A_50] : memref<20480x64xf32, #tpu.memory_space<hbm>> -> memref<20480x64xf32, #tpu.memory_space<hbm>>
      tpu.enqueue_indirect_dma source(%dma_start3A_51 : memref<20480x64xf32, #tpu.memory_space<hbm>>) target(%arg11 : memref<128x64xf32, #tpu.memory_space<vmem>>) offsets(%dma_start3A_48 : memref<128xi32, #tpu.memory_space<vmem>>) semaphore(%arg15 : memref<!tpu.dma_semaphore, #tpu.memory_space<semaphore_mem>>)
      %dma_wait3A = arith.constant 0 : i32
      %dma_wait3A_52 = arith.constant 0 : i32
      %dma_wait3A_53 = tpu.memref_slice %arg8[%dma_wait3A, %dma_wait3A_52] : memref<160x128xi32, #tpu.memory_space<vmem>> -> memref<1x128xi32, #tpu.memory_space<vmem>>
      %dma_wait3A_54 = tpu.memref_squeeze %dma_wait3A_53 : memref<1x128xi32, #tpu.memory_space<vmem>> -> memref<128xi32, #tpu.memory_space<vmem>>
      %dma_wait3A_55 = arith.constant 0 : i32
      %dma_wait3A_56 = arith.constant 0 : i32
      %dma_wait3A_57 = tpu.memref_slice %arg5[%dma_wait3A_55, %dma_wait3A_56] : memref<20480x64xf32, #tpu.memory_space<hbm>> -> memref<20480x64xf32, #tpu.memory_space<hbm>>
      tpu.wait_indirect_dma semaphore(%arg14 : memref<!tpu.dma_semaphore, #tpu.memory_space<semaphore_mem>>) src(%dma_wait3A_57 : memref<20480x64xf32, #tpu.memory_space<hbm>>) dst(%arg10 : memref<128x64xf32, #tpu.memory_space<vmem>>)
      "tpu.region"() ({
        %run_scoped3A = tpu.sem_alloc : memref<!tpu.dma_semaphore, #tpu.memory_space<semaphore_mem>>
        %dma_start3A_71 = arith.constant 0 : i32
        %dma_start3A_72 = tpu.memref_slice %arg9[%mul3A_43, %dma_start3A_71] : memref<160x128xi32, #tpu.memory_space<vmem>> -> memref<1x128xi32, #tpu.memory_space<vmem>>
        %dma_start3A_73 = tpu.memref_squeeze %dma_start3A_72 : memref<1x128xi32, #tpu.memory_space<vmem>> -> memref<128xi32, #tpu.memory_space<vmem>>
        %dma_start3A_74 = arith.constant 0 : i32
        %dma_start3A_75 = arith.constant 0 : i32
        %dma_start3A_76 = tpu.memref_slice %arg13[%dma_start3A_74, %dma_start3A_75] : memref<10240x64xf32, #tpu.memory_space<vmem_shared>> -> memref<10240x64xf32, #tpu.memory_space<vmem_shared>>
        tpu.enqueue_indirect_dma source(%arg10 : memref<128x64xf32, #tpu.memory_space<vmem>>) target(%dma_start3A_76 : memref<10240x64xf32, #tpu.memory_space<vmem_shared>>) offsets(%dma_start3A_73 : memref<128xi32, #tpu.memory_space<vmem>>) semaphore(%run_scoped3A : memref<!tpu.dma_semaphore, #tpu.memory_space<semaphore_mem>>) {add = true}
        %dma_wait3A_77 = arith.constant 0 : i32
        %dma_wait3A_78 = tpu.memref_slice %arg9[%mul3A_43, %dma_wait3A_77] : memref<160x128xi32, #tpu.memory_space<vmem>> -> memref<1x128xi32, #tpu.memory_space<vmem>>
        %dma_wait3A_79 = tpu.memref_squeeze %dma_wait3A_78 : memref<1x128xi32, #tpu.memory_space<vmem>> -> memref<128xi32, #tpu.memory_space<vmem>>
        %dma_wait3A_80 = arith.constant 0 : i32
        %dma_wait3A_81 = arith.constant 0 : i32
        %dma_wait3A_82 = tpu.memref_slice %arg13[%dma_wait3A_80, %dma_wait3A_81] : memref<10240x64xf32, #tpu.memory_space<vmem_shared>> -> memref<10240x64xf32, #tpu.memory_space<vmem_shared>>
        tpu.wait_indirect_dma semaphore(%run_scoped3A : memref<!tpu.dma_semaphore, #tpu.memory_space<semaphore_mem>>) src(%arg10 : memref<128x64xf32, #tpu.memory_space<vmem>>) dst(%dma_wait3A_82 : memref<10240x64xf32, #tpu.memory_space<vmem_shared>>)
        tpu.yield
      }) : () -> ()
      %lt3A = arith.constant 79 : i32
      %lt3A_58 = arith.cmpi slt, %scan3A_41, %lt3A : i32
      %convert_element_type3A_59 = arith.extui %lt3A_58 : i1 to i32
      %cond3A_60 = arith.constant 0 : i32
      %cond3A_61 = arith.cmpi ne, %convert_element_type3A_59, %cond3A_60 : i32
      scf.if %cond3A_61 {
        %add3A_71 = arith.constant 2 : i32
        %add3A_72 = arith.addi %mul3A_43, %add3A_71 : i32
        %dma_start3A_73 = arith.constant 0 : i32
        %dma_start3A_74 = tpu.memref_slice %arg8[%add3A_72, %dma_start3A_73] : memref<160x128xi32, #tpu.memory_space<vmem>> -> memref<1x128xi32, #tpu.memory_space<vmem>>
        %dma_start3A_75 = tpu.memref_squeeze %dma_start3A_74 : memref<1x128xi32, #tpu.memory_space<vmem>> -> memref<128xi32, #tpu.memory_space<vmem>>
        %dma_start3A_76 = arith.constant 0 : i32
        %dma_start3A_77 = arith.constant 0 : i32
        %dma_start3A_78 = tpu.memref_slice %arg5[%dma_start3A_76, %dma_start3A_77] : memref<20480x64xf32, #tpu.memory_space<hbm>> -> memref<20480x64xf32, #tpu.memory_space<hbm>>
        tpu.enqueue_indirect_dma source(%dma_start3A_78 : memref<20480x64xf32, #tpu.memory_space<hbm>>) target(%arg10 : memref<128x64xf32, #tpu.memory_space<vmem>>) offsets(%dma_start3A_75 : memref<128xi32, #tpu.memory_space<vmem>>) semaphore(%arg14 : memref<!tpu.dma_semaphore, #tpu.memory_space<semaphore_mem>>)
      } else {
      }
      %dma_wait3A_62 = arith.constant 0 : i32
      %dma_wait3A_63 = arith.constant 0 : i32
      %dma_wait3A_64 = tpu.memref_slice %arg8[%dma_wait3A_62, %dma_wait3A_63] : memref<160x128xi32, #tpu.memory_space<vmem>> -> memref<1x128xi32, #tpu.memory_space<vmem>>
      %dma_wait3A_65 = tpu.memref_squeeze %dma_wait3A_64 : memref<1x128xi32, #tpu.memory_space<vmem>> -> memref<128xi32, #tpu.memory_space<vmem>>
      %dma_wait3A_66 = arith.constant 0 : i32
      %dma_wait3A_67 = arith.constant 0 : i32
      %dma_wait3A_68 = tpu.memref_slice %arg5[%dma_wait3A_66, %dma_wait3A_67] : memref<20480x64xf32, #tpu.memory_space<hbm>> -> memref<20480x64xf32, #tpu.memory_space<hbm>>
      tpu.wait_indirect_dma semaphore(%arg15 : memref<!tpu.dma_semaphore, #tpu.memory_space<semaphore_mem>>) src(%dma_wait3A_68 : memref<20480x64xf32, #tpu.memory_space<hbm>>) dst(%arg11 : memref<128x64xf32, #tpu.memory_space<vmem>>)
      %add3A_69 = arith.constant 1 : i32
      %add3A_70 = arith.addi %mul3A_43, %add3A_69 : i32
      "tpu.region"() ({
        %run_scoped3A = tpu.sem_alloc : memref<!tpu.dma_semaphore, #tpu.memory_space<semaphore_mem>>
        %dma_start3A_71 = arith.constant 0 : i32
        %dma_start3A_72 = tpu.memref_slice %arg9[%add3A_70, %dma_start3A_71] : memref<160x128xi32, #tpu.memory_space<vmem>> -> memref<1x128xi32, #tpu.memory_space<vmem>>
        %dma_start3A_73 = tpu.memref_squeeze %dma_start3A_72 : memref<1x128xi32, #tpu.memory_space<vmem>> -> memref<128xi32, #tpu.memory_space<vmem>>
        %dma_start3A_74 = arith.constant 0 : i32
        %dma_start3A_75 = arith.constant 0 : i32
        %dma_start3A_76 = tpu.memref_slice %arg13[%dma_start3A_74, %dma_start3A_75] : memref<10240x64xf32, #tpu.memory_space<vmem_shared>> -> memref<10240x64xf32, #tpu.memory_space<vmem_shared>>
        tpu.enqueue_indirect_dma source(%arg11 : memref<128x64xf32, #tpu.memory_space<vmem>>) target(%dma_start3A_76 : memref<10240x64xf32, #tpu.memory_space<vmem_shared>>) offsets(%dma_start3A_73 : memref<128xi32, #tpu.memory_space<vmem>>) semaphore(%run_scoped3A : memref<!tpu.dma_semaphore, #tpu.memory_space<semaphore_mem>>) {add = true}
        %dma_wait3A_77 = arith.constant 0 : i32
        %dma_wait3A_78 = tpu.memref_slice %arg9[%add3A_70, %dma_wait3A_77] : memref<160x128xi32, #tpu.memory_space<vmem>> -> memref<1x128xi32, #tpu.memory_space<vmem>>
        %dma_wait3A_79 = tpu.memref_squeeze %dma_wait3A_78 : memref<1x128xi32, #tpu.memory_space<vmem>> -> memref<128xi32, #tpu.memory_space<vmem>>
        %dma_wait3A_80 = arith.constant 0 : i32
        %dma_wait3A_81 = arith.constant 0 : i32
        %dma_wait3A_82 = tpu.memref_slice %arg13[%dma_wait3A_80, %dma_wait3A_81] : memref<10240x64xf32, #tpu.memory_space<vmem_shared>> -> memref<10240x64xf32, #tpu.memory_space<vmem_shared>>
        tpu.wait_indirect_dma semaphore(%run_scoped3A : memref<!tpu.dma_semaphore, #tpu.memory_space<semaphore_mem>>) src(%arg11 : memref<128x64xf32, #tpu.memory_space<vmem>>) dst(%dma_wait3A_82 : memref<10240x64xf32, #tpu.memory_space<vmem_shared>>)
        tpu.yield
      }) : () -> ()
    }
    %scan3A_35 = arith.constant 80 : i32
    %barrier3A_36 = arith.constant 0 : index
    tpu.barrier barrier_id(%barrier3A_36)
    %mul3A_37 = arith.constant 640 : i32
    %mul3A_38 = arith.muli %arg1, %mul3A_37 : i32
    %mul3A_39 = arith.constant 640 : i32
    %mul3A_40 = arith.muli %arg1, %mul3A_39 : i32
    "tpu.region"() ({
      %run_scoped3A = tpu.sem_alloc : memref<!tpu.dma_semaphore, #tpu.memory_space<semaphore_mem>>
      %dma_start3A_41 = arith.constant 0 : i32
      %dma_start3A_42 = tpu.memref_slice %arg7[%arg0, %mul3A_40, %dma_start3A_41] : memref<2x10240x64xf32, #tpu.memory_space<hbm>> -> memref<1x640x64xf32, #tpu.memory_space<hbm>>
      %dma_start3A_43 = tpu.memref_squeeze %dma_start3A_42 : memref<1x640x64xf32, #tpu.memory_space<hbm>> -> memref<640x64xf32, #tpu.memory_space<hbm>>
      %dma_start3A_44 = arith.constant 0 : i32
      %dma_start3A_45 = tpu.memref_slice %arg13[%mul3A_38, %dma_start3A_44] : memref<10240x64xf32, #tpu.memory_space<vmem_shared>> -> memref<640x64xf32, #tpu.memory_space<vmem_shared>>
      tpu.enqueue_dma source(%dma_start3A_45 : memref<640x64xf32, #tpu.memory_space<vmem_shared>>) target(%dma_start3A_43 : memref<640x64xf32, #tpu.memory_space<hbm>>) target_semaphore(%run_scoped3A : memref<!tpu.dma_semaphore, #tpu.memory_space<semaphore_mem>>)
      %dma_wait3A = arith.constant 0 : i32
      %dma_wait3A_46 = tpu.memref_slice %arg7[%arg0, %mul3A_40, %dma_wait3A] : memref<2x10240x64xf32, #tpu.memory_space<hbm>> -> memref<1x640x64xf32, #tpu.memory_space<hbm>>
      %dma_wait3A_47 = tpu.memref_squeeze %dma_wait3A_46 : memref<1x640x64xf32, #tpu.memory_space<hbm>> -> memref<640x64xf32, #tpu.memory_space<hbm>>
      %dma_wait3A_48 = arith.constant 0 : i32
      %dma_wait3A_49 = tpu.memref_slice %arg13[%mul3A_38, %dma_wait3A_48] : memref<10240x64xf32, #tpu.memory_space<vmem_shared>> -> memref<640x64xf32, #tpu.memory_space<vmem_shared>>
      tpu.wait_dma2 semaphore(%run_scoped3A : memref<!tpu.dma_semaphore, #tpu.memory_space<semaphore_mem>>) src(%dma_wait3A_49 : memref<640x64xf32, #tpu.memory_space<vmem_shared>>) dst(%dma_wait3A_47 : memref<640x64xf32, #tpu.memory_space<hbm>>)
      tpu.yield
    }) : () -> ()
    return
  }
}

#map = affine_map<(d0, d1) -> (0, 0, 0)>
#map1 = affine_map<(d0, d1) -> (0, 0)>
module attributes {stable_mosaic.version = 14 : i64} {
  func.func @_sc_scatter(%arg0: i32, %arg1: i32, %arg2: memref<16x160x128xi32, #tpu.memory_space<hbm>>, %arg3: memref<16x160x128xi32, #tpu.memory_space<hbm>>, %arg4: memref<16x160x128xi32, #tpu.memory_space<hbm>>, %arg5: memref<20480x64xf32, #tpu.memory_space<hbm>>, %arg6: memref<128x64xf32, #tpu.memory_space<hbm>>, %arg7: memref<2x10240x64xf32, #tpu.memory_space<hbm>>, %arg8: memref<160x128xi32, #tpu.memory_space<vmem>>, %arg9: memref<160x128xi32, #tpu.memory_space<vmem>>, %arg10: memref<128x64xf32, #tpu.memory_space<vmem>>, %arg11: memref<128x64xf32, #tpu.memory_space<vmem>>, %arg12: memref<128x64xf32, #tpu.memory_space<vmem>>, %arg13: memref<10240x64xf32, #tpu.memory_space<vmem_shared>>, %arg14: memref<!tpu.dma_semaphore, #tpu.memory_space<semaphore_mem>>, %arg15: memref<!tpu.dma_semaphore, #tpu.memory_space<semaphore_mem>>) attributes {dimension_semantics = [#tpu.dimension_semantics<core_parallel>, #tpu.dimension_semantics<subcore_parallel>], iteration_bounds = array<i64: 2, 16>, scalar_prefetch = 0 : i64, scratch_operands = 8 : i64, tpu.core_type = #tpu.core_type<sc_vector_subcore>, window_params = [{transform_indices = #map}, {transform_indices = #map}, {transform_indices = #map}, {transform_indices = #map1}, {transform_indices = #map1}, {transform_indices = #map}]} {
    "tpu.region"() ({
      %run_scoped3A = tpu.sem_alloc : memref<!tpu.dma_semaphore, #tpu.memory_space<semaphore_mem>>
      tpu.enqueue_dma source(%arg6 : memref<128x64xf32, #tpu.memory_space<hbm>>) target(%arg12 : memref<128x64xf32, #tpu.memory_space<vmem>>) target_semaphore(%run_scoped3A : memref<!tpu.dma_semaphore, #tpu.memory_space<semaphore_mem>>)
      tpu.wait_dma2 semaphore(%run_scoped3A : memref<!tpu.dma_semaphore, #tpu.memory_space<semaphore_mem>>) src(%arg6 : memref<128x64xf32, #tpu.memory_space<hbm>>) dst(%arg12 : memref<128x64xf32, #tpu.memory_space<vmem>>)
      tpu.yield
    }) : () -> ()
    %mul3A = arith.constant 640 : i32
    %mul3A_0 = arith.muli %arg1, %mul3A : i32
    %add3A = arith.constant 0 : i32
    %add3A_1 = arith.addi %mul3A_0, %add3A : i32
    "tpu.region"() ({
      %run_scoped3A = tpu.sem_alloc : memref<!tpu.dma_semaphore, #tpu.memory_space<semaphore_mem>>
      %dma_start3A_41 = arith.constant 0 : i32
      %dma_start3A_42 = tpu.memref_slice %arg13[%add3A_1, %dma_start3A_41] : memref<10240x64xf32, #tpu.memory_space<vmem_shared>> -> memref<128x64xf32, #tpu.memory_space<vmem_shared>>
      %dma_start3A_43 = arith.constant 0 : i32
      %dma_start3A_44 = tpu.memref_slice %arg13[%add3A_1, %dma_start3A_43] : memref<10240x64xf32, #tpu.memory_space<vmem_shared>> -> memref<128x64xf32, #tpu.memory_space<vmem_shared>>
      tpu.enqueue_dma source(%arg12 : memref<128x64xf32, #tpu.memory_space<vmem>>) target(%dma_start3A_44 : memref<128x64xf32, #tpu.memory_space<vmem_shared>>) target_semaphore(%run_scoped3A : memref<!tpu.dma_semaphore, #tpu.memory_space<semaphore_mem>>)
      %dma_wait3A = arith.constant 0 : i32
      %dma_wait3A_45 = tpu.memref_slice %arg13[%add3A_1, %dma_wait3A] : memref<10240x64xf32, #tpu.memory_space<vmem_shared>> -> memref<128x64xf32, #tpu.memory_space<vmem_shared>>
      %dma_wait3A_46 = arith.constant 0 : i32
      %dma_wait3A_47 = tpu.memref_slice %arg13[%add3A_1, %dma_wait3A_46] : memref<10240x64xf32, #tpu.memory_space<vmem_shared>> -> memref<128x64xf32, #tpu.memory_space<vmem_shared>>
      tpu.wait_dma2 semaphore(%run_scoped3A : memref<!tpu.dma_semaphore, #tpu.memory_space<semaphore_mem>>) src(%arg12 : memref<128x64xf32, #tpu.memory_space<vmem>>) dst(%dma_wait3A_47 : memref<128x64xf32, #tpu.memory_space<vmem_shared>>)
      tpu.yield
    }) : () -> ()
    %mul3A_2 = arith.constant 640 : i32
    %mul3A_3 = arith.muli %arg1, %mul3A_2 : i32
    %add3A_4 = arith.constant 128 : i32
    %add3A_5 = arith.addi %mul3A_3, %add3A_4 : i32
    "tpu.region"() ({
      %run_scoped3A = tpu.sem_alloc : memref<!tpu.dma_semaphore, #tpu.memory_space<semaphore_mem>>
      %dma_start3A_41 = arith.constant 0 : i32
      %dma_start3A_42 = tpu.memref_slice %arg13[%add3A_5, %dma_start3A_41] : memref<10240x64xf32, #tpu.memory_space<vmem_shared>> -> memref<128x64xf32, #tpu.memory_space<vmem_shared>>
      %dma_start3A_43 = arith.constant 0 : i32
      %dma_start3A_44 = tpu.memref_slice %arg13[%add3A_5, %dma_start3A_43] : memref<10240x64xf32, #tpu.memory_space<vmem_shared>> -> memref<128x64xf32, #tpu.memory_space<vmem_shared>>
      tpu.enqueue_dma source(%arg12 : memref<128x64xf32, #tpu.memory_space<vmem>>) target(%dma_start3A_44 : memref<128x64xf32, #tpu.memory_space<vmem_shared>>) target_semaphore(%run_scoped3A : memref<!tpu.dma_semaphore, #tpu.memory_space<semaphore_mem>>)
      %dma_wait3A = arith.constant 0 : i32
      %dma_wait3A_45 = tpu.memref_slice %arg13[%add3A_5, %dma_wait3A] : memref<10240x64xf32, #tpu.memory_space<vmem_shared>> -> memref<128x64xf32, #tpu.memory_space<vmem_shared>>
      %dma_wait3A_46 = arith.constant 0 : i32
      %dma_wait3A_47 = tpu.memref_slice %arg13[%add3A_5, %dma_wait3A_46] : memref<10240x64xf32, #tpu.memory_space<vmem_shared>> -> memref<128x64xf32, #tpu.memory_space<vmem_shared>>
      tpu.wait_dma2 semaphore(%run_scoped3A : memref<!tpu.dma_semaphore, #tpu.memory_space<semaphore_mem>>) src(%arg12 : memref<128x64xf32, #tpu.memory_space<vmem>>) dst(%dma_wait3A_47 : memref<128x64xf32, #tpu.memory_space<vmem_shared>>)
      tpu.yield
    }) : () -> ()
    %mul3A_6 = arith.constant 640 : i32
    %mul3A_7 = arith.muli %arg1, %mul3A_6 : i32
    %add3A_8 = arith.constant 256 : i32
    %add3A_9 = arith.addi %mul3A_7, %add3A_8 : i32
    "tpu.region"() ({
      %run_scoped3A = tpu.sem_alloc : memref<!tpu.dma_semaphore, #tpu.memory_space<semaphore_mem>>
      %dma_start3A_41 = arith.constant 0 : i32
      %dma_start3A_42 = tpu.memref_slice %arg13[%add3A_9, %dma_start3A_41] : memref<10240x64xf32, #tpu.memory_space<vmem_shared>> -> memref<128x64xf32, #tpu.memory_space<vmem_shared>>
      %dma_start3A_43 = arith.constant 0 : i32
      %dma_start3A_44 = tpu.memref_slice %arg13[%add3A_9, %dma_start3A_43] : memref<10240x64xf32, #tpu.memory_space<vmem_shared>> -> memref<128x64xf32, #tpu.memory_space<vmem_shared>>
      tpu.enqueue_dma source(%arg12 : memref<128x64xf32, #tpu.memory_space<vmem>>) target(%dma_start3A_44 : memref<128x64xf32, #tpu.memory_space<vmem_shared>>) target_semaphore(%run_scoped3A : memref<!tpu.dma_semaphore, #tpu.memory_space<semaphore_mem>>)
      %dma_wait3A = arith.constant 0 : i32
      %dma_wait3A_45 = tpu.memref_slice %arg13[%add3A_9, %dma_wait3A] : memref<10240x64xf32, #tpu.memory_space<vmem_shared>> -> memref<128x64xf32, #tpu.memory_space<vmem_shared>>
      %dma_wait3A_46 = arith.constant 0 : i32
      %dma_wait3A_47 = tpu.memref_slice %arg13[%add3A_9, %dma_wait3A_46] : memref<10240x64xf32, #tpu.memory_space<vmem_shared>> -> memref<128x64xf32, #tpu.memory_space<vmem_shared>>
      tpu.wait_dma2 semaphore(%run_scoped3A : memref<!tpu.dma_semaphore, #tpu.memory_space<semaphore_mem>>) src(%arg12 : memref<128x64xf32, #tpu.memory_space<vmem>>) dst(%dma_wait3A_47 : memref<128x64xf32, #tpu.memory_space<vmem_shared>>)
      tpu.yield
    }) : () -> ()
    %mul3A_10 = arith.constant 640 : i32
    %mul3A_11 = arith.muli %arg1, %mul3A_10 : i32
    %add3A_12 = arith.constant 384 : i32
    %add3A_13 = arith.addi %mul3A_11, %add3A_12 : i32
    "tpu.region"() ({
      %run_scoped3A = tpu.sem_alloc : memref<!tpu.dma_semaphore, #tpu.memory_space<semaphore_mem>>
      %dma_start3A_41 = arith.constant 0 : i32
      %dma_start3A_42 = tpu.memref_slice %arg13[%add3A_13, %dma_start3A_41] : memref<10240x64xf32, #tpu.memory_space<vmem_shared>> -> memref<128x64xf32, #tpu.memory_space<vmem_shared>>
      %dma_start3A_43 = arith.constant 0 : i32
      %dma_start3A_44 = tpu.memref_slice %arg13[%add3A_13, %dma_start3A_43] : memref<10240x64xf32, #tpu.memory_space<vmem_shared>> -> memref<128x64xf32, #tpu.memory_space<vmem_shared>>
      tpu.enqueue_dma source(%arg12 : memref<128x64xf32, #tpu.memory_space<vmem>>) target(%dma_start3A_44 : memref<128x64xf32, #tpu.memory_space<vmem_shared>>) target_semaphore(%run_scoped3A : memref<!tpu.dma_semaphore, #tpu.memory_space<semaphore_mem>>)
      %dma_wait3A = arith.constant 0 : i32
      %dma_wait3A_45 = tpu.memref_slice %arg13[%add3A_13, %dma_wait3A] : memref<10240x64xf32, #tpu.memory_space<vmem_shared>> -> memref<128x64xf32, #tpu.memory_space<vmem_shared>>
      %dma_wait3A_46 = arith.constant 0 : i32
      %dma_wait3A_47 = tpu.memref_slice %arg13[%add3A_13, %dma_wait3A_46] : memref<10240x64xf32, #tpu.memory_space<vmem_shared>> -> memref<128x64xf32, #tpu.memory_space<vmem_shared>>
      tpu.wait_dma2 semaphore(%run_scoped3A : memref<!tpu.dma_semaphore, #tpu.memory_space<semaphore_mem>>) src(%arg12 : memref<128x64xf32, #tpu.memory_space<vmem>>) dst(%dma_wait3A_47 : memref<128x64xf32, #tpu.memory_space<vmem_shared>>)
      tpu.yield
    }) : () -> ()
    %mul3A_14 = arith.constant 640 : i32
    %mul3A_15 = arith.muli %arg1, %mul3A_14 : i32
    %add3A_16 = arith.constant 512 : i32
    %add3A_17 = arith.addi %mul3A_15, %add3A_16 : i32
    "tpu.region"() ({
      %run_scoped3A = tpu.sem_alloc : memref<!tpu.dma_semaphore, #tpu.memory_space<semaphore_mem>>
      %dma_start3A_41 = arith.constant 0 : i32
      %dma_start3A_42 = tpu.memref_slice %arg13[%add3A_17, %dma_start3A_41] : memref<10240x64xf32, #tpu.memory_space<vmem_shared>> -> memref<128x64xf32, #tpu.memory_space<vmem_shared>>
      %dma_start3A_43 = arith.constant 0 : i32
      %dma_start3A_44 = tpu.memref_slice %arg13[%add3A_17, %dma_start3A_43] : memref<10240x64xf32, #tpu.memory_space<vmem_shared>> -> memref<128x64xf32, #tpu.memory_space<vmem_shared>>
      tpu.enqueue_dma source(%arg12 : memref<128x64xf32, #tpu.memory_space<vmem>>) target(%dma_start3A_44 : memref<128x64xf32, #tpu.memory_space<vmem_shared>>) target_semaphore(%run_scoped3A : memref<!tpu.dma_semaphore, #tpu.memory_space<semaphore_mem>>)
      %dma_wait3A = arith.constant 0 : i32
      %dma_wait3A_45 = tpu.memref_slice %arg13[%add3A_17, %dma_wait3A] : memref<10240x64xf32, #tpu.memory_space<vmem_shared>> -> memref<128x64xf32, #tpu.memory_space<vmem_shared>>
      %dma_wait3A_46 = arith.constant 0 : i32
      %dma_wait3A_47 = tpu.memref_slice %arg13[%add3A_17, %dma_wait3A_46] : memref<10240x64xf32, #tpu.memory_space<vmem_shared>> -> memref<128x64xf32, #tpu.memory_space<vmem_shared>>
      tpu.wait_dma2 semaphore(%run_scoped3A : memref<!tpu.dma_semaphore, #tpu.memory_space<semaphore_mem>>) src(%arg12 : memref<128x64xf32, #tpu.memory_space<vmem>>) dst(%dma_wait3A_47 : memref<128x64xf32, #tpu.memory_space<vmem_shared>>)
      tpu.yield
    }) : () -> ()
    %eq3A = arith.constant 0 : i32
    %eq3A_18 = arith.cmpi eq, %arg0, %eq3A : i32
    %convert_element_type3A = arith.extui %eq3A_18 : i1 to i32
    %cond3A = arith.constant 0 : i32
    %cond3A_19 = arith.cmpi ne, %convert_element_type3A, %cond3A : i32
    scf.if %cond3A_19 {
      "tpu.region"() ({
        %run_scoped3A = tpu.sem_alloc : memref<!tpu.dma_semaphore, #tpu.memory_space<semaphore_mem>>
        %dma_start3A_41 = arith.constant 0 : i32
        %dma_start3A_42 = arith.constant 0 : i32
        %dma_start3A_43 = tpu.memref_slice %arg2[%arg1, %dma_start3A_41, %dma_start3A_42] : memref<16x160x128xi32, #tpu.memory_space<hbm>> -> memref<1x160x128xi32, #tpu.memory_space<hbm>>
        %dma_start3A_44 = tpu.memref_squeeze %dma_start3A_43 : memref<1x160x128xi32, #tpu.memory_space<hbm>> -> memref<160x128xi32, #tpu.memory_space<hbm>>
        %dma_start3A_45 = arith.constant 0 : i32
        %dma_start3A_46 = arith.constant 0 : i32
        %dma_start3A_47 = tpu.memref_slice %arg2[%arg1, %dma_start3A_45, %dma_start3A_46] : memref<16x160x128xi32, #tpu.memory_space<hbm>> -> memref<1x160x128xi32, #tpu.memory_space<hbm>>
        %dma_start3A_48 = tpu.memref_squeeze %dma_start3A_47 : memref<1x160x128xi32, #tpu.memory_space<hbm>> -> memref<160x128xi32, #tpu.memory_space<hbm>>
        tpu.enqueue_dma source(%dma_start3A_48 : memref<160x128xi32, #tpu.memory_space<hbm>>) target(%arg8 : memref<160x128xi32, #tpu.memory_space<vmem>>) target_semaphore(%run_scoped3A : memref<!tpu.dma_semaphore, #tpu.memory_space<semaphore_mem>>)
        %dma_wait3A = arith.constant 0 : i32
        %dma_wait3A_49 = arith.constant 0 : i32
        %dma_wait3A_50 = tpu.memref_slice %arg2[%arg1, %dma_wait3A, %dma_wait3A_49] : memref<16x160x128xi32, #tpu.memory_space<hbm>> -> memref<1x160x128xi32, #tpu.memory_space<hbm>>
        %dma_wait3A_51 = tpu.memref_squeeze %dma_wait3A_50 : memref<1x160x128xi32, #tpu.memory_space<hbm>> -> memref<160x128xi32, #tpu.memory_space<hbm>>
        %dma_wait3A_52 = arith.constant 0 : i32
        %dma_wait3A_53 = arith.constant 0 : i32
        %dma_wait3A_54 = tpu.memref_slice %arg2[%arg1, %dma_wait3A_52, %dma_wait3A_53] : memref<16x160x128xi32, #tpu.memory_space<hbm>> -> memref<1x160x128xi32, #tpu.memory_space<hbm>>
        %dma_wait3A_55 = tpu.memref_squeeze %dma_wait3A_54 : memref<1x160x128xi32, #tpu.memory_space<hbm>> -> memref<160x128xi32, #tpu.memory_space<hbm>>
        tpu.wait_dma2 semaphore(%run_scoped3A : memref<!tpu.dma_semaphore, #tpu.memory_space<semaphore_mem>>) src(%dma_wait3A_55 : memref<160x128xi32, #tpu.memory_space<hbm>>) dst(%arg8 : memref<160x128xi32, #tpu.memory_space<vmem>>)
        tpu.yield
      }) : () -> ()
    } else {
    }
    %eq3A_20 = arith.constant 1 : i32
    %eq3A_21 = arith.cmpi eq, %arg0, %eq3A_20 : i32
    %convert_element_type3A_22 = arith.extui %eq3A_21 : i1 to i32
    %cond3A_23 = arith.constant 0 : i32
    %cond3A_24 = arith.cmpi ne, %convert_element_type3A_22, %cond3A_23 : i32
    scf.if %cond3A_24 {
      "tpu.region"() ({
        %run_scoped3A = tpu.sem_alloc : memref<!tpu.dma_semaphore, #tpu.memory_space<semaphore_mem>>
        %dma_start3A_41 = arith.constant 0 : i32
        %dma_start3A_42 = arith.constant 0 : i32
        %dma_start3A_43 = tpu.memref_slice %arg3[%arg1, %dma_start3A_41, %dma_start3A_42] : memref<16x160x128xi32, #tpu.memory_space<hbm>> -> memref<1x160x128xi32, #tpu.memory_space<hbm>>
        %dma_start3A_44 = tpu.memref_squeeze %dma_start3A_43 : memref<1x160x128xi32, #tpu.memory_space<hbm>> -> memref<160x128xi32, #tpu.memory_space<hbm>>
        %dma_start3A_45 = arith.constant 0 : i32
        %dma_start3A_46 = arith.constant 0 : i32
        %dma_start3A_47 = tpu.memref_slice %arg3[%arg1, %dma_start3A_45, %dma_start3A_46] : memref<16x160x128xi32, #tpu.memory_space<hbm>> -> memref<1x160x128xi32, #tpu.memory_space<hbm>>
        %dma_start3A_48 = tpu.memref_squeeze %dma_start3A_47 : memref<1x160x128xi32, #tpu.memory_space<hbm>> -> memref<160x128xi32, #tpu.memory_space<hbm>>
        tpu.enqueue_dma source(%dma_start3A_48 : memref<160x128xi32, #tpu.memory_space<hbm>>) target(%arg8 : memref<160x128xi32, #tpu.memory_space<vmem>>) target_semaphore(%run_scoped3A : memref<!tpu.dma_semaphore, #tpu.memory_space<semaphore_mem>>)
        %dma_wait3A = arith.constant 0 : i32
        %dma_wait3A_49 = arith.constant 0 : i32
        %dma_wait3A_50 = tpu.memref_slice %arg3[%arg1, %dma_wait3A, %dma_wait3A_49] : memref<16x160x128xi32, #tpu.memory_space<hbm>> -> memref<1x160x128xi32, #tpu.memory_space<hbm>>
        %dma_wait3A_51 = tpu.memref_squeeze %dma_wait3A_50 : memref<1x160x128xi32, #tpu.memory_space<hbm>> -> memref<160x128xi32, #tpu.memory_space<hbm>>
        %dma_wait3A_52 = arith.constant 0 : i32
        %dma_wait3A_53 = arith.constant 0 : i32
        %dma_wait3A_54 = tpu.memref_slice %arg3[%arg1, %dma_wait3A_52, %dma_wait3A_53] : memref<16x160x128xi32, #tpu.memory_space<hbm>> -> memref<1x160x128xi32, #tpu.memory_space<hbm>>
        %dma_wait3A_55 = tpu.memref_squeeze %dma_wait3A_54 : memref<1x160x128xi32, #tpu.memory_space<hbm>> -> memref<160x128xi32, #tpu.memory_space<hbm>>
        tpu.wait_dma2 semaphore(%run_scoped3A : memref<!tpu.dma_semaphore, #tpu.memory_space<semaphore_mem>>) src(%dma_wait3A_55 : memref<160x128xi32, #tpu.memory_space<hbm>>) dst(%arg8 : memref<160x128xi32, #tpu.memory_space<vmem>>)
        tpu.yield
      }) : () -> ()
    } else {
    }
    "tpu.region"() ({
      %run_scoped3A = tpu.sem_alloc : memref<!tpu.dma_semaphore, #tpu.memory_space<semaphore_mem>>
      %dma_start3A_41 = arith.constant 0 : i32
      %dma_start3A_42 = arith.constant 0 : i32
      %dma_start3A_43 = tpu.memref_slice %arg4[%arg1, %dma_start3A_41, %dma_start3A_42] : memref<16x160x128xi32, #tpu.memory_space<hbm>> -> memref<1x160x128xi32, #tpu.memory_space<hbm>>
      %dma_start3A_44 = tpu.memref_squeeze %dma_start3A_43 : memref<1x160x128xi32, #tpu.memory_space<hbm>> -> memref<160x128xi32, #tpu.memory_space<hbm>>
      %dma_start3A_45 = arith.constant 0 : i32
      %dma_start3A_46 = arith.constant 0 : i32
      %dma_start3A_47 = tpu.memref_slice %arg4[%arg1, %dma_start3A_45, %dma_start3A_46] : memref<16x160x128xi32, #tpu.memory_space<hbm>> -> memref<1x160x128xi32, #tpu.memory_space<hbm>>
      %dma_start3A_48 = tpu.memref_squeeze %dma_start3A_47 : memref<1x160x128xi32, #tpu.memory_space<hbm>> -> memref<160x128xi32, #tpu.memory_space<hbm>>
      tpu.enqueue_dma source(%dma_start3A_48 : memref<160x128xi32, #tpu.memory_space<hbm>>) target(%arg9 : memref<160x128xi32, #tpu.memory_space<vmem>>) target_semaphore(%run_scoped3A : memref<!tpu.dma_semaphore, #tpu.memory_space<semaphore_mem>>)
      %dma_wait3A = arith.constant 0 : i32
      %dma_wait3A_49 = arith.constant 0 : i32
      %dma_wait3A_50 = tpu.memref_slice %arg4[%arg1, %dma_wait3A, %dma_wait3A_49] : memref<16x160x128xi32, #tpu.memory_space<hbm>> -> memref<1x160x128xi32, #tpu.memory_space<hbm>>
      %dma_wait3A_51 = tpu.memref_squeeze %dma_wait3A_50 : memref<1x160x128xi32, #tpu.memory_space<hbm>> -> memref<160x128xi32, #tpu.memory_space<hbm>>
      %dma_wait3A_52 = arith.constant 0 : i32
      %dma_wait3A_53 = arith.constant 0 : i32
      %dma_wait3A_54 = tpu.memref_slice %arg4[%arg1, %dma_wait3A_52, %dma_wait3A_53] : memref<16x160x128xi32, #tpu.memory_space<hbm>> -> memref<1x160x128xi32, #tpu.memory_space<hbm>>
      %dma_wait3A_55 = tpu.memref_squeeze %dma_wait3A_54 : memref<1x160x128xi32, #tpu.memory_space<hbm>> -> memref<160x128xi32, #tpu.memory_space<hbm>>
      tpu.wait_dma2 semaphore(%run_scoped3A : memref<!tpu.dma_semaphore, #tpu.memory_space<semaphore_mem>>) src(%dma_wait3A_55 : memref<160x128xi32, #tpu.memory_space<hbm>>) dst(%arg9 : memref<160x128xi32, #tpu.memory_space<vmem>>)
      tpu.yield
    }) : () -> ()
    %barrier3A = arith.constant 0 : index
    tpu.barrier barrier_id(%barrier3A)
    %dma_start3A = arith.constant 0 : i32
    %dma_start3A_25 = arith.constant 0 : i32
    %dma_start3A_26 = tpu.memref_slice %arg8[%dma_start3A, %dma_start3A_25] : memref<160x128xi32, #tpu.memory_space<vmem>> -> memref<1x128xi32, #tpu.memory_space<vmem>>
    %dma_start3A_27 = tpu.memref_squeeze %dma_start3A_26 : memref<1x128xi32, #tpu.memory_space<vmem>> -> memref<128xi32, #tpu.memory_space<vmem>>
    %dma_start3A_28 = arith.constant 0 : i32
    %dma_start3A_29 = arith.constant 0 : i32
    %dma_start3A_30 = tpu.memref_slice %arg5[%dma_start3A_28, %dma_start3A_29] : memref<20480x64xf32, #tpu.memory_space<hbm>> -> memref<20480x64xf32, #tpu.memory_space<hbm>>
    tpu.enqueue_indirect_dma source(%dma_start3A_30 : memref<20480x64xf32, #tpu.memory_space<hbm>>) target(%arg10 : memref<128x64xf32, #tpu.memory_space<vmem>>) offsets(%dma_start3A_27 : memref<128xi32, #tpu.memory_space<vmem>>) semaphore(%arg14 : memref<!tpu.dma_semaphore, #tpu.memory_space<semaphore_mem>>)
    %scan3A = arith.constant 0 : i32
    %scan3A_31 = arith.constant 0 : i32
    %scan3A_32 = arith.constant 80 : i32
    %scan3A_33 = arith.addi %scan3A_31, %scan3A_32 : i32
    %scan3A_34 = arith.constant 1 : i32
    scf.for %scan3A_41 = %scan3A_31 to %scan3A_33 step %scan3A_34  : i32 {
      %mul3A_42 = arith.constant 2 : i32
      %mul3A_43 = arith.muli %mul3A_42, %scan3A_41 : i32
      %add3A_44 = arith.constant 1 : i32
      %add3A_45 = arith.addi %mul3A_43, %add3A_44 : i32
      %dma_start3A_46 = arith.constant 0 : i32
      %dma_start3A_47 = tpu.memref_slice %arg8[%add3A_45, %dma_start3A_46] : memref<160x128xi32, #tpu.memory_space<vmem>> -> memref<1x128xi32, #tpu.memory_space<vmem>>
      %dma_start3A_48 = tpu.memref_squeeze %dma_start3A_47 : memref<1x128xi32, #tpu.memory_space<vmem>> -> memref<128xi32, #tpu.memory_space<vmem>>
      %dma_start3A_49 = arith.constant 0 : i32
      %dma_start3A_50 = arith.constant 0 : i32
      %dma_start3A_51 = tpu.memref_slice %arg5[%dma_start3A_49, %dma_start3A_50] : memref<20480x64xf32, #tpu.memory_space<hbm>> -> memref<20480x64xf32, #tpu.memory_space<hbm>>
      tpu.enqueue_indirect_dma source(%dma_start3A_51 : memref<20480x64xf32, #tpu.memory_space<hbm>>) target(%arg11 : memref<128x64xf32, #tpu.memory_space<vmem>>) offsets(%dma_start3A_48 : memref<128xi32, #tpu.memory_space<vmem>>) semaphore(%arg15 : memref<!tpu.dma_semaphore, #tpu.memory_space<semaphore_mem>>)
      %dma_wait3A = arith.constant 0 : i32
      %dma_wait3A_52 = arith.constant 0 : i32
      %dma_wait3A_53 = tpu.memref_slice %arg8[%dma_wait3A, %dma_wait3A_52] : memref<160x128xi32, #tpu.memory_space<vmem>> -> memref<1x128xi32, #tpu.memory_space<vmem>>
      %dma_wait3A_54 = tpu.memref_squeeze %dma_wait3A_53 : memref<1x128xi32, #tpu.memory_space<vmem>> -> memref<128xi32, #tpu.memory_space<vmem>>
      %dma_wait3A_55 = arith.constant 0 : i32
      %dma_wait3A_56 = arith.constant 0 : i32
      %dma_wait3A_57 = tpu.memref_slice %arg5[%dma_wait3A_55, %dma_wait3A_56] : memref<20480x64xf32, #tpu.memory_space<hbm>> -> memref<20480x64xf32, #tpu.memory_space<hbm>>
      tpu.wait_indirect_dma semaphore(%arg14 : memref<!tpu.dma_semaphore, #tpu.memory_space<semaphore_mem>>) src(%dma_wait3A_57 : memref<20480x64xf32, #tpu.memory_space<hbm>>) dst(%arg10 : memref<128x64xf32, #tpu.memory_space<vmem>>)
      "tpu.region"() ({
        %run_scoped3A = tpu.sem_alloc : memref<!tpu.dma_semaphore, #tpu.memory_space<semaphore_mem>>
        %dma_start3A_71 = arith.constant 0 : i32
        %dma_start3A_72 = tpu.memref_slice %arg9[%mul3A_43, %dma_start3A_71] : memref<160x128xi32, #tpu.memory_space<vmem>> -> memref<1x128xi32, #tpu.memory_space<vmem>>
        %dma_start3A_73 = tpu.memref_squeeze %dma_start3A_72 : memref<1x128xi32, #tpu.memory_space<vmem>> -> memref<128xi32, #tpu.memory_space<vmem>>
        %dma_start3A_74 = arith.constant 0 : i32
        %dma_start3A_75 = arith.constant 0 : i32
        %dma_start3A_76 = tpu.memref_slice %arg13[%dma_start3A_74, %dma_start3A_75] : memref<10240x64xf32, #tpu.memory_space<vmem_shared>> -> memref<10240x64xf32, #tpu.memory_space<vmem_shared>>
        tpu.enqueue_indirect_dma source(%arg10 : memref<128x64xf32, #tpu.memory_space<vmem>>) target(%dma_start3A_76 : memref<10240x64xf32, #tpu.memory_space<vmem_shared>>) offsets(%dma_start3A_73 : memref<128xi32, #tpu.memory_space<vmem>>) semaphore(%run_scoped3A : memref<!tpu.dma_semaphore, #tpu.memory_space<semaphore_mem>>) {add = true}
        %dma_wait3A_77 = arith.constant 0 : i32
        %dma_wait3A_78 = tpu.memref_slice %arg9[%mul3A_43, %dma_wait3A_77] : memref<160x128xi32, #tpu.memory_space<vmem>> -> memref<1x128xi32, #tpu.memory_space<vmem>>
        %dma_wait3A_79 = tpu.memref_squeeze %dma_wait3A_78 : memref<1x128xi32, #tpu.memory_space<vmem>> -> memref<128xi32, #tpu.memory_space<vmem>>
        %dma_wait3A_80 = arith.constant 0 : i32
        %dma_wait3A_81 = arith.constant 0 : i32
        %dma_wait3A_82 = tpu.memref_slice %arg13[%dma_wait3A_80, %dma_wait3A_81] : memref<10240x64xf32, #tpu.memory_space<vmem_shared>> -> memref<10240x64xf32, #tpu.memory_space<vmem_shared>>
        tpu.wait_indirect_dma semaphore(%run_scoped3A : memref<!tpu.dma_semaphore, #tpu.memory_space<semaphore_mem>>) src(%arg10 : memref<128x64xf32, #tpu.memory_space<vmem>>) dst(%dma_wait3A_82 : memref<10240x64xf32, #tpu.memory_space<vmem_shared>>)
        tpu.yield
      }) : () -> ()
      %lt3A = arith.constant 79 : i32
      %lt3A_58 = arith.cmpi slt, %scan3A_41, %lt3A : i32
      %convert_element_type3A_59 = arith.extui %lt3A_58 : i1 to i32
      %cond3A_60 = arith.constant 0 : i32
      %cond3A_61 = arith.cmpi ne, %convert_element_type3A_59, %cond3A_60 : i32
      scf.if %cond3A_61 {
        %add3A_71 = arith.constant 2 : i32
        %add3A_72 = arith.addi %mul3A_43, %add3A_71 : i32
        %dma_start3A_73 = arith.constant 0 : i32
        %dma_start3A_74 = tpu.memref_slice %arg8[%add3A_72, %dma_start3A_73] : memref<160x128xi32, #tpu.memory_space<vmem>> -> memref<1x128xi32, #tpu.memory_space<vmem>>
        %dma_start3A_75 = tpu.memref_squeeze %dma_start3A_74 : memref<1x128xi32, #tpu.memory_space<vmem>> -> memref<128xi32, #tpu.memory_space<vmem>>
        %dma_start3A_76 = arith.constant 0 : i32
        %dma_start3A_77 = arith.constant 0 : i32
        %dma_start3A_78 = tpu.memref_slice %arg5[%dma_start3A_76, %dma_start3A_77] : memref<20480x64xf32, #tpu.memory_space<hbm>> -> memref<20480x64xf32, #tpu.memory_space<hbm>>
        tpu.enqueue_indirect_dma source(%dma_start3A_78 : memref<20480x64xf32, #tpu.memory_space<hbm>>) target(%arg10 : memref<128x64xf32, #tpu.memory_space<vmem>>) offsets(%dma_start3A_75 : memref<128xi32, #tpu.memory_space<vmem>>) semaphore(%arg14 : memref<!tpu.dma_semaphore, #tpu.memory_space<semaphore_mem>>)
      } else {
      }
      %dma_wait3A_62 = arith.constant 0 : i32
      %dma_wait3A_63 = arith.constant 0 : i32
      %dma_wait3A_64 = tpu.memref_slice %arg8[%dma_wait3A_62, %dma_wait3A_63] : memref<160x128xi32, #tpu.memory_space<vmem>> -> memref<1x128xi32, #tpu.memory_space<vmem>>
      %dma_wait3A_65 = tpu.memref_squeeze %dma_wait3A_64 : memref<1x128xi32, #tpu.memory_space<vmem>> -> memref<128xi32, #tpu.memory_space<vmem>>
      %dma_wait3A_66 = arith.constant 0 : i32
      %dma_wait3A_67 = arith.constant 0 : i32
      %dma_wait3A_68 = tpu.memref_slice %arg5[%dma_wait3A_66, %dma_wait3A_67] : memref<20480x64xf32, #tpu.memory_space<hbm>> -> memref<20480x64xf32, #tpu.memory_space<hbm>>
      tpu.wait_indirect_dma semaphore(%arg15 : memref<!tpu.dma_semaphore, #tpu.memory_space<semaphore_mem>>) src(%dma_wait3A_68 : memref<20480x64xf32, #tpu.memory_space<hbm>>) dst(%arg11 : memref<128x64xf32, #tpu.memory_space<vmem>>)
      %add3A_69 = arith.constant 1 : i32
      %add3A_70 = arith.addi %mul3A_43, %add3A_69 : i32
      "tpu.region"() ({
        %run_scoped3A = tpu.sem_alloc : memref<!tpu.dma_semaphore, #tpu.memory_space<semaphore_mem>>
        %dma_start3A_71 = arith.constant 0 : i32
        %dma_start3A_72 = tpu.memref_slice %arg9[%add3A_70, %dma_start3A_71] : memref<160x128xi32, #tpu.memory_space<vmem>> -> memref<1x128xi32, #tpu.memory_space<vmem>>
        %dma_start3A_73 = tpu.memref_squeeze %dma_start3A_72 : memref<1x128xi32, #tpu.memory_space<vmem>> -> memref<128xi32, #tpu.memory_space<vmem>>
        %dma_start3A_74 = arith.constant 0 : i32
        %dma_start3A_75 = arith.constant 0 : i32
        %dma_start3A_76 = tpu.memref_slice %arg13[%dma_start3A_74, %dma_start3A_75] : memref<10240x64xf32, #tpu.memory_space<vmem_shared>> -> memref<10240x64xf32, #tpu.memory_space<vmem_shared>>
        tpu.enqueue_indirect_dma source(%arg11 : memref<128x64xf32, #tpu.memory_space<vmem>>) target(%dma_start3A_76 : memref<10240x64xf32, #tpu.memory_space<vmem_shared>>) offsets(%dma_start3A_73 : memref<128xi32, #tpu.memory_space<vmem>>) semaphore(%run_scoped3A : memref<!tpu.dma_semaphore, #tpu.memory_space<semaphore_mem>>) {add = true}
        %dma_wait3A_77 = arith.constant 0 : i32
        %dma_wait3A_78 = tpu.memref_slice %arg9[%add3A_70, %dma_wait3A_77] : memref<160x128xi32, #tpu.memory_space<vmem>> -> memref<1x128xi32, #tpu.memory_space<vmem>>
        %dma_wait3A_79 = tpu.memref_squeeze %dma_wait3A_78 : memref<1x128xi32, #tpu.memory_space<vmem>> -> memref<128xi32, #tpu.memory_space<vmem>>
        %dma_wait3A_80 = arith.constant 0 : i32
        %dma_wait3A_81 = arith.constant 0 : i32
        %dma_wait3A_82 = tpu.memref_slice %arg13[%dma_wait3A_80, %dma_wait3A_81] : memref<10240x64xf32, #tpu.memory_space<vmem_shared>> -> memref<10240x64xf32, #tpu.memory_space<vmem_shared>>
        tpu.wait_indirect_dma semaphore(%run_scoped3A : memref<!tpu.dma_semaphore, #tpu.memory_space<semaphore_mem>>) src(%arg11 : memref<128x64xf32, #tpu.memory_space<vmem>>) dst(%dma_wait3A_82 : memref<10240x64xf32, #tpu.memory_space<vmem_shared>>)
        tpu.yield
      }) : () -> ()
    }
    %scan3A_35 = arith.constant 80 : i32
    %barrier3A_36 = arith.constant 0 : index
    tpu.barrier barrier_id(%barrier3A_36)
    %mul3A_37 = arith.constant 640 : i32
    %mul3A_38 = arith.muli %arg1, %mul3A_37 : i32
    %mul3A_39 = arith.constant 640 : i32
    %mul3A_40 = arith.muli %arg1, %mul3A_39 : i32
    "tpu.region"() ({
      %run_scoped3A = tpu.sem_alloc : memref<!tpu.dma_semaphore, #tpu.memory_space<semaphore_mem>>
      %dma_start3A_41 = arith.constant 0 : i32
      %dma_start3A_42 = tpu.memref_slice %arg7[%arg0, %mul3A_40, %dma_start3A_41] : memref<2x10240x64xf32, #tpu.memory_space<hbm>> -> memref<1x640x64xf32, #tpu.memory_space<hbm>>
      %dma_start3A_43 = tpu.memref_squeeze %dma_start3A_42 : memref<1x640x64xf32, #tpu.memory_space<hbm>> -> memref<640x64xf32, #tpu.memory_space<hbm>>
      %dma_start3A_44 = arith.constant 0 : i32
      %dma_start3A_45 = tpu.memref_slice %arg13[%mul3A_38, %dma_start3A_44] : memref<10240x64xf32, #tpu.memory_space<vmem_shared>> -> memref<640x64xf32, #tpu.memory_space<vmem_shared>>
      tpu.enqueue_dma source(%dma_start3A_45 : memref<640x64xf32, #tpu.memory_space<vmem_shared>>) target(%dma_start3A_43 : memref<640x64xf32, #tpu.memory_space<hbm>>) target_semaphore(%run_scoped3A : memref<!tpu.dma_semaphore, #tpu.memory_space<semaphore_mem>>)
      %dma_wait3A = arith.constant 0 : i32
      %dma_wait3A_46 = tpu.memref_slice %arg7[%arg0, %mul3A_40, %dma_wait3A] : memref<2x10240x64xf32, #tpu.memory_space<hbm>> -> memref<1x640x64xf32, #tpu.memory_space<hbm>>
      %dma_wait3A_47 = tpu.memref_squeeze %dma_wait3A_46 : memref<1x640x64xf32, #tpu.memory_space<hbm>> -> memref<640x64xf32, #tpu.memory_space<hbm>>
      %dma_wait3A_48 = arith.constant 0 : i32
      %dma_wait3A_49 = tpu.memref_slice %arg13[%mul3A_38, %dma_wait3A_48] : memref<10240x64xf32, #tpu.memory_space<vmem_shared>> -> memref<640x64xf32, #tpu.memory_space<vmem_shared>>
      tpu.wait_dma2 semaphore(%run_scoped3A : memref<!tpu.dma_semaphore, #tpu.memory_space<semaphore_mem>>) src(%dma_wait3A_49 : memref<640x64xf32, #tpu.memory_space<vmem_shared>>) dst(%dma_wait3A_47 : memref<640x64xf32, #tpu.memory_space<hbm>>)
      tpu.yield
    }) : () -> ()
    return
  }
}

#map = affine_map<(d0, d1) -> (0, 0, 0)>
#map1 = affine_map<(d0, d1) -> (0, 0)>
module attributes {stable_mosaic.version = 14 : i64} {
  func.func @_sc_scatter(%arg0: i32, %arg1: i32, %arg2: memref<16x160x128xi32, #tpu.memory_space<hbm>>, %arg3: memref<16x160x128xi32, #tpu.memory_space<hbm>>, %arg4: memref<16x160x128xi32, #tpu.memory_space<hbm>>, %arg5: memref<20480x64xf32, #tpu.memory_space<hbm>>, %arg6: memref<128x64xf32, #tpu.memory_space<hbm>>, %arg7: memref<2x10240x64xf32, #tpu.memory_space<hbm>>, %arg8: memref<160x128xi32, #tpu.memory_space<vmem>>, %arg9: memref<160x128xi32, #tpu.memory_space<vmem>>, %arg10: memref<128x64xf32, #tpu.memory_space<vmem>>, %arg11: memref<128x64xf32, #tpu.memory_space<vmem>>, %arg12: memref<128x64xf32, #tpu.memory_space<vmem>>, %arg13: memref<10240x64xf32, #tpu.memory_space<vmem_shared>>, %arg14: memref<!tpu.dma_semaphore, #tpu.memory_space<semaphore_mem>>, %arg15: memref<!tpu.dma_semaphore, #tpu.memory_space<semaphore_mem>>) attributes {dimension_semantics = [#tpu.dimension_semantics<core_parallel>, #tpu.dimension_semantics<subcore_parallel>], iteration_bounds = array<i64: 2, 16>, scalar_prefetch = 0 : i64, scratch_operands = 8 : i64, tpu.core_type = #tpu.core_type<sc_vector_subcore>, window_params = [{transform_indices = #map}, {transform_indices = #map}, {transform_indices = #map}, {transform_indices = #map1}, {transform_indices = #map1}, {transform_indices = #map}]} {
    "tpu.region"() ({
      %run_scoped3A = tpu.sem_alloc : memref<!tpu.dma_semaphore, #tpu.memory_space<semaphore_mem>>
      tpu.enqueue_dma source(%arg6 : memref<128x64xf32, #tpu.memory_space<hbm>>) target(%arg12 : memref<128x64xf32, #tpu.memory_space<vmem>>) target_semaphore(%run_scoped3A : memref<!tpu.dma_semaphore, #tpu.memory_space<semaphore_mem>>)
      tpu.wait_dma2 semaphore(%run_scoped3A : memref<!tpu.dma_semaphore, #tpu.memory_space<semaphore_mem>>) src(%arg6 : memref<128x64xf32, #tpu.memory_space<hbm>>) dst(%arg12 : memref<128x64xf32, #tpu.memory_space<vmem>>)
      tpu.yield
    }) : () -> ()
    %mul3A = arith.constant 640 : i32
    %mul3A_0 = arith.muli %arg1, %mul3A : i32
    %add3A = arith.constant 0 : i32
    %add3A_1 = arith.addi %mul3A_0, %add3A : i32
    "tpu.region"() ({
      %run_scoped3A = tpu.sem_alloc : memref<!tpu.dma_semaphore, #tpu.memory_space<semaphore_mem>>
      %dma_start3A_41 = arith.constant 0 : i32
      %dma_start3A_42 = tpu.memref_slice %arg13[%add3A_1, %dma_start3A_41] : memref<10240x64xf32, #tpu.memory_space<vmem_shared>> -> memref<128x64xf32, #tpu.memory_space<vmem_shared>>
      %dma_start3A_43 = arith.constant 0 : i32
      %dma_start3A_44 = tpu.memref_slice %arg13[%add3A_1, %dma_start3A_43] : memref<10240x64xf32, #tpu.memory_space<vmem_shared>> -> memref<128x64xf32, #tpu.memory_space<vmem_shared>>
      tpu.enqueue_dma source(%arg12 : memref<128x64xf32, #tpu.memory_space<vmem>>) target(%dma_start3A_44 : memref<128x64xf32, #tpu.memory_space<vmem_shared>>) target_semaphore(%run_scoped3A : memref<!tpu.dma_semaphore, #tpu.memory_space<semaphore_mem>>)
      %dma_wait3A = arith.constant 0 : i32
      %dma_wait3A_45 = tpu.memref_slice %arg13[%add3A_1, %dma_wait3A] : memref<10240x64xf32, #tpu.memory_space<vmem_shared>> -> memref<128x64xf32, #tpu.memory_space<vmem_shared>>
      %dma_wait3A_46 = arith.constant 0 : i32
      %dma_wait3A_47 = tpu.memref_slice %arg13[%add3A_1, %dma_wait3A_46] : memref<10240x64xf32, #tpu.memory_space<vmem_shared>> -> memref<128x64xf32, #tpu.memory_space<vmem_shared>>
      tpu.wait_dma2 semaphore(%run_scoped3A : memref<!tpu.dma_semaphore, #tpu.memory_space<semaphore_mem>>) src(%arg12 : memref<128x64xf32, #tpu.memory_space<vmem>>) dst(%dma_wait3A_47 : memref<128x64xf32, #tpu.memory_space<vmem_shared>>)
      tpu.yield
    }) : () -> ()
    %mul3A_2 = arith.constant 640 : i32
    %mul3A_3 = arith.muli %arg1, %mul3A_2 : i32
    %add3A_4 = arith.constant 128 : i32
    %add3A_5 = arith.addi %mul3A_3, %add3A_4 : i32
    "tpu.region"() ({
      %run_scoped3A = tpu.sem_alloc : memref<!tpu.dma_semaphore, #tpu.memory_space<semaphore_mem>>
      %dma_start3A_41 = arith.constant 0 : i32
      %dma_start3A_42 = tpu.memref_slice %arg13[%add3A_5, %dma_start3A_41] : memref<10240x64xf32, #tpu.memory_space<vmem_shared>> -> memref<128x64xf32, #tpu.memory_space<vmem_shared>>
      %dma_start3A_43 = arith.constant 0 : i32
      %dma_start3A_44 = tpu.memref_slice %arg13[%add3A_5, %dma_start3A_43] : memref<10240x64xf32, #tpu.memory_space<vmem_shared>> -> memref<128x64xf32, #tpu.memory_space<vmem_shared>>
      tpu.enqueue_dma source(%arg12 : memref<128x64xf32, #tpu.memory_space<vmem>>) target(%dma_start3A_44 : memref<128x64xf32, #tpu.memory_space<vmem_shared>>) target_semaphore(%run_scoped3A : memref<!tpu.dma_semaphore, #tpu.memory_space<semaphore_mem>>)
      %dma_wait3A = arith.constant 0 : i32
      %dma_wait3A_45 = tpu.memref_slice %arg13[%add3A_5, %dma_wait3A] : memref<10240x64xf32, #tpu.memory_space<vmem_shared>> -> memref<128x64xf32, #tpu.memory_space<vmem_shared>>
      %dma_wait3A_46 = arith.constant 0 : i32
      %dma_wait3A_47 = tpu.memref_slice %arg13[%add3A_5, %dma_wait3A_46] : memref<10240x64xf32, #tpu.memory_space<vmem_shared>> -> memref<128x64xf32, #tpu.memory_space<vmem_shared>>
      tpu.wait_dma2 semaphore(%run_scoped3A : memref<!tpu.dma_semaphore, #tpu.memory_space<semaphore_mem>>) src(%arg12 : memref<128x64xf32, #tpu.memory_space<vmem>>) dst(%dma_wait3A_47 : memref<128x64xf32, #tpu.memory_space<vmem_shared>>)
      tpu.yield
    }) : () -> ()
    %mul3A_6 = arith.constant 640 : i32
    %mul3A_7 = arith.muli %arg1, %mul3A_6 : i32
    %add3A_8 = arith.constant 256 : i32
    %add3A_9 = arith.addi %mul3A_7, %add3A_8 : i32
    "tpu.region"() ({
      %run_scoped3A = tpu.sem_alloc : memref<!tpu.dma_semaphore, #tpu.memory_space<semaphore_mem>>
      %dma_start3A_41 = arith.constant 0 : i32
      %dma_start3A_42 = tpu.memref_slice %arg13[%add3A_9, %dma_start3A_41] : memref<10240x64xf32, #tpu.memory_space<vmem_shared>> -> memref<128x64xf32, #tpu.memory_space<vmem_shared>>
      %dma_start3A_43 = arith.constant 0 : i32
      %dma_start3A_44 = tpu.memref_slice %arg13[%add3A_9, %dma_start3A_43] : memref<10240x64xf32, #tpu.memory_space<vmem_shared>> -> memref<128x64xf32, #tpu.memory_space<vmem_shared>>
      tpu.enqueue_dma source(%arg12 : memref<128x64xf32, #tpu.memory_space<vmem>>) target(%dma_start3A_44 : memref<128x64xf32, #tpu.memory_space<vmem_shared>>) target_semaphore(%run_scoped3A : memref<!tpu.dma_semaphore, #tpu.memory_space<semaphore_mem>>)
      %dma_wait3A = arith.constant 0 : i32
      %dma_wait3A_45 = tpu.memref_slice %arg13[%add3A_9, %dma_wait3A] : memref<10240x64xf32, #tpu.memory_space<vmem_shared>> -> memref<128x64xf32, #tpu.memory_space<vmem_shared>>
      %dma_wait3A_46 = arith.constant 0 : i32
      %dma_wait3A_47 = tpu.memref_slice %arg13[%add3A_9, %dma_wait3A_46] : memref<10240x64xf32, #tpu.memory_space<vmem_shared>> -> memref<128x64xf32, #tpu.memory_space<vmem_shared>>
      tpu.wait_dma2 semaphore(%run_scoped3A : memref<!tpu.dma_semaphore, #tpu.memory_space<semaphore_mem>>) src(%arg12 : memref<128x64xf32, #tpu.memory_space<vmem>>) dst(%dma_wait3A_47 : memref<128x64xf32, #tpu.memory_space<vmem_shared>>)
      tpu.yield
    }) : () -> ()
    %mul3A_10 = arith.constant 640 : i32
    %mul3A_11 = arith.muli %arg1, %mul3A_10 : i32
    %add3A_12 = arith.constant 384 : i32
    %add3A_13 = arith.addi %mul3A_11, %add3A_12 : i32
    "tpu.region"() ({
      %run_scoped3A = tpu.sem_alloc : memref<!tpu.dma_semaphore, #tpu.memory_space<semaphore_mem>>
      %dma_start3A_41 = arith.constant 0 : i32
      %dma_start3A_42 = tpu.memref_slice %arg13[%add3A_13, %dma_start3A_41] : memref<10240x64xf32, #tpu.memory_space<vmem_shared>> -> memref<128x64xf32, #tpu.memory_space<vmem_shared>>
      %dma_start3A_43 = arith.constant 0 : i32
      %dma_start3A_44 = tpu.memref_slice %arg13[%add3A_13, %dma_start3A_43] : memref<10240x64xf32, #tpu.memory_space<vmem_shared>> -> memref<128x64xf32, #tpu.memory_space<vmem_shared>>
      tpu.enqueue_dma source(%arg12 : memref<128x64xf32, #tpu.memory_space<vmem>>) target(%dma_start3A_44 : memref<128x64xf32, #tpu.memory_space<vmem_shared>>) target_semaphore(%run_scoped3A : memref<!tpu.dma_semaphore, #tpu.memory_space<semaphore_mem>>)
      %dma_wait3A = arith.constant 0 : i32
      %dma_wait3A_45 = tpu.memref_slice %arg13[%add3A_13, %dma_wait3A] : memref<10240x64xf32, #tpu.memory_space<vmem_shared>> -> memref<128x64xf32, #tpu.memory_space<vmem_shared>>
      %dma_wait3A_46 = arith.constant 0 : i32
      %dma_wait3A_47 = tpu.memref_slice %arg13[%add3A_13, %dma_wait3A_46] : memref<10240x64xf32, #tpu.memory_space<vmem_shared>> -> memref<128x64xf32, #tpu.memory_space<vmem_shared>>
      tpu.wait_dma2 semaphore(%run_scoped3A : memref<!tpu.dma_semaphore, #tpu.memory_space<semaphore_mem>>) src(%arg12 : memref<128x64xf32, #tpu.memory_space<vmem>>) dst(%dma_wait3A_47 : memref<128x64xf32, #tpu.memory_space<vmem_shared>>)
      tpu.yield
    }) : () -> ()
    %mul3A_14 = arith.constant 640 : i32
    %mul3A_15 = arith.muli %arg1, %mul3A_14 : i32
    %add3A_16 = arith.constant 512 : i32
    %add3A_17 = arith.addi %mul3A_15, %add3A_16 : i32
    "tpu.region"() ({
      %run_scoped3A = tpu.sem_alloc : memref<!tpu.dma_semaphore, #tpu.memory_space<semaphore_mem>>
      %dma_start3A_41 = arith.constant 0 : i32
      %dma_start3A_42 = tpu.memref_slice %arg13[%add3A_17, %dma_start3A_41] : memref<10240x64xf32, #tpu.memory_space<vmem_shared>> -> memref<128x64xf32, #tpu.memory_space<vmem_shared>>
      %dma_start3A_43 = arith.constant 0 : i32
      %dma_start3A_44 = tpu.memref_slice %arg13[%add3A_17, %dma_start3A_43] : memref<10240x64xf32, #tpu.memory_space<vmem_shared>> -> memref<128x64xf32, #tpu.memory_space<vmem_shared>>
      tpu.enqueue_dma source(%arg12 : memref<128x64xf32, #tpu.memory_space<vmem>>) target(%dma_start3A_44 : memref<128x64xf32, #tpu.memory_space<vmem_shared>>) target_semaphore(%run_scoped3A : memref<!tpu.dma_semaphore, #tpu.memory_space<semaphore_mem>>)
      %dma_wait3A = arith.constant 0 : i32
      %dma_wait3A_45 = tpu.memref_slice %arg13[%add3A_17, %dma_wait3A] : memref<10240x64xf32, #tpu.memory_space<vmem_shared>> -> memref<128x64xf32, #tpu.memory_space<vmem_shared>>
      %dma_wait3A_46 = arith.constant 0 : i32
      %dma_wait3A_47 = tpu.memref_slice %arg13[%add3A_17, %dma_wait3A_46] : memref<10240x64xf32, #tpu.memory_space<vmem_shared>> -> memref<128x64xf32, #tpu.memory_space<vmem_shared>>
      tpu.wait_dma2 semaphore(%run_scoped3A : memref<!tpu.dma_semaphore, #tpu.memory_space<semaphore_mem>>) src(%arg12 : memref<128x64xf32, #tpu.memory_space<vmem>>) dst(%dma_wait3A_47 : memref<128x64xf32, #tpu.memory_space<vmem_shared>>)
      tpu.yield
    }) : () -> ()
    %eq3A = arith.constant 0 : i32
    %eq3A_18 = arith.cmpi eq, %arg0, %eq3A : i32
    %convert_element_type3A = arith.extui %eq3A_18 : i1 to i32
    %cond3A = arith.constant 0 : i32
    %cond3A_19 = arith.cmpi ne, %convert_element_type3A, %cond3A : i32
    scf.if %cond3A_19 {
      "tpu.region"() ({
        %run_scoped3A = tpu.sem_alloc : memref<!tpu.dma_semaphore, #tpu.memory_space<semaphore_mem>>
        %dma_start3A_41 = arith.constant 0 : i32
        %dma_start3A_42 = arith.constant 0 : i32
        %dma_start3A_43 = tpu.memref_slice %arg2[%arg1, %dma_start3A_41, %dma_start3A_42] : memref<16x160x128xi32, #tpu.memory_space<hbm>> -> memref<1x160x128xi32, #tpu.memory_space<hbm>>
        %dma_start3A_44 = tpu.memref_squeeze %dma_start3A_43 : memref<1x160x128xi32, #tpu.memory_space<hbm>> -> memref<160x128xi32, #tpu.memory_space<hbm>>
        %dma_start3A_45 = arith.constant 0 : i32
        %dma_start3A_46 = arith.constant 0 : i32
        %dma_start3A_47 = tpu.memref_slice %arg2[%arg1, %dma_start3A_45, %dma_start3A_46] : memref<16x160x128xi32, #tpu.memory_space<hbm>> -> memref<1x160x128xi32, #tpu.memory_space<hbm>>
        %dma_start3A_48 = tpu.memref_squeeze %dma_start3A_47 : memref<1x160x128xi32, #tpu.memory_space<hbm>> -> memref<160x128xi32, #tpu.memory_space<hbm>>
        tpu.enqueue_dma source(%dma_start3A_48 : memref<160x128xi32, #tpu.memory_space<hbm>>) target(%arg8 : memref<160x128xi32, #tpu.memory_space<vmem>>) target_semaphore(%run_scoped3A : memref<!tpu.dma_semaphore, #tpu.memory_space<semaphore_mem>>)
        %dma_wait3A = arith.constant 0 : i32
        %dma_wait3A_49 = arith.constant 0 : i32
        %dma_wait3A_50 = tpu.memref_slice %arg2[%arg1, %dma_wait3A, %dma_wait3A_49] : memref<16x160x128xi32, #tpu.memory_space<hbm>> -> memref<1x160x128xi32, #tpu.memory_space<hbm>>
        %dma_wait3A_51 = tpu.memref_squeeze %dma_wait3A_50 : memref<1x160x128xi32, #tpu.memory_space<hbm>> -> memref<160x128xi32, #tpu.memory_space<hbm>>
        %dma_wait3A_52 = arith.constant 0 : i32
        %dma_wait3A_53 = arith.constant 0 : i32
        %dma_wait3A_54 = tpu.memref_slice %arg2[%arg1, %dma_wait3A_52, %dma_wait3A_53] : memref<16x160x128xi32, #tpu.memory_space<hbm>> -> memref<1x160x128xi32, #tpu.memory_space<hbm>>
        %dma_wait3A_55 = tpu.memref_squeeze %dma_wait3A_54 : memref<1x160x128xi32, #tpu.memory_space<hbm>> -> memref<160x128xi32, #tpu.memory_space<hbm>>
        tpu.wait_dma2 semaphore(%run_scoped3A : memref<!tpu.dma_semaphore, #tpu.memory_space<semaphore_mem>>) src(%dma_wait3A_55 : memref<160x128xi32, #tpu.memory_space<hbm>>) dst(%arg8 : memref<160x128xi32, #tpu.memory_space<vmem>>)
        tpu.yield
      }) : () -> ()
    } else {
    }
    %eq3A_20 = arith.constant 1 : i32
    %eq3A_21 = arith.cmpi eq, %arg0, %eq3A_20 : i32
    %convert_element_type3A_22 = arith.extui %eq3A_21 : i1 to i32
    %cond3A_23 = arith.constant 0 : i32
    %cond3A_24 = arith.cmpi ne, %convert_element_type3A_22, %cond3A_23 : i32
    scf.if %cond3A_24 {
      "tpu.region"() ({
        %run_scoped3A = tpu.sem_alloc : memref<!tpu.dma_semaphore, #tpu.memory_space<semaphore_mem>>
        %dma_start3A_41 = arith.constant 0 : i32
        %dma_start3A_42 = arith.constant 0 : i32
        %dma_start3A_43 = tpu.memref_slice %arg3[%arg1, %dma_start3A_41, %dma_start3A_42] : memref<16x160x128xi32, #tpu.memory_space<hbm>> -> memref<1x160x128xi32, #tpu.memory_space<hbm>>
        %dma_start3A_44 = tpu.memref_squeeze %dma_start3A_43 : memref<1x160x128xi32, #tpu.memory_space<hbm>> -> memref<160x128xi32, #tpu.memory_space<hbm>>
        %dma_start3A_45 = arith.constant 0 : i32
        %dma_start3A_46 = arith.constant 0 : i32
        %dma_start3A_47 = tpu.memref_slice %arg3[%arg1, %dma_start3A_45, %dma_start3A_46] : memref<16x160x128xi32, #tpu.memory_space<hbm>> -> memref<1x160x128xi32, #tpu.memory_space<hbm>>
        %dma_start3A_48 = tpu.memref_squeeze %dma_start3A_47 : memref<1x160x128xi32, #tpu.memory_space<hbm>> -> memref<160x128xi32, #tpu.memory_space<hbm>>
        tpu.enqueue_dma source(%dma_start3A_48 : memref<160x128xi32, #tpu.memory_space<hbm>>) target(%arg8 : memref<160x128xi32, #tpu.memory_space<vmem>>) target_semaphore(%run_scoped3A : memref<!tpu.dma_semaphore, #tpu.memory_space<semaphore_mem>>)
        %dma_wait3A = arith.constant 0 : i32
        %dma_wait3A_49 = arith.constant 0 : i32
        %dma_wait3A_50 = tpu.memref_slice %arg3[%arg1, %dma_wait3A, %dma_wait3A_49] : memref<16x160x128xi32, #tpu.memory_space<hbm>> -> memref<1x160x128xi32, #tpu.memory_space<hbm>>
        %dma_wait3A_51 = tpu.memref_squeeze %dma_wait3A_50 : memref<1x160x128xi32, #tpu.memory_space<hbm>> -> memref<160x128xi32, #tpu.memory_space<hbm>>
        %dma_wait3A_52 = arith.constant 0 : i32
        %dma_wait3A_53 = arith.constant 0 : i32
        %dma_wait3A_54 = tpu.memref_slice %arg3[%arg1, %dma_wait3A_52, %dma_wait3A_53] : memref<16x160x128xi32, #tpu.memory_space<hbm>> -> memref<1x160x128xi32, #tpu.memory_space<hbm>>
        %dma_wait3A_55 = tpu.memref_squeeze %dma_wait3A_54 : memref<1x160x128xi32, #tpu.memory_space<hbm>> -> memref<160x128xi32, #tpu.memory_space<hbm>>
        tpu.wait_dma2 semaphore(%run_scoped3A : memref<!tpu.dma_semaphore, #tpu.memory_space<semaphore_mem>>) src(%dma_wait3A_55 : memref<160x128xi32, #tpu.memory_space<hbm>>) dst(%arg8 : memref<160x128xi32, #tpu.memory_space<vmem>>)
        tpu.yield
      }) : () -> ()
    } else {
    }
    "tpu.region"() ({
      %run_scoped3A = tpu.sem_alloc : memref<!tpu.dma_semaphore, #tpu.memory_space<semaphore_mem>>
      %dma_start3A_41 = arith.constant 0 : i32
      %dma_start3A_42 = arith.constant 0 : i32
      %dma_start3A_43 = tpu.memref_slice %arg4[%arg1, %dma_start3A_41, %dma_start3A_42] : memref<16x160x128xi32, #tpu.memory_space<hbm>> -> memref<1x160x128xi32, #tpu.memory_space<hbm>>
      %dma_start3A_44 = tpu.memref_squeeze %dma_start3A_43 : memref<1x160x128xi32, #tpu.memory_space<hbm>> -> memref<160x128xi32, #tpu.memory_space<hbm>>
      %dma_start3A_45 = arith.constant 0 : i32
      %dma_start3A_46 = arith.constant 0 : i32
      %dma_start3A_47 = tpu.memref_slice %arg4[%arg1, %dma_start3A_45, %dma_start3A_46] : memref<16x160x128xi32, #tpu.memory_space<hbm>> -> memref<1x160x128xi32, #tpu.memory_space<hbm>>
      %dma_start3A_48 = tpu.memref_squeeze %dma_start3A_47 : memref<1x160x128xi32, #tpu.memory_space<hbm>> -> memref<160x128xi32, #tpu.memory_space<hbm>>
      tpu.enqueue_dma source(%dma_start3A_48 : memref<160x128xi32, #tpu.memory_space<hbm>>) target(%arg9 : memref<160x128xi32, #tpu.memory_space<vmem>>) target_semaphore(%run_scoped3A : memref<!tpu.dma_semaphore, #tpu.memory_space<semaphore_mem>>)
      %dma_wait3A = arith.constant 0 : i32
      %dma_wait3A_49 = arith.constant 0 : i32
      %dma_wait3A_50 = tpu.memref_slice %arg4[%arg1, %dma_wait3A, %dma_wait3A_49] : memref<16x160x128xi32, #tpu.memory_space<hbm>> -> memref<1x160x128xi32, #tpu.memory_space<hbm>>
      %dma_wait3A_51 = tpu.memref_squeeze %dma_wait3A_50 : memref<1x160x128xi32, #tpu.memory_space<hbm>> -> memref<160x128xi32, #tpu.memory_space<hbm>>
      %dma_wait3A_52 = arith.constant 0 : i32
      %dma_wait3A_53 = arith.constant 0 : i32
      %dma_wait3A_54 = tpu.memref_slice %arg4[%arg1, %dma_wait3A_52, %dma_wait3A_53] : memref<16x160x128xi32, #tpu.memory_space<hbm>> -> memref<1x160x128xi32, #tpu.memory_space<hbm>>
      %dma_wait3A_55 = tpu.memref_squeeze %dma_wait3A_54 : memref<1x160x128xi32, #tpu.memory_space<hbm>> -> memref<160x128xi32, #tpu.memory_space<hbm>>
      tpu.wait_dma2 semaphore(%run_scoped3A : memref<!tpu.dma_semaphore, #tpu.memory_space<semaphore_mem>>) src(%dma_wait3A_55 : memref<160x128xi32, #tpu.memory_space<hbm>>) dst(%arg9 : memref<160x128xi32, #tpu.memory_space<vmem>>)
      tpu.yield
    }) : () -> ()
    %barrier3A = arith.constant 0 : index
    tpu.barrier barrier_id(%barrier3A)
    %dma_start3A = arith.constant 0 : i32
    %dma_start3A_25 = arith.constant 0 : i32
    %dma_start3A_26 = tpu.memref_slice %arg8[%dma_start3A, %dma_start3A_25] : memref<160x128xi32, #tpu.memory_space<vmem>> -> memref<1x128xi32, #tpu.memory_space<vmem>>
    %dma_start3A_27 = tpu.memref_squeeze %dma_start3A_26 : memref<1x128xi32, #tpu.memory_space<vmem>> -> memref<128xi32, #tpu.memory_space<vmem>>
    %dma_start3A_28 = arith.constant 0 : i32
    %dma_start3A_29 = arith.constant 0 : i32
    %dma_start3A_30 = tpu.memref_slice %arg5[%dma_start3A_28, %dma_start3A_29] : memref<20480x64xf32, #tpu.memory_space<hbm>> -> memref<20480x64xf32, #tpu.memory_space<hbm>>
    tpu.enqueue_indirect_dma source(%dma_start3A_30 : memref<20480x64xf32, #tpu.memory_space<hbm>>) target(%arg10 : memref<128x64xf32, #tpu.memory_space<vmem>>) offsets(%dma_start3A_27 : memref<128xi32, #tpu.memory_space<vmem>>) semaphore(%arg14 : memref<!tpu.dma_semaphore, #tpu.memory_space<semaphore_mem>>)
    %scan3A = arith.constant 0 : i32
    %scan3A_31 = arith.constant 0 : i32
    %scan3A_32 = arith.constant 80 : i32
    %scan3A_33 = arith.addi %scan3A_31, %scan3A_32 : i32
    %scan3A_34 = arith.constant 1 : i32
    scf.for %scan3A_41 = %scan3A_31 to %scan3A_33 step %scan3A_34  : i32 {
      %mul3A_42 = arith.constant 2 : i32
      %mul3A_43 = arith.muli %mul3A_42, %scan3A_41 : i32
      %add3A_44 = arith.constant 1 : i32
      %add3A_45 = arith.addi %mul3A_43, %add3A_44 : i32
      %dma_start3A_46 = arith.constant 0 : i32
      %dma_start3A_47 = tpu.memref_slice %arg8[%add3A_45, %dma_start3A_46] : memref<160x128xi32, #tpu.memory_space<vmem>> -> memref<1x128xi32, #tpu.memory_space<vmem>>
      %dma_start3A_48 = tpu.memref_squeeze %dma_start3A_47 : memref<1x128xi32, #tpu.memory_space<vmem>> -> memref<128xi32, #tpu.memory_space<vmem>>
      %dma_start3A_49 = arith.constant 0 : i32
      %dma_start3A_50 = arith.constant 0 : i32
      %dma_start3A_51 = tpu.memref_slice %arg5[%dma_start3A_49, %dma_start3A_50] : memref<20480x64xf32, #tpu.memory_space<hbm>> -> memref<20480x64xf32, #tpu.memory_space<hbm>>
      tpu.enqueue_indirect_dma source(%dma_start3A_51 : memref<20480x64xf32, #tpu.memory_space<hbm>>) target(%arg11 : memref<128x64xf32, #tpu.memory_space<vmem>>) offsets(%dma_start3A_48 : memref<128xi32, #tpu.memory_space<vmem>>) semaphore(%arg15 : memref<!tpu.dma_semaphore, #tpu.memory_space<semaphore_mem>>)
      %dma_wait3A = arith.constant 0 : i32
      %dma_wait3A_52 = arith.constant 0 : i32
      %dma_wait3A_53 = tpu.memref_slice %arg8[%dma_wait3A, %dma_wait3A_52] : memref<160x128xi32, #tpu.memory_space<vmem>> -> memref<1x128xi32, #tpu.memory_space<vmem>>
      %dma_wait3A_54 = tpu.memref_squeeze %dma_wait3A_53 : memref<1x128xi32, #tpu.memory_space<vmem>> -> memref<128xi32, #tpu.memory_space<vmem>>
      %dma_wait3A_55 = arith.constant 0 : i32
      %dma_wait3A_56 = arith.constant 0 : i32
      %dma_wait3A_57 = tpu.memref_slice %arg5[%dma_wait3A_55, %dma_wait3A_56] : memref<20480x64xf32, #tpu.memory_space<hbm>> -> memref<20480x64xf32, #tpu.memory_space<hbm>>
      tpu.wait_indirect_dma semaphore(%arg14 : memref<!tpu.dma_semaphore, #tpu.memory_space<semaphore_mem>>) src(%dma_wait3A_57 : memref<20480x64xf32, #tpu.memory_space<hbm>>) dst(%arg10 : memref<128x64xf32, #tpu.memory_space<vmem>>)
      "tpu.region"() ({
        %run_scoped3A = tpu.sem_alloc : memref<!tpu.dma_semaphore, #tpu.memory_space<semaphore_mem>>
        %dma_start3A_71 = arith.constant 0 : i32
        %dma_start3A_72 = tpu.memref_slice %arg9[%mul3A_43, %dma_start3A_71] : memref<160x128xi32, #tpu.memory_space<vmem>> -> memref<1x128xi32, #tpu.memory_space<vmem>>
        %dma_start3A_73 = tpu.memref_squeeze %dma_start3A_72 : memref<1x128xi32, #tpu.memory_space<vmem>> -> memref<128xi32, #tpu.memory_space<vmem>>
        %dma_start3A_74 = arith.constant 0 : i32
        %dma_start3A_75 = arith.constant 0 : i32
        %dma_start3A_76 = tpu.memref_slice %arg13[%dma_start3A_74, %dma_start3A_75] : memref<10240x64xf32, #tpu.memory_space<vmem_shared>> -> memref<10240x64xf32, #tpu.memory_space<vmem_shared>>
        tpu.enqueue_indirect_dma source(%arg10 : memref<128x64xf32, #tpu.memory_space<vmem>>) target(%dma_start3A_76 : memref<10240x64xf32, #tpu.memory_space<vmem_shared>>) offsets(%dma_start3A_73 : memref<128xi32, #tpu.memory_space<vmem>>) semaphore(%run_scoped3A : memref<!tpu.dma_semaphore, #tpu.memory_space<semaphore_mem>>) {add = true}
        %dma_wait3A_77 = arith.constant 0 : i32
        %dma_wait3A_78 = tpu.memref_slice %arg9[%mul3A_43, %dma_wait3A_77] : memref<160x128xi32, #tpu.memory_space<vmem>> -> memref<1x128xi32, #tpu.memory_space<vmem>>
        %dma_wait3A_79 = tpu.memref_squeeze %dma_wait3A_78 : memref<1x128xi32, #tpu.memory_space<vmem>> -> memref<128xi32, #tpu.memory_space<vmem>>
        %dma_wait3A_80 = arith.constant 0 : i32
        %dma_wait3A_81 = arith.constant 0 : i32
        %dma_wait3A_82 = tpu.memref_slice %arg13[%dma_wait3A_80, %dma_wait3A_81] : memref<10240x64xf32, #tpu.memory_space<vmem_shared>> -> memref<10240x64xf32, #tpu.memory_space<vmem_shared>>
        tpu.wait_indirect_dma semaphore(%run_scoped3A : memref<!tpu.dma_semaphore, #tpu.memory_space<semaphore_mem>>) src(%arg10 : memref<128x64xf32, #tpu.memory_space<vmem>>) dst(%dma_wait3A_82 : memref<10240x64xf32, #tpu.memory_space<vmem_shared>>)
        tpu.yield
      }) : () -> ()
      %lt3A = arith.constant 79 : i32
      %lt3A_58 = arith.cmpi slt, %scan3A_41, %lt3A : i32
      %convert_element_type3A_59 = arith.extui %lt3A_58 : i1 to i32
      %cond3A_60 = arith.constant 0 : i32
      %cond3A_61 = arith.cmpi ne, %convert_element_type3A_59, %cond3A_60 : i32
      scf.if %cond3A_61 {
        %add3A_71 = arith.constant 2 : i32
        %add3A_72 = arith.addi %mul3A_43, %add3A_71 : i32
        %dma_start3A_73 = arith.constant 0 : i32
        %dma_start3A_74 = tpu.memref_slice %arg8[%add3A_72, %dma_start3A_73] : memref<160x128xi32, #tpu.memory_space<vmem>> -> memref<1x128xi32, #tpu.memory_space<vmem>>
        %dma_start3A_75 = tpu.memref_squeeze %dma_start3A_74 : memref<1x128xi32, #tpu.memory_space<vmem>> -> memref<128xi32, #tpu.memory_space<vmem>>
        %dma_start3A_76 = arith.constant 0 : i32
        %dma_start3A_77 = arith.constant 0 : i32
        %dma_start3A_78 = tpu.memref_slice %arg5[%dma_start3A_76, %dma_start3A_77] : memref<20480x64xf32, #tpu.memory_space<hbm>> -> memref<20480x64xf32, #tpu.memory_space<hbm>>
        tpu.enqueue_indirect_dma source(%dma_start3A_78 : memref<20480x64xf32, #tpu.memory_space<hbm>>) target(%arg10 : memref<128x64xf32, #tpu.memory_space<vmem>>) offsets(%dma_start3A_75 : memref<128xi32, #tpu.memory_space<vmem>>) semaphore(%arg14 : memref<!tpu.dma_semaphore, #tpu.memory_space<semaphore_mem>>)
      } else {
      }
      %dma_wait3A_62 = arith.constant 0 : i32
      %dma_wait3A_63 = arith.constant 0 : i32
      %dma_wait3A_64 = tpu.memref_slice %arg8[%dma_wait3A_62, %dma_wait3A_63] : memref<160x128xi32, #tpu.memory_space<vmem>> -> memref<1x128xi32, #tpu.memory_space<vmem>>
      %dma_wait3A_65 = tpu.memref_squeeze %dma_wait3A_64 : memref<1x128xi32, #tpu.memory_space<vmem>> -> memref<128xi32, #tpu.memory_space<vmem>>
      %dma_wait3A_66 = arith.constant 0 : i32
      %dma_wait3A_67 = arith.constant 0 : i32
      %dma_wait3A_68 = tpu.memref_slice %arg5[%dma_wait3A_66, %dma_wait3A_67] : memref<20480x64xf32, #tpu.memory_space<hbm>> -> memref<20480x64xf32, #tpu.memory_space<hbm>>
      tpu.wait_indirect_dma semaphore(%arg15 : memref<!tpu.dma_semaphore, #tpu.memory_space<semaphore_mem>>) src(%dma_wait3A_68 : memref<20480x64xf32, #tpu.memory_space<hbm>>) dst(%arg11 : memref<128x64xf32, #tpu.memory_space<vmem>>)
      %add3A_69 = arith.constant 1 : i32
      %add3A_70 = arith.addi %mul3A_43, %add3A_69 : i32
      "tpu.region"() ({
        %run_scoped3A = tpu.sem_alloc : memref<!tpu.dma_semaphore, #tpu.memory_space<semaphore_mem>>
        %dma_start3A_71 = arith.constant 0 : i32
        %dma_start3A_72 = tpu.memref_slice %arg9[%add3A_70, %dma_start3A_71] : memref<160x128xi32, #tpu.memory_space<vmem>> -> memref<1x128xi32, #tpu.memory_space<vmem>>
        %dma_start3A_73 = tpu.memref_squeeze %dma_start3A_72 : memref<1x128xi32, #tpu.memory_space<vmem>> -> memref<128xi32, #tpu.memory_space<vmem>>
        %dma_start3A_74 = arith.constant 0 : i32
        %dma_start3A_75 = arith.constant 0 : i32
        %dma_start3A_76 = tpu.memref_slice %arg13[%dma_start3A_74, %dma_start3A_75] : memref<10240x64xf32, #tpu.memory_space<vmem_shared>> -> memref<10240x64xf32, #tpu.memory_space<vmem_shared>>
        tpu.enqueue_indirect_dma source(%arg11 : memref<128x64xf32, #tpu.memory_space<vmem>>) target(%dma_start3A_76 : memref<10240x64xf32, #tpu.memory_space<vmem_shared>>) offsets(%dma_start3A_73 : memref<128xi32, #tpu.memory_space<vmem>>) semaphore(%run_scoped3A : memref<!tpu.dma_semaphore, #tpu.memory_space<semaphore_mem>>) {add = true}
        %dma_wait3A_77 = arith.constant 0 : i32
        %dma_wait3A_78 = tpu.memref_slice %arg9[%add3A_70, %dma_wait3A_77] : memref<160x128xi32, #tpu.memory_space<vmem>> -> memref<1x128xi32, #tpu.memory_space<vmem>>
        %dma_wait3A_79 = tpu.memref_squeeze %dma_wait3A_78 : memref<1x128xi32, #tpu.memory_space<vmem>> -> memref<128xi32, #tpu.memory_space<vmem>>
        %dma_wait3A_80 = arith.constant 0 : i32
        %dma_wait3A_81 = arith.constant 0 : i32
        %dma_wait3A_82 = tpu.memref_slice %arg13[%dma_wait3A_80, %dma_wait3A_81] : memref<10240x64xf32, #tpu.memory_space<vmem_shared>> -> memref<10240x64xf32, #tpu.memory_space<vmem_shared>>
        tpu.wait_indirect_dma semaphore(%run_scoped3A : memref<!tpu.dma_semaphore, #tpu.memory_space<semaphore_mem>>) src(%arg11 : memref<128x64xf32, #tpu.memory_space<vmem>>) dst(%dma_wait3A_82 : memref<10240x64xf32, #tpu.memory_space<vmem_shared>>)
        tpu.yield
      }) : () -> ()
    }
    %scan3A_35 = arith.constant 80 : i32
    %barrier3A_36 = arith.constant 0 : index
    tpu.barrier barrier_id(%barrier3A_36)
    %mul3A_37 = arith.constant 640 : i32
    %mul3A_38 = arith.muli %arg1, %mul3A_37 : i32
    %mul3A_39 = arith.constant 640 : i32
    %mul3A_40 = arith.muli %arg1, %mul3A_39 : i32
    "tpu.region"() ({
      %run_scoped3A = tpu.sem_alloc : memref<!tpu.dma_semaphore, #tpu.memory_space<semaphore_mem>>
      %dma_start3A_41 = arith.constant 0 : i32
      %dma_start3A_42 = tpu.memref_slice %arg7[%arg0, %mul3A_40, %dma_start3A_41] : memref<2x10240x64xf32, #tpu.memory_space<hbm>> -> memref<1x640x64xf32, #tpu.memory_space<hbm>>
      %dma_start3A_43 = tpu.memref_squeeze %dma_start3A_42 : memref<1x640x64xf32, #tpu.memory_space<hbm>> -> memref<640x64xf32, #tpu.memory_space<hbm>>
      %dma_start3A_44 = arith.constant 0 : i32
      %dma_start3A_45 = tpu.memref_slice %arg13[%mul3A_38, %dma_start3A_44] : memref<10240x64xf32, #tpu.memory_space<vmem_shared>> -> memref<640x64xf32, #tpu.memory_space<vmem_shared>>
      tpu.enqueue_dma source(%dma_start3A_45 : memref<640x64xf32, #tpu.memory_space<vmem_shared>>) target(%dma_start3A_43 : memref<640x64xf32, #tpu.memory_space<hbm>>) target_semaphore(%run_scoped3A : memref<!tpu.dma_semaphore, #tpu.memory_space<semaphore_mem>>)
      %dma_wait3A = arith.constant 0 : i32
      %dma_wait3A_46 = tpu.memref_slice %arg7[%arg0, %mul3A_40, %dma_wait3A] : memref<2x10240x64xf32, #tpu.memory_space<hbm>> -> memref<1x640x64xf32, #tpu.memory_space<hbm>>
      %dma_wait3A_47 = tpu.memref_squeeze %dma_wait3A_46 : memref<1x640x64xf32, #tpu.memory_space<hbm>> -> memref<640x64xf32, #tpu.memory_space<hbm>>
      %dma_wait3A_48 = arith.constant 0 : i32
      %dma_wait3A_49 = tpu.memref_slice %arg13[%mul3A_38, %dma_wait3A_48] : memref<10240x64xf32, #tpu.memory_space<vmem_shared>> -> memref<640x64xf32, #tpu.memory_space<vmem_shared>>
      tpu.wait_dma2 semaphore(%run_scoped3A : memref<!tpu.dma_semaphore, #tpu.memory_space<semaphore_mem>>) src(%dma_wait3A_49 : memref<640x64xf32, #tpu.memory_space<vmem_shared>>) dst(%dma_wait3A_47 : memref<640x64xf32, #tpu.memory_space<hbm>>)
      tpu.yield
    }) : () -> ()
    return
  }
}

module attributes {stable_mosaic.version = 14 : i64} {
  func.func @_dinv_body(%arg0: i32, %arg1: memref<2x128x1xf32, #tpu.memory_space<vmem>>, %arg2: memref<128x1xf32, #tpu.memory_space<vmem>>) attributes {dimension_semantics = [#tpu.dimension_semantics<arbitrary>], iteration_bounds = array<i64: 80>, scalar_prefetch = 0 : i64, scratch_operands = 0 : i64, tpu.core_type = #tpu.core_type<tc>, window_params = [{transform_indices = @transform_0, window_bounds = array<i64: 2, 128, 1>}, {transform_indices = @transform_1, window_bounds = array<i64: 128, 1>}]} {
    %get3A = arith.constant 0 : index
    %get3A_0 = arith.constant 0 : index
    %get3A_1 = arith.constant 0 : index
    %get3A_2 = vector.load %arg1[%get3A, %get3A_0, %get3A_1] : memref<2x128x1xf32, #tpu.memory_space<vmem>>, vector<1x128x1xf32>
    %get3A_3 = vector.shape_cast %get3A_2 : vector<1x128x1xf32> to vector<128x1xf32>
    %get3A_4 = arith.constant 1 : index
    %get3A_5 = arith.constant 0 : index
    %get3A_6 = arith.constant 0 : index
    %get3A_7 = vector.load %arg1[%get3A_4, %get3A_5, %get3A_6] : memref<2x128x1xf32, #tpu.memory_space<vmem>>, vector<1x128x1xf32>
    %get3A_8 = vector.shape_cast %get3A_7 : vector<1x128x1xf32> to vector<128x1xf32>
    %add3A = arith.addf %get3A_3, %get3A_8 : vector<128x1xf32>
    %add3A_9 = arith.constant 1.000000e+00 : f32
    %add3A_10 = vector.broadcast %add3A_9 : f32 to vector<128x1xf32>
    %add3A_11 = arith.addf %add3A, %add3A_10 : vector<128x1xf32>
    %sqrt3A = math.sqrt %add3A_11 : vector<128x1xf32>
    %div3A = arith.constant 1.000000e+00 : f32
    %div3A_12 = vector.broadcast %div3A : f32 to vector<128x1xf32>
    %div3A_13 = arith.divf %div3A_12, %sqrt3A : vector<128x1xf32>
    %swap3A = arith.constant 0 : index
    %swap3A_14 = arith.constant 0 : index
    %swap3A_15 = vector.load %arg2[%swap3A, %swap3A_14] : memref<128x1xf32, #tpu.memory_space<vmem>>, vector<128x1xf32>
    tpu.vector_store %arg2[%swap3A, %swap3A_14], %div3A_13 {strides = array<i32>} : memref<128x1xf32, #tpu.memory_space<vmem>>, vector<128x1xf32>,
    return
  }
  func.func @transform_0(%arg0: i32) -> (i32, i32, i32) {
    %c0_i32 = arith.constant 0 : i32
    %c0_i32_0 = arith.constant 0 : i32
    %c0_i32_1 = arith.constant 0 : i32
    return %c0_i32, %arg0, %c0_i32_0 : i32, i32, i32
  }
  func.func @transform_1(%arg0: i32) -> (i32, i32) {
    %c0_i32 = arith.constant 0 : i32
    %c0_i32_0 = arith.constant 0 : i32
    return %arg0, %c0_i32 : i32, i32
  }
}

module attributes {stable_mosaic.version = 14 : i64} {
  func.func @_mm_body(%arg0: i32, %arg1: memref<128x128xf32, #tpu.memory_space<vmem>>, %arg2: memref<128x128xf32, #tpu.memory_space<vmem>>, %arg3: memref<1x128xf32, #tpu.memory_space<vmem>>, %arg4: memref<1x128xf32, #tpu.memory_space<vmem>>, %arg5: memref<128x1xf32, #tpu.memory_space<vmem>>, %arg6: memref<2x128x64xf32, #tpu.memory_space<vmem>>) attributes {dimension_semantics = [#tpu.dimension_semantics<arbitrary>], iteration_bounds = array<i64: 80>, scalar_prefetch = 0 : i64, scratch_operands = 0 : i64, tpu.core_type = #tpu.core_type<tc>, window_params = [{transform_indices = @transform_0, window_bounds = array<i64: 128, 128>}, {pipeline_mode = #tpu.pipeline_mode<synchronous>, transform_indices = @transform_1, window_bounds = array<i64: 128, 128>}, {pipeline_mode = #tpu.pipeline_mode<synchronous>, transform_indices = @transform_2, window_bounds = array<i64: 1, 128>}, {pipeline_mode = #tpu.pipeline_mode<synchronous>, transform_indices = @transform_3, window_bounds = array<i64: 1, 128>}, {transform_indices = @transform_4, window_bounds = array<i64: 128, 1>}, {transform_indices = @transform_5, window_bounds = array<i64: 2, 128, 64>}]} {
    %get3A = arith.constant 0 : index
    %get3A_0 = arith.constant 0 : index
    %get3A_1 = vector.load %arg1[%get3A, %get3A_0] : memref<128x128xf32, #tpu.memory_space<vmem>>, vector<128x128xf32>
    %get3A_2 = arith.constant 0 : index
    %get3A_3 = arith.constant 0 : index
    %get3A_4 = vector.load %arg3[%get3A_2, %get3A_3] : memref<1x128xf32, #tpu.memory_space<vmem>>, vector<1x128xf32>
    %mul3A = vector.broadcast %get3A_4 : vector<1x128xf32> to vector<128x128xf32>
    %mul3A_5 = arith.mulf %get3A_1, %mul3A : vector<128x128xf32>
    %get3A_6 = arith.constant 0 : index
    %get3A_7 = arith.constant 0 : index
    %get3A_8 = vector.load %arg4[%get3A_6, %get3A_7] : memref<1x128xf32, #tpu.memory_space<vmem>>, vector<1x128xf32>
    %add3A = vector.broadcast %get3A_8 : vector<1x128xf32> to vector<128x128xf32>
    %add3A_9 = arith.addf %mul3A_5, %add3A : vector<128x128xf32>
    %get3A_10 = arith.constant 0 : index
    %get3A_11 = arith.constant 0 : index
    %get3A_12 = vector.load %arg2[%get3A_10, %get3A_11] : memref<128x128xf32, #tpu.memory_space<vmem>>, vector<128x128xf32>
    %dot_general3A = arith.constant dense<0.000000e+00> : vector<128x128xf32>
    %dot_general3A_13 = tpu.matmul %add3A_9, %get3A_12, %dot_general3A {dimension_numbers = #tpu.dot_dimension_numbers<[1], [0], [0], [1], [0, 0, 1, 1], [], []>, transpose_lhs_hint = false} : vector<128x128xf32>, vector<128x128xf32>, vector<128x128xf32> -> vector<128x128xf32>
    %get3A_14 = arith.constant 0 : index
    %get3A_15 = arith.constant 0 : index
    %get3A_16 = vector.load %arg5[%get3A_14, %get3A_15] : memref<128x1xf32, #tpu.memory_space<vmem>>, vector<128x1xf32>
    %mul3A_17 = vector.broadcast %get3A_16 : vector<128x1xf32> to vector<128x128xf32>
    %mul3A_18 = arith.mulf %dot_general3A_13, %mul3A_17 : vector<128x128xf32>
    %mul3A_19 = arith.constant 128 : i32
    %mul3A_20 = arith.muli %arg0, %mul3A_19 : i32
    %iota3A = tpu.iota {dimensions = array<i32: 0>} : vector<128x1xi32>
    %add3A_21 = vector.broadcast %mul3A_20 : i32 to vector<128x1xi32>
    %add3A_22 = arith.addi %add3A_21, %iota3A : vector<128x1xi32>
    %lt3A = arith.constant 10000 : i32
    %lt3A_23 = vector.broadcast %lt3A : i32 to vector<128x1xi32>
    %lt3A_24 = arith.cmpi slt, %add3A_22, %lt3A_23 : vector<128x1xi32>
    %jit3A = arith.constant 0.000000e+00 : f32
    %broadcast_in_dim3A = vector.shape_cast %lt3A_24 : vector<128x1xi1> to vector<128x1xi1>
    %broadcast_in_dim3A_25 = vector.broadcast %broadcast_in_dim3A : vector<128x1xi1> to vector<128x128xi1>
    %broadcast_in_dim3A_26 = vector.broadcast %jit3A : f32 to vector<128x128xf32>
    %select_n3A = arith.select %broadcast_in_dim3A_25, %mul3A_18, %broadcast_in_dim3A_26 : vector<128x128xi1>, vector<128x128xf32>
    %slice3A = vector.extract_strided_slice %select_n3A {offsets = [0, 0], sizes = [128, 64], strides = [1, 1]} : vector<128x128xf32> to vector<128x64xf32>
    %swap3A = arith.constant 0 : index
    %swap3A_27 = arith.constant 0 : index
    %swap3A_28 = arith.constant 0 : index
    %swap3A_29 = vector.load %arg6[%swap3A, %swap3A_27, %swap3A_28] : memref<2x128x64xf32, #tpu.memory_space<vmem>>, vector<1x128x64xf32>
    %swap3A_30 = vector.shape_cast %swap3A_29 : vector<1x128x64xf32> to vector<128x64xf32>
    %swap3A_31 = vector.shape_cast %slice3A : vector<128x64xf32> to vector<1x128x64xf32>
    tpu.vector_store %arg6[%swap3A, %swap3A_27, %swap3A_28], %swap3A_31 {strides = array<i32>} : memref<2x128x64xf32, #tpu.memory_space<vmem>>, vector<1x128x64xf32>,
    %slice3A_32 = vector.extract_strided_slice %select_n3A {offsets = [0, 64], sizes = [128, 64], strides = [1, 1]} : vector<128x128xf32> to vector<128x64xf32>
    %swap3A_33 = arith.constant 1 : index
    %swap3A_34 = arith.constant 0 : index
    %swap3A_35 = arith.constant 0 : index
    %swap3A_36 = vector.load %arg6[%swap3A_33, %swap3A_34, %swap3A_35] : memref<2x128x64xf32, #tpu.memory_space<vmem>>, vector<1x128x64xf32>
    %swap3A_37 = vector.shape_cast %swap3A_36 : vector<1x128x64xf32> to vector<128x64xf32>
    %swap3A_38 = vector.shape_cast %slice3A_32 : vector<128x64xf32> to vector<1x128x64xf32>
    tpu.vector_store %arg6[%swap3A_33, %swap3A_34, %swap3A_35], %swap3A_38 {strides = array<i32>} : memref<2x128x64xf32, #tpu.memory_space<vmem>>, vector<1x128x64xf32>,
    return
  }
  func.func @transform_0(%arg0: i32) -> (i32, i32) {
    %c0_i32 = arith.constant 0 : i32
    %c0_i32_0 = arith.constant 0 : i32
    return %arg0, %c0_i32 : i32, i32
  }
  func.func @transform_1(%arg0: i32) -> (i32, i32) {
    %c0_i32 = arith.constant 0 : i32
    %c0_i32_0 = arith.constant 0 : i32
    %c0_i32_1 = arith.constant 0 : i32
    return %c0_i32, %c0_i32_0 : i32, i32
  }
  func.func @transform_2(%arg0: i32) -> (i32, i32) {
    %c0_i32 = arith.constant 0 : i32
    %c0_i32_0 = arith.constant 0 : i32
    %c0_i32_1 = arith.constant 0 : i32
    return %c0_i32, %c0_i32_0 : i32, i32
  }
  func.func @transform_3(%arg0: i32) -> (i32, i32) {
    %c0_i32 = arith.constant 0 : i32
    %c0_i32_0 = arith.constant 0 : i32
    %c0_i32_1 = arith.constant 0 : i32
    return %c0_i32, %c0_i32_0 : i32, i32
  }
  func.func @transform_4(%arg0: i32) -> (i32, i32) {
    %c0_i32 = arith.constant 0 : i32
    %c0_i32_0 = arith.constant 0 : i32
    return %arg0, %c0_i32 : i32, i32
  }
  func.func @transform_5(%arg0: i32) -> (i32, i32, i32) {
    %c0_i32 = arith.constant 0 : i32
    %c0_i32_0 = arith.constant 0 : i32
    %c0_i32_1 = arith.constant 0 : i32
    return %c0_i32, %arg0, %c0_i32_0 : i32, i32, i32
  }
}

module attributes {stable_mosaic.version = 14 : i64} {
  func.func @_post_body(%arg0: i32, %arg1: memref<2x128x64xf32, #tpu.memory_space<vmem>>, %arg2: memref<2x128x64xf32, #tpu.memory_space<vmem>>, %arg3: memref<1x128xf32, #tpu.memory_space<vmem>>, %arg4: memref<128x1xf32, #tpu.memory_space<vmem>>, %arg5: memref<128x128xf32, #tpu.memory_space<vmem>>, %arg6: memref<2x128xf32, #tpu.memory_space<vmem>>, %arg7: memref<1x128xf32, #tpu.memory_space<vmem>>, %arg8: memref<1x128xf32, #tpu.memory_space<vmem>>) attributes {dimension_semantics = [#tpu.dimension_semantics<arbitrary>], iteration_bounds = array<i64: 80>, scalar_prefetch = 0 : i64, scratch_operands = 2 : i64, tpu.core_type = #tpu.core_type<tc>, window_params = [{transform_indices = @transform_0, window_bounds = array<i64: 2, 128, 64>}, {transform_indices = @transform_1, window_bounds = array<i64: 2, 128, 64>}, {pipeline_mode = #tpu.pipeline_mode<synchronous>, transform_indices = @transform_2, window_bounds = array<i64: 1, 128>}, {transform_indices = @transform_3, window_bounds = array<i64: 128, 1>}, {transform_indices = @transform_4, window_bounds = array<i64: 128, 128>}, {pipeline_mode = #tpu.pipeline_mode<synchronous>, transform_indices = @transform_5, window_bounds = array<i64: 2, 128>}]} {
    %eq3A = arith.constant 0 : i32
    %eq3A_0 = arith.cmpi eq, %arg0, %eq3A : i32
    %convert_element_type3A = arith.extui %eq3A_0 : i1 to i32
    %cond3A = arith.constant 0 : i32
    %cond3A_1 = arith.cmpi ne, %convert_element_type3A, %cond3A : i32
    scf.if %cond3A_1 {
      %broadcast_in_dim3A_121 = arith.constant 0.000000e+00 : f32
      %broadcast_in_dim3A_122 = vector.broadcast %broadcast_in_dim3A_121 : f32 to vector<1x128xf32>
      %swap3A_123 = arith.constant 0 : index
      %swap3A_124 = arith.constant 0 : index
      %swap3A_125 = vector.load %arg7[%swap3A_123, %swap3A_124] : memref<1x128xf32, #tpu.memory_space<vmem>>, vector<1x128xf32>
      tpu.vector_store %arg7[%swap3A_123, %swap3A_124], %broadcast_in_dim3A_122 {strides = array<i32>} : memref<1x128xf32, #tpu.memory_space<vmem>>, vector<1x128xf32>,
      %broadcast_in_dim3A_126 = arith.constant 0.000000e+00 : f32
      %broadcast_in_dim3A_127 = vector.broadcast %broadcast_in_dim3A_126 : f32 to vector<1x128xf32>
      %swap3A_128 = arith.constant 0 : index
      %swap3A_129 = arith.constant 0 : index
      %swap3A_130 = vector.load %arg8[%swap3A_128, %swap3A_129] : memref<1x128xf32, #tpu.memory_space<vmem>>, vector<1x128xf32>
      tpu.vector_store %arg8[%swap3A_128, %swap3A_129], %broadcast_in_dim3A_127 {strides = array<i32>} : memref<1x128xf32, #tpu.memory_space<vmem>>, vector<1x128xf32>,
    } else {
    }
    %mul3A = arith.constant 128 : i32
    %mul3A_2 = arith.muli %arg0, %mul3A : i32
    %iota3A = tpu.iota {dimensions = array<i32: 0>} : vector<128x1xi32>
    %add3A = vector.broadcast %mul3A_2 : i32 to vector<128x1xi32>
    %add3A_3 = arith.addi %add3A, %iota3A : vector<128x1xi32>
    %get3A = arith.constant 0 : index
    %get3A_4 = arith.constant 0 : index
    %get3A_5 = arith.constant 0 : index
    %get3A_6 = vector.load %arg1[%get3A, %get3A_4, %get3A_5] : memref<2x128x64xf32, #tpu.memory_space<vmem>>, vector<1x128x64xf32>
    %get3A_7 = vector.shape_cast %get3A_6 : vector<1x128x64xf32> to vector<128x64xf32>
    %get3A_8 = arith.constant 0 : index
    %get3A_9 = arith.constant 0 : index
    %get3A_10 = arith.constant 0 : index
    %get3A_11 = vector.load %arg2[%get3A_8, %get3A_9, %get3A_10] : memref<2x128x64xf32, #tpu.memory_space<vmem>>, vector<1x128x64xf32>
    %get3A_12 = vector.shape_cast %get3A_11 : vector<1x128x64xf32> to vector<128x64xf32>
    %add3A_13 = arith.addf %get3A_7, %get3A_12 : vector<128x64xf32>
    %get3A_14 = arith.constant 0 : index
    %get3A_15 = arith.constant 0 : index
    %get3A_16 = vector.load %arg4[%get3A_14, %get3A_15] : memref<128x1xf32, #tpu.memory_space<vmem>>, vector<128x1xf32>
    %mul3A_17 = vector.broadcast %get3A_16 : vector<128x1xf32> to vector<128x64xf32>
    %mul3A_18 = arith.mulf %mul3A_17, %add3A_13 : vector<128x64xf32>
    %get3A_19 = arith.constant 0 : index
    %get3A_20 = arith.constant 0 : index
    %get3A_21 = vector.load %arg3[%get3A_19, %get3A_20] : memref<1x128xf32, #tpu.memory_space<vmem>>, vector<1x64xf32>
    %add3A_22 = vector.broadcast %get3A_21 : vector<1x64xf32> to vector<128x64xf32>
    %add3A_23 = arith.addf %mul3A_18, %add3A_22 : vector<128x64xf32>
    %ge3A = arith.constant 0.000000e+00 : f32
    %ge3A_24 = vector.broadcast %ge3A : f32 to vector<128x64xf32>
    %ge3A_25 = arith.cmpf oge, %add3A_23, %ge3A_24 : vector<128x64xf32>
    %mul3A_26 = arith.constant 0.00999999977 : f32
    %mul3A_27 = vector.broadcast %mul3A_26 : f32 to vector<128x64xf32>
    %mul3A_28 = arith.mulf %mul3A_27, %add3A_23 : vector<128x64xf32>
    %select_n3A = arith.select %ge3A_25, %add3A_23, %mul3A_28 : vector<128x64xi1>, vector<128x64xf32>
    %swap3A = arith.constant 0 : index
    %swap3A_29 = arith.constant 0 : index
    %swap3A_30 = vector.load %arg5[%swap3A, %swap3A_29] : memref<128x128xf32, #tpu.memory_space<vmem>>, vector<128x64xf32>
    tpu.vector_store %arg5[%swap3A, %swap3A_29], %select_n3A {strides = array<i32>} : memref<128x128xf32, #tpu.memory_space<vmem>>, vector<128x64xf32>,
    %lt3A = arith.constant 10000 : i32
    %lt3A_31 = vector.broadcast %lt3A : i32 to vector<128x1xi32>
    %lt3A_32 = arith.cmpi slt, %add3A_3, %lt3A_31 : vector<128x1xi32>
    %jit3A = arith.constant 0.000000e+00 : f32
    %broadcast_in_dim3A = vector.shape_cast %lt3A_32 : vector<128x1xi1> to vector<128x1xi1>
    %broadcast_in_dim3A_33 = vector.broadcast %broadcast_in_dim3A : vector<128x1xi1> to vector<128x64xi1>
    %broadcast_in_dim3A_34 = vector.broadcast %jit3A : f32 to vector<128x64xf32>
    %select_n3A_35 = arith.select %broadcast_in_dim3A_33, %select_n3A, %broadcast_in_dim3A_34 : vector<128x64xi1>, vector<128x64xf32>
    %get3A_36 = arith.constant 0 : index
    %get3A_37 = arith.constant 0 : index
    %get3A_38 = vector.load %arg7[%get3A_36, %get3A_37] : memref<1x128xf32, #tpu.memory_space<vmem>>, vector<1x64xf32>
    %reduce_sum3A = arith.constant dense<0.000000e+00> : vector<64xf32>
    %reduce_sum3A_39 = vector.multi_reduction <add>, %select_n3A_35, %reduce_sum3A [0] : vector<128x64xf32> to vector<64xf32>
    %broadcast_in_dim3A_40 = vector.shape_cast %reduce_sum3A_39 : vector<64xf32> to vector<1x64xf32>
    %add3A_41 = arith.addf %get3A_38, %broadcast_in_dim3A_40 : vector<1x64xf32>
    %swap3A_42 = arith.constant 0 : index
    %swap3A_43 = arith.constant 0 : index
    %swap3A_44 = vector.load %arg7[%swap3A_42, %swap3A_43] : memref<1x128xf32, #tpu.memory_space<vmem>>, vector<1x64xf32>
    tpu.vector_store %arg7[%swap3A_42, %swap3A_43], %add3A_41 {strides = array<i32>} : memref<1x128xf32, #tpu.memory_space<vmem>>, vector<1x64xf32>,
    %get3A_45 = arith.constant 0 : index
    %get3A_46 = arith.constant 0 : index
    %get3A_47 = vector.load %arg8[%get3A_45, %get3A_46] : memref<1x128xf32, #tpu.memory_space<vmem>>, vector<1x64xf32>
    %mul3A_48 = arith.mulf %select_n3A_35, %select_n3A_35 : vector<128x64xf32>
    %reduce_sum3A_49 = arith.constant dense<0.000000e+00> : vector<64xf32>
    %reduce_sum3A_50 = vector.multi_reduction <add>, %mul3A_48, %reduce_sum3A_49 [0] : vector<128x64xf32> to vector<64xf32>
    %broadcast_in_dim3A_51 = vector.shape_cast %reduce_sum3A_50 : vector<64xf32> to vector<1x64xf32>
    %add3A_52 = arith.addf %get3A_47, %broadcast_in_dim3A_51 : vector<1x64xf32>
    %swap3A_53 = arith.constant 0 : index
    %swap3A_54 = arith.constant 0 : index
    %swap3A_55 = vector.load %arg8[%swap3A_53, %swap3A_54] : memref<1x128xf32, #tpu.memory_space<vmem>>, vector<1x64xf32>
    tpu.vector_store %arg8[%swap3A_53, %swap3A_54], %add3A_52 {strides = array<i32>} : memref<1x128xf32, #tpu.memory_space<vmem>>, vector<1x64xf32>,
    %get3A_56 = arith.constant 1 : index
    %get3A_57 = arith.constant 0 : index
    %get3A_58 = arith.constant 0 : index
    %get3A_59 = vector.load %arg1[%get3A_56, %get3A_57, %get3A_58] : memref<2x128x64xf32, #tpu.memory_space<vmem>>, vector<1x128x64xf32>
    %get3A_60 = vector.shape_cast %get3A_59 : vector<1x128x64xf32> to vector<128x64xf32>
    %get3A_61 = arith.constant 1 : index
    %get3A_62 = arith.constant 0 : index
    %get3A_63 = arith.constant 0 : index
    %get3A_64 = vector.load %arg2[%get3A_61, %get3A_62, %get3A_63] : memref<2x128x64xf32, #tpu.memory_space<vmem>>, vector<1x128x64xf32>
    %get3A_65 = vector.shape_cast %get3A_64 : vector<1x128x64xf32> to vector<128x64xf32>
    %add3A_66 = arith.addf %get3A_60, %get3A_65 : vector<128x64xf32>
    %get3A_67 = arith.constant 0 : index
    %get3A_68 = arith.constant 0 : index
    %get3A_69 = vector.load %arg4[%get3A_67, %get3A_68] : memref<128x1xf32, #tpu.memory_space<vmem>>, vector<128x1xf32>
    %mul3A_70 = vector.broadcast %get3A_69 : vector<128x1xf32> to vector<128x64xf32>
    %mul3A_71 = arith.mulf %mul3A_70, %add3A_66 : vector<128x64xf32>
    %get3A_72 = arith.constant 0 : index
    %get3A_73 = arith.constant 64 : index
    %get3A_74 = vector.load %arg3[%get3A_72, %get3A_73] : memref<1x128xf32, #tpu.memory_space<vmem>>, vector<1x64xf32>
    %add3A_75 = vector.broadcast %get3A_74 : vector<1x64xf32> to vector<128x64xf32>
    %add3A_76 = arith.addf %mul3A_71, %add3A_75 : vector<128x64xf32>
    %ge3A_77 = arith.constant 0.000000e+00 : f32
    %ge3A_78 = vector.broadcast %ge3A_77 : f32 to vector<128x64xf32>
    %ge3A_79 = arith.cmpf oge, %add3A_76, %ge3A_78 : vector<128x64xf32>
    %mul3A_80 = arith.constant 0.00999999977 : f32
    %mul3A_81 = vector.broadcast %mul3A_80 : f32 to vector<128x64xf32>
    %mul3A_82 = arith.mulf %mul3A_81, %add3A_76 : vector<128x64xf32>
    %select_n3A_83 = arith.select %ge3A_79, %add3A_76, %mul3A_82 : vector<128x64xi1>, vector<128x64xf32>
    %swap3A_84 = arith.constant 0 : index
    %swap3A_85 = arith.constant 64 : index
    %swap3A_86 = vector.load %arg5[%swap3A_84, %swap3A_85] : memref<128x128xf32, #tpu.memory_space<vmem>>, vector<128x64xf32>
    tpu.vector_store %arg5[%swap3A_84, %swap3A_85], %select_n3A_83 {strides = array<i32>} : memref<128x128xf32, #tpu.memory_space<vmem>>, vector<128x64xf32>,
    %lt3A_87 = arith.constant 10000 : i32
    %lt3A_88 = vector.broadcast %lt3A_87 : i32 to vector<128x1xi32>
    %lt3A_89 = arith.cmpi slt, %add3A_3, %lt3A_88 : vector<128x1xi32>
    %jit3A_90 = arith.constant 0.000000e+00 : f32
    %broadcast_in_dim3A_91 = vector.shape_cast %lt3A_89 : vector<128x1xi1> to vector<128x1xi1>
    %broadcast_in_dim3A_92 = vector.broadcast %broadcast_in_dim3A_91 : vector<128x1xi1> to vector<128x64xi1>
    %broadcast_in_dim3A_93 = vector.broadcast %jit3A_90 : f32 to vector<128x64xf32>
    %select_n3A_94 = arith.select %broadcast_in_dim3A_92, %select_n3A_83, %broadcast_in_dim3A_93 : vector<128x64xi1>, vector<128x64xf32>
    %get3A_95 = arith.constant 0 : index
    %get3A_96 = arith.constant 64 : index
    %get3A_97 = vector.load %arg7[%get3A_95, %get3A_96] : memref<1x128xf32, #tpu.memory_space<vmem>>, vector<1x64xf32>
    %reduce_sum3A_98 = arith.constant dense<0.000000e+00> : vector<64xf32>
    %reduce_sum3A_99 = vector.multi_reduction <add>, %select_n3A_94, %reduce_sum3A_98 [0] : vector<128x64xf32> to vector<64xf32>
    %broadcast_in_dim3A_100 = vector.shape_cast %reduce_sum3A_99 : vector<64xf32> to vector<1x64xf32>
    %add3A_101 = arith.addf %get3A_97, %broadcast_in_dim3A_100 : vector<1x64xf32>
    %swap3A_102 = arith.constant 0 : index
    %swap3A_103 = arith.constant 64 : index
    %swap3A_104 = vector.load %arg7[%swap3A_102, %swap3A_103] : memref<1x128xf32, #tpu.memory_space<vmem>>, vector<1x64xf32>
    tpu.vector_store %arg7[%swap3A_102, %swap3A_103], %add3A_101 {strides = array<i32>} : memref<1x128xf32, #tpu.memory_space<vmem>>, vector<1x64xf32>,
    %get3A_105 = arith.constant 0 : index
    %get3A_106 = arith.constant 64 : index
    %get3A_107 = vector.load %arg8[%get3A_105, %get3A_106] : memref<1x128xf32, #tpu.memory_space<vmem>>, vector<1x64xf32>
    %mul3A_108 = arith.mulf %select_n3A_94, %select_n3A_94 : vector<128x64xf32>
    %reduce_sum3A_109 = arith.constant dense<0.000000e+00> : vector<64xf32>
    %reduce_sum3A_110 = vector.multi_reduction <add>, %mul3A_108, %reduce_sum3A_109 [0] : vector<128x64xf32> to vector<64xf32>
    %broadcast_in_dim3A_111 = vector.shape_cast %reduce_sum3A_110 : vector<64xf32> to vector<1x64xf32>
    %add3A_112 = arith.addf %get3A_107, %broadcast_in_dim3A_111 : vector<1x64xf32>
    %swap3A_113 = arith.constant 0 : index
    %swap3A_114 = arith.constant 64 : index
    %swap3A_115 = vector.load %arg8[%swap3A_113, %swap3A_114] : memref<1x128xf32, #tpu.memory_space<vmem>>, vector<1x64xf32>
    tpu.vector_store %arg8[%swap3A_113, %swap3A_114], %add3A_112 {strides = array<i32>} : memref<1x128xf32, #tpu.memory_space<vmem>>, vector<1x64xf32>,
    %eq3A_116 = arith.constant 79 : i32
    %eq3A_117 = arith.cmpi eq, %arg0, %eq3A_116 : i32
    %convert_element_type3A_118 = arith.extui %eq3A_117 : i1 to i32
    %cond3A_119 = arith.constant 0 : i32
    %cond3A_120 = arith.cmpi ne, %convert_element_type3A_118, %cond3A_119 : i32
    scf.if %cond3A_120 {
      %get3A_121 = arith.constant 0 : index
      %get3A_122 = arith.constant 0 : index
      %get3A_123 = vector.load %arg7[%get3A_121, %get3A_122] : memref<1x128xf32, #tpu.memory_space<vmem>>, vector<1x128xf32>
      %get3A_124 = arith.constant 0 : index
      %get3A_125 = arith.constant 0 : index
      %get3A_126 = vector.load %arg8[%get3A_124, %get3A_125] : memref<1x128xf32, #tpu.memory_space<vmem>>, vector<1x128xf32>
      %concatenate3A = tpu.concatenate %get3A_123, %get3A_126 in 0 : vector<1x128xf32>, vector<1x128xf32> -> vector<2x128xf32>
      %swap3A_127 = arith.constant 0 : index
      %swap3A_128 = arith.constant 0 : index
      %swap3A_129 = vector.load %arg6[%swap3A_127, %swap3A_128] : memref<2x128xf32, #tpu.memory_space<vmem>>, vector<2x128xf32>
      tpu.vector_store %arg6[%swap3A_127, %swap3A_128], %concatenate3A {strides = array<i32>} : memref<2x128xf32, #tpu.memory_space<vmem>>, vector<2x128xf32>,
    } else {
    }
    return
  }
  func.func @transform_0(%arg0: i32) -> (i32, i32, i32) {
    %c0_i32 = arith.constant 0 : i32
    %c0_i32_0 = arith.constant 0 : i32
    %c0_i32_1 = arith.constant 0 : i32
    return %c0_i32, %arg0, %c0_i32_0 : i32, i32, i32
  }
  func.func @transform_1(%arg0: i32) -> (i32, i32, i32) {
    %c0_i32 = arith.constant 0 : i32
    %c0_i32_0 = arith.constant 0 : i32
    %c0_i32_1 = arith.constant 0 : i32
    return %c0_i32, %arg0, %c0_i32_0 : i32, i32, i32
  }
  func.func @transform_2(%arg0: i32) -> (i32, i32) {
    %c0_i32 = arith.constant 0 : i32
    %c0_i32_0 = arith.constant 0 : i32
    %c0_i32_1 = arith.constant 0 : i32
    return %c0_i32, %c0_i32_0 : i32, i32
  }
  func.func @transform_3(%arg0: i32) -> (i32, i32) {
    %c0_i32 = arith.constant 0 : i32
    %c0_i32_0 = arith.constant 0 : i32
    return %arg0, %c0_i32 : i32, i32
  }
  func.func @transform_4(%arg0: i32) -> (i32, i32) {
    %c0_i32 = arith.constant 0 : i32
    %c0_i32_0 = arith.constant 0 : i32
    return %arg0, %c0_i32 : i32, i32
  }
  func.func @transform_5(%arg0: i32) -> (i32, i32) {
    %c0_i32 = arith.constant 0 : i32
    %c0_i32_0 = arith.constant 0 : i32
    %c0_i32_1 = arith.constant 0 : i32
    return %c0_i32, %c0_i32_0 : i32, i32
  }
}

module attributes {stable_mosaic.version = 14 : i64} {
  func.func @_final_body(%arg0: i32, %arg1: memref<2x128x64xf32, #tpu.memory_space<vmem>>, %arg2: memref<2x128x64xf32, #tpu.memory_space<vmem>>, %arg3: memref<1x128xf32, #tpu.memory_space<vmem>>, %arg4: memref<128x1xf32, #tpu.memory_space<vmem>>, %arg5: memref<128x128xf32, #tpu.memory_space<vmem>>) attributes {dimension_semantics = [#tpu.dimension_semantics<arbitrary>], iteration_bounds = array<i64: 80>, scalar_prefetch = 0 : i64, scratch_operands = 0 : i64, tpu.core_type = #tpu.core_type<tc>, window_params = [{transform_indices = @transform_0, window_bounds = array<i64: 2, 128, 64>}, {transform_indices = @transform_1, window_bounds = array<i64: 2, 128, 64>}, {pipeline_mode = #tpu.pipeline_mode<synchronous>, transform_indices = @transform_2, window_bounds = array<i64: 1, 128>}, {transform_indices = @transform_3, window_bounds = array<i64: 128, 1>}, {transform_indices = @transform_4, window_bounds = array<i64: 128, 128>}]} {
    %get3A = arith.constant 0 : index
    %get3A_0 = arith.constant 0 : index
    %get3A_1 = arith.constant 0 : index
    %get3A_2 = vector.load %arg1[%get3A, %get3A_0, %get3A_1] : memref<2x128x64xf32, #tpu.memory_space<vmem>>, vector<1x128x64xf32>
    %get3A_3 = vector.shape_cast %get3A_2 : vector<1x128x64xf32> to vector<128x64xf32>
    %get3A_4 = arith.constant 0 : index
    %get3A_5 = arith.constant 0 : index
    %get3A_6 = arith.constant 0 : index
    %get3A_7 = vector.load %arg2[%get3A_4, %get3A_5, %get3A_6] : memref<2x128x64xf32, #tpu.memory_space<vmem>>, vector<1x128x64xf32>
    %get3A_8 = vector.shape_cast %get3A_7 : vector<1x128x64xf32> to vector<128x64xf32>
    %add3A = arith.addf %get3A_3, %get3A_8 : vector<128x64xf32>
    %get3A_9 = arith.constant 0 : index
    %get3A_10 = arith.constant 0 : index
    %get3A_11 = vector.load %arg4[%get3A_9, %get3A_10] : memref<128x1xf32, #tpu.memory_space<vmem>>, vector<128x1xf32>
    %mul3A = vector.broadcast %get3A_11 : vector<128x1xf32> to vector<128x64xf32>
    %mul3A_12 = arith.mulf %mul3A, %add3A : vector<128x64xf32>
    %get3A_13 = arith.constant 0 : index
    %get3A_14 = arith.constant 0 : index
    %get3A_15 = vector.load %arg3[%get3A_13, %get3A_14] : memref<1x128xf32, #tpu.memory_space<vmem>>, vector<1x64xf32>
    %add3A_16 = vector.broadcast %get3A_15 : vector<1x64xf32> to vector<128x64xf32>
    %add3A_17 = arith.addf %mul3A_12, %add3A_16 : vector<128x64xf32>
    %ge3A = arith.constant 0.000000e+00 : f32
    %ge3A_18 = vector.broadcast %ge3A : f32 to vector<128x64xf32>
    %ge3A_19 = arith.cmpf oge, %add3A_17, %ge3A_18 : vector<128x64xf32>
    %mul3A_20 = arith.constant 0.00999999977 : f32
    %mul3A_21 = vector.broadcast %mul3A_20 : f32 to vector<128x64xf32>
    %mul3A_22 = arith.mulf %mul3A_21, %add3A_17 : vector<128x64xf32>
    %select_n3A = arith.select %ge3A_19, %add3A_17, %mul3A_22 : vector<128x64xi1>, vector<128x64xf32>
    %swap3A = arith.constant 0 : index
    %swap3A_23 = arith.constant 0 : index
    %swap3A_24 = vector.load %arg5[%swap3A, %swap3A_23] : memref<128x128xf32, #tpu.memory_space<vmem>>, vector<128x64xf32>
    tpu.vector_store %arg5[%swap3A, %swap3A_23], %select_n3A {strides = array<i32>} : memref<128x128xf32, #tpu.memory_space<vmem>>, vector<128x64xf32>,
    %get3A_25 = arith.constant 1 : index
    %get3A_26 = arith.constant 0 : index
    %get3A_27 = arith.constant 0 : index
    %get3A_28 = vector.load %arg1[%get3A_25, %get3A_26, %get3A_27] : memref<2x128x64xf32, #tpu.memory_space<vmem>>, vector<1x128x64xf32>
    %get3A_29 = vector.shape_cast %get3A_28 : vector<1x128x64xf32> to vector<128x64xf32>
    %get3A_30 = arith.constant 1 : index
    %get3A_31 = arith.constant 0 : index
    %get3A_32 = arith.constant 0 : index
    %get3A_33 = vector.load %arg2[%get3A_30, %get3A_31, %get3A_32] : memref<2x128x64xf32, #tpu.memory_space<vmem>>, vector<1x128x64xf32>
    %get3A_34 = vector.shape_cast %get3A_33 : vector<1x128x64xf32> to vector<128x64xf32>
    %add3A_35 = arith.addf %get3A_29, %get3A_34 : vector<128x64xf32>
    %get3A_36 = arith.constant 0 : index
    %get3A_37 = arith.constant 0 : index
    %get3A_38 = vector.load %arg4[%get3A_36, %get3A_37] : memref<128x1xf32, #tpu.memory_space<vmem>>, vector<128x1xf32>
    %mul3A_39 = vector.broadcast %get3A_38 : vector<128x1xf32> to vector<128x64xf32>
    %mul3A_40 = arith.mulf %mul3A_39, %add3A_35 : vector<128x64xf32>
    %get3A_41 = arith.constant 0 : index
    %get3A_42 = arith.constant 64 : index
    %get3A_43 = vector.load %arg3[%get3A_41, %get3A_42] : memref<1x128xf32, #tpu.memory_space<vmem>>, vector<1x64xf32>
    %add3A_44 = vector.broadcast %get3A_43 : vector<1x64xf32> to vector<128x64xf32>
    %add3A_45 = arith.addf %mul3A_40, %add3A_44 : vector<128x64xf32>
    %ge3A_46 = arith.constant 0.000000e+00 : f32
    %ge3A_47 = vector.broadcast %ge3A_46 : f32 to vector<128x64xf32>
    %ge3A_48 = arith.cmpf oge, %add3A_45, %ge3A_47 : vector<128x64xf32>
    %mul3A_49 = arith.constant 0.00999999977 : f32
    %mul3A_50 = vector.broadcast %mul3A_49 : f32 to vector<128x64xf32>
    %mul3A_51 = arith.mulf %mul3A_50, %add3A_45 : vector<128x64xf32>
    %select_n3A_52 = arith.select %ge3A_48, %add3A_45, %mul3A_51 : vector<128x64xi1>, vector<128x64xf32>
    %swap3A_53 = arith.constant 0 : index
    %swap3A_54 = arith.constant 64 : index
    %swap3A_55 = vector.load %arg5[%swap3A_53, %swap3A_54] : memref<128x128xf32, #tpu.memory_space<vmem>>, vector<128x64xf32>
    tpu.vector_store %arg5[%swap3A_53, %swap3A_54], %select_n3A_52 {strides = array<i32>} : memref<128x128xf32, #tpu.memory_space<vmem>>, vector<128x64xf32>,
    return
  }
  func.func @transform_0(%arg0: i32) -> (i32, i32, i32) {
    %c0_i32 = arith.constant 0 : i32
    %c0_i32_0 = arith.constant 0 : i32
    %c0_i32_1 = arith.constant 0 : i32
    return %c0_i32, %arg0, %c0_i32_0 : i32, i32, i32
  }
  func.func @transform_1(%arg0: i32) -> (i32, i32, i32) {
    %c0_i32 = arith.constant 0 : i32
    %c0_i32_0 = arith.constant 0 : i32
    %c0_i32_1 = arith.constant 0 : i32
    return %c0_i32, %arg0, %c0_i32_0 : i32, i32, i32
  }
  func.func @transform_2(%arg0: i32) -> (i32, i32) {
    %c0_i32 = arith.constant 0 : i32
    %c0_i32_0 = arith.constant 0 : i32
    %c0_i32_1 = arith.constant 0 : i32
    return %c0_i32, %c0_i32_0 : i32, i32
  }
  func.func @transform_3(%arg0: i32) -> (i32, i32) {
    %c0_i32 = arith.constant 0 : i32
    %c0_i32_0 = arith.constant 0 : i32
    return %arg0, %c0_i32 : i32, i32
  }
  func.func @transform_4(%arg0: i32) -> (i32, i32) {
    %c0_i32 = arith.constant 0 : i32
    %c0_i32_0 = arith.constant 0 : i32
    return %arg0, %c0_i32 : i32, i32
  }
}

</mosaic_0001>

<sc_bundles>
// kernel: kernel.13.cloned.1.call-start
scs
__scs_entry_jumppad:
0x0: {  	(pc) =	sbr.rel $0x88, $3  }
0x1: {  	(tag) =	ssettag $0x0;
	lr =	simm.s32 $0x1  }
0x2: {  	[smem:$0x3F95] =	sst lr;
	_ =	strace $0xD0000000  }
0x3: {  	_ = 	snop  }
0x4: {  	_ = 	snop  }
0x5: {  	_ = 	snop  }
0x6: {  	_ = 	snop  }
0x7: {  	_ = 	snop  }
__scs_overlays_trampoline_lowered:
0x8: {  	[smem:$0x3FA4] =	sst s0  }
0x9: {  	[smem:$0x3FA5] =	sst s1  }
0xa: {  	[smem:$0x3FA6] =	sst s2  }
0xb: {  	[smem:$0x3FA7] =	sst s3  }
0xc: {  	[smem:$0x3FA8] =	sst s4  }
0xd: {  	[smem:$0x3FA9] =	sst s5  }
0xe: {  	[smem:$0x3FAA] =	sst s6  }
0xf: {  	[smem:$0x3FAB] =	sst s7  }
0x10: {  	[smem:$0x3FAC] =	sst s8  }
0x11: {  	[smem:$0x3FAD] =	sst s9;
	s0 =	simm.s32 @!p0 $0x0  }
0x12: {  	s1 =	sld [smem:$0x3F93];
	s0 =	simm.s32 @p0 $0x1  }
0x13: {  	[smem:$0x3FAE] =	sst s0;
	s0 =	simm.s32 @!p1 $0x0  }
0x14: {  	s2 =	sld [smem:$0x3F92];
	s0 =	simm.s32 @p1 $0x1  }
0x15: {  	[smem:$0x3FAF] =	sst s0;
	s0 =	simm.s32 @!p2 $0x0  }
0x16: {  	s3 =	sld [smem:$0x3FDB];
	s0 =	simm.s32 @p2 $0x1  }
0x17: {  	s4 =	simm.s32 $0x1BF5;
	[smem:$0x3FB1] =	sst s0  }
0x18: {  	s0 =	sld [smem:$0x3F94];
	_ =	swait.ge [sflag:s4], $0x0  }
0x19: {  	s7 =	sld [smem:$0x3F95]  }
0x1a: {  	s8 =	sadd.s32 $0xFFFFE003, lr  }
0x1b: {  	s9 =	sadd.s32 $0xFFFFFEF7, lr;
	s5 =	simm.s32 $0xFFFFFFFF;
	p2 =	slt.u32 s8, $0xFFFFF086  }
0x1c: {  	p1 =	slt.u32 s9, $0xF7A;
	s5 =	simm.s32 @!p2 $0x0  }
0x1d: {  	s5 =	simm.s32 @p1 $0x1;
	p0 =	seq.s32 s7, s2  }
0x1e: {  	s7 =	smul.u32 @!p0 $0xF7A, s2;
	p2 =	seq.s32 @!p0 s5, $0x0  }
0x1f: {  	s9 =	smul.u32 $0xF7A, s1;
	s8 =	simm.s32 @!p0 $0x1BF5;
	p2 =	por !p2, p0  }
0x20: {  	[sflag:s8] =	ssyncset.s32 @!p0 $0xFFFFF086;
	s6 =	sadd.s32 @!p0 s3, s7;
	s7 =	simm.s32 @!p0 $0x108  }
0x21: {  	s3 =	sadd.s32 s3, s9;
	s6 =	sadd.s32 @!p0 $0x88, s6;
	s7 =	simm.s32 @p2 $0x1082  }
0x22: {  	[simem:s7], [sflag:s8] =	dma.local @!p0 [hbm:s6], $0xF7A  }
0x23: {  	s9 =	sor.u32 $0xD0000000, s2;
	s6 =	simm.s32 $0x108;
	_ =	swait.ge @!p0 [sflag:s8], $0x0  }
0x24: {  	s3 =	sadd.s32 $0x88, s3;
	s6 =	simm.s32 @!p1 $0x1082;
	[sflag:s4] =	ssyncset.s32 $0xFFFFF086  }
0x25: {  	[simem:s6], [sflag:s4] =	dma.local [hbm:s3], $0xF7A  }
0x26: {  	[smem:$0x3F95] =	sst s1;
	(tag) =	ssettag s2;
	_ =	strace s9  }
0x27: {  	s1 =	sld [smem:$0x3FA5]  }
0x28: {  	s2 =	sld [smem:$0x3FA6]  }
0x29: {  	s4 =	sld [smem:$0x3FA8]  }
0x2a: {  	p0 =	seq.s32 s5, $0x0;
	s5 =	sld [smem:$0x3FA9]  }
0x2b: {  	s6 =	sld [smem:$0x3FAA]  }
0x2c: {  	s7 =	sld [smem:$0x3FAB]  }
0x2d: {  	s3 =	simm.s32 $0x108;
	s8 =	sld [smem:$0x3FAC]  }
0x2e: {  	s3 =	simm.s32 @!p0 $0x1082;
	s9 =	sld [smem:$0x3FAD]  }
0x2f: {  	lr =	sadd.s32 s0, s3;
	s0 =	sld [smem:$0x3FA4]  }
0x30: {  	s3 =	sld [smem:$0x3FA7]  }
0x31: {  	[smem:$0x3FB0] =	sst s10  }
0x32: {  	s10 =	sld [smem:$0x3FAE];
	_ =	sdelay $0x3  }
0x33: {  	p0 =	seq.s32 s10, $0x1;
	s10 =	sld [smem:$0x3FB0];
	_ =	sdelay $0x3  }
0x34: {  	[smem:$0x3FB0] =	sst s10  }
0x35: {  	s10 =	sld [smem:$0x3FAF];
	_ =	sdelay $0x3  }
0x36: {  	p1 =	seq.s32 s10, $0x1;
	s10 =	sld [smem:$0x3FB0];
	_ =	sdelay $0x3  }
0x37: {  	[smem:$0x3FB0] =	sst s10  }
0x38: {  	s10 =	sld [smem:$0x3FB1]  }
0x39: {  	_ = 	snop;
	(pc) =	sbr.ind lr, $3  }
0x3a: {  	_ = 	snop  }
0x3b: {  	_ = 	snop  }
0x3c: {  	p2 =	seq.s32 s10, $0x1;
	s10 =	sld [smem:$0x3FB0]  }
0x3d: {  	_ =	shalt  }
0x3e: {  	_ =	shalt  }
0x3f: {  	_ =	shalt  }
0x40: {  	_ =	shalt  }
0x41: {  	_ =	shalt  }
0x42: {  	_ =	shalt  }
0x43: {  	_ =	shalt  }
0x44: {  	_ =	shalt  }
0x45: {  	_ =	shalt  }
0x46: {  	_ =	shalt  }
0x47: {  	_ =	shalt  }
0x48: {  	_ =	shalt  }
0x49: {  	_ =	shalt  }
0x4a: {  	_ =	shalt  }
0x4b: {  	_ =	shalt  }
0x4c: {  	_ =	shalt  }
0x4d: {  	_ =	shalt  }
0x4e: {  	_ =	shalt  }
0x4f: {  	_ =	shalt  }
0x50: {  	_ =	shalt  }
0x51: {  	_ =	shalt  }
0x52: {  	_ =	shalt  }
0x53: {  	_ =	shalt  }
0x54: {  	_ =	shalt  }
0x55: {  	_ =	shalt  }
0x56: {  	_ =	shalt  }
0x57: {  	_ =	shalt  }
0x58: {  	_ =	shalt  }
0x59: {  	_ =	shalt  }
0x5a: {  	_ =	shalt  }
0x5b: {  	_ =	shalt  }
0x5c: {  	_ =	shalt  }
0x5d: {  	_ =	shalt  }
0x5e: {  	_ =	shalt  }
0x5f: {  	_ =	shalt  }
0x60: {  	_ =	shalt  }
0x61: {  	_ =	shalt  }
0x62: {  	_ =	shalt  }
0x63: {  	_ =	shalt  }
0x64: {  	_ =	shalt  }
0x65: {  	_ =	shalt  }
0x66: {  	_ =	shalt  }
0x67: {  	_ =	shalt  }
0x68: {  	_ =	shalt  }
0x69: {  	_ =	shalt  }
0x6a: {  	_ =	shalt  }
0x6b: {  	_ =	shalt  }
0x6c: {  	_ =	shalt  }
0x6d: {  	_ =	shalt  }
0x6e: {  	_ =	shalt  }
0x6f: {  	_ =	shalt  }
0x70: {  	_ =	shalt  }
0x71: {  	_ =	shalt  }
0x72: {  	_ =	shalt  }
0x73: {  	_ =	shalt  }
0x74: {  	_ =	shalt  }
0x75: {  	_ =	shalt  }
0x76: {  	_ =	shalt  }
0x77: {  	_ =	shalt  }
0x78: {  	_ =	shalt  }
0x79: {  	_ =	shalt  }
0x7a: {  	_ =	shalt  }
0x7b: {  	_ =	shalt  }
0x7c: {  	_ =	shalt  }
0x7d: {  	_ =	shalt  }
0x7e: {  	_ =	shalt  }
0x7f: {  	_ =	shalt  }
0x80: {  	_ =	shalt  }
0x81: {  	_ =	shalt  }
0x82: {  	_ =	shalt  }
0x83: {  	_ =	shalt  }
0x84: {  	_ =	shalt  }
0x85: {  	_ =	shalt  }
0x86: {  	_ =	shalt  }
0x87: {  	_ =	shalt  }
.Lfunc_end0:
.L_simem_size_0:
called_computation_lowered:
.L_overlay_start_0:
0x88: {  	s2 =	sld [smem:$0x3FD9]  }
0x89: {  	s3 =	sld [smem:$0x3FFE];
	_ =	sdelay $0x1  }
0x8a: {  	s1 =	srdreg.scid  }
0x8b: {  	s0 =	sand.u32 $0x1, s1  }
0x8c: {  	s16 =	sshll.u32 s0, $0xA;
	s2 =	sadd.s32 s3, s2  }
0x8d: {  	s2 =	sadd.s32 s2, s16  }
0x8e: {  	[smem:$0x3FBC] =	sst s2  }
0x8f: {  	_ = 	snop  }
0x90: {  	(tm) =	ssettm $0x1  }
0x91: {  	s17 =	sld [smem:$0x3FFB];
	_ =	sdelay $0x3  }
0x92: {  	_ =	strace s17  }
0x93: {  	s2 =	sld [smem:$0x3FFC];
	_ =	sdelay $0x3  }
0x94: {  	_ =	strace s2  }
0x95: {  	s2 =	sld [smem:$0x3FFD];
	_ =	sdelay $0x3  }
0x96: {  	_ =	strace s2  }
0x97: {  	_ =	strace $0x8FFFFFFF  }
0x98: {  	s18 =	sld [smem:$0x3FDB];
	_ =	sdelay $0x1  }
0x99: {  	s19 =	simm.s32 $_scs_section_size  }
0x9a: {  	s4 =	simm.s32 $_size__tile_overlayer_lowered;
	s5 =	simm.s32 $_tile_overlayer_lowered  }
0x9b: {  	s22 =	simm.s32 $0x1BFF;
	s21 =	sshll.u32 s5, $0x1;
	s2 =	sadd.s32 s19, s18  }
0x9c: {  	s6 =	simm.s32 $0x0;
	s20 =	sshll.u32 s4, $0x1;
	s4 =	sadd.s32 s21, s2  }
0x9d: {  	[timem:s6], [sflag:s22] =	dma.local [hbm:s4], s20  }
0x9e: {  	_ =	swait.ge [sflag:s22], s20  }
0x9f: {  	s3 =	ssub.s32 $0x0, s20;
	[sflag:s22] =	ssyncset.done $0x0  }
0xa0: {  	[sflag:s22] =	ssyncadd.s32 s3;
	_ =	sdelay $0x1  }
0xa1: {  	s23 =	simm.s32 $0x1B8B  }
0xa2: {  	_ =	swait.ge [sflag:s23], $0x1  }
0xa3: {  	[sflag:s23] =	ssyncset.done $0x0  }
0xa4: {  	s25 =	simm.s32 $0x1B8E;
	s24 =	sld [smem:$0x3FFE];
	[sflag:s23] =	ssyncadd.s32 $0xFFFFFFFF  }
0xa5: {  	s26 =	simm.s32 $execute0_lowered;
	[smem:$0x3FD2] =	sst s25  }
0xa6: {  	s4 =	sshll.u32 s26, $0x1;
	_ =	strace $0x80000046;
	[dreg:$0x1] =	wrdreg $0xFFFFFFFF  }
0xa7: {  	s28 =	simm.s32 $_size_execute0_lowered;
	s2 =	sadd.s32 s2, s4;
	[dreg:$0x0] =	wrdreg $0x0  }
0xa8: {  	s4 =	sshll.u32 s28, $0x1;
	[dreg:$0x2] =	wrdreg s2  }
0xa9: {  	[dreg:$0x3] =	wrdreg s4  }
0xaa: {  	[dreg:$0x4] =	wrdreg $0xC0  }
0xab: {  	_ =	task [dreg:s6], $0x5FFFF  }
0xac: {  	[dreg:$0x1] =	wrdreg $0xFFFFFFFF  }
0xad: {  	[dreg:$0x0] =	wrdreg $0x60  }
0xae: {  	[dreg:$0x2] =	wrdreg s24  }
0xaf: {  	[dreg:$0x3] =	wrdreg $0x2B000  }
0xb0: {  	[dreg:$0x4] =	wrdreg $0x9  }
0xb1: {  	_ =	task.clear_ibuf [dreg:s6], $0x5FFFF;
	_ =	strace $0x90000046  }
0xb2: {  	s29 =	simm.s32 $0x9;
	_ =	strace $0x80000048  }
0xb3: {  	_ =	swait.ge [sflag:s29], $0x1  }
0xb4: {  	[sflag:s29] =	ssyncadd.s32 $0xFFFFFFFF  }
0xb5: {  	_ =	strace $0x90000048  }
0xb6: {  	_ =	sfence  }
0xb7: {  	s30 =	sld [smem:$0x0];
	_ =	sdelay $0x2  }
0xb8: {  	s31 =	sshll.u32 s1, $0xD;
	s1 =	sshrl.u32 s1, $0x2  }
0xb9: {  	s3 =	sand.u32 $0x4000, s31;
	s1 =	sadd.s32 s1, s30  }
0xba: {  	s0 =	sor.u32 s3, s0;
	s1 =	sshll.u32 s1, $0x11  }
0xbb: {  	s0 =	sor.u32 s1, s0  }
0xbc: {  	s0 =	sadd.s32 $0x8F2B, s0  }
0xbd: {  	[sflag:s0] =	ssyncadd.remote.s32 $0x1  }
0xbe: {  	_ =	sfence.sel $0xFFFF  }
0xbf: {  	[dreg:$0x0] =	wrdreg $0xFFFFFFFF;
	(pc) =	sbr.abs _section_cstart, $3  }
0xc0: {  	[dreg:$0x1] =	wrdreg $0xFFFFFFFF  }
0xc1: {  	_ =	task.clear_ibuf [dreg:s6], $0x2FFFF;
	_ =	strace $0x9FFFFFFF  }
0xc2: {  	(tm) =	ssettm $0x7FFFFFFF  }
0xc3: {  	_ =	shalt  }
tec
execute0_lowered:
.L_overlay_start_1:
0x0: {  	(tag) =	ssettag $0x1  }
0x1: {  	s7 =	rddreg [dreg:$0x0]  }
0x2: {  	s0 =	srdreg.scid;
	s2 =	rddreg [dreg:$0x1]  }
0x3: {  	s3 =	simm.s32 $0x0;
	s12 =	simm.s32 $0x2800;
	s13 =	simm.s32 $0x80  }
0x4: {  	s16 =	simm.s32 $0x20;
	s17 =	simm.s32 $0x10;
	s18 =	simm.s32 $0x0  }
0x5: {  	s6 =	sand.u32 $0x1, s0;
	s0 =	stileid.u32;
	[smem:$0x7FF] =	sst s3  }
0x6: {  	s1 =	sshll.u32 s6, $0x4;
	s5 =	smul.u32 $0x500, s0;
	s9 =	sshll.u32 s6, $0x7  }
0x7: {  	s10 =	smul.u32 $0xA00, s0;
	s6 =	ssub.s32 $0x2, s6;
	s14 =	sshll.u32 s0, $0x6  }
0x8: {  	s4 =	sor.u32 s0, s1;
	s1 =	rddreg [dreg:$0x2];
	_ =	strace $0x80000047  }
0x9: {  	s31 =	sshrl.u32 s6, $0x1;
	s14 =	sor.u32 $0x1C01, s14;
	s4 =	smul.u32 $0x500, s4  }
0xa: {  	s9 =	sor.u32 s9, s5;
	s5 =	sadd.s32 $0xD600, s7;
	s10 =	sshrl.u32 s10, $0x2  }
0xb: {  	s11 =	ssub.s32 s6, s31;
	s9 =	sshrl.u32 s9, $0x3;
	s6 =	sadd.s32 s10, s2  }
0xc: {  	s10 =	simm.s32 $0x2880;
	s8 =	sadd.s32 s4, s7;
	s4 =	sadd.s32 $0xD400, s7  }
0xd: {  	s9 =	sadd.s32 s9, s7;
	s15 =	sshrl.u32 s6, $0x3;
	s7 =	sadd.s32 $0x3400, s8  }
0xe: {  	s8 =	sadd.s32 $0xD800, s9;
	s9 =	smax.u32 s11, $0x1;
	s11 =	simm.s32 $0x1  }
.LBB2_1:
0xf: {  	[tilespmem:s10], [sflag:$0x1] =	stream.linear.gather [hbm4b:s5+s3], $0x280, $0x38;
	[tilespmem:$0x2D80] =	vst v63  }
0x10: {  	_ =	swait.ge [sflag:s11], $0x280  }
0x11: {  	[sflag:s11] =	ssyncset.done $0x0  }
0x12: {  	[sflag:s11] =	ssyncadd.s32 $0xFFFFFD80  }
0x13: {  	[spmem:s6] =	stream.linear.scatter [tilespmem:s10], [sflag:$0x1], $0x280, $0x38;
	[tilespmem:$0x2D80] =	vst v63  }
0x14: {  	_ =	swait.ge [sflag:s11], $0x280  }
0x15: {  	[sflag:s11] =	ssyncset.done $0x0  }
0x16: {  	[sflag:s11] =	ssyncadd.s32 $0xFFFFFD80  }
0x17: {  	[tilespmem:s12], [sflag:$0x1] =	stream.linear.gather [hbm4b:s4+s3], $0x80, $0x38;
	[tilespmem:$0x2D80] =	vst v63  }
0x18: {  	_ =	swait.ge [sflag:s11], $0x80  }
0x19: {  	[sflag:s11] =	ssyncset.done $0x0  }
0x1a: {  	[sflag:s11] =	ssyncadd.s32 $0xFFFFFF80  }
0x1b: {  	[tilespmem:s3], [sflag:$0x1] =	stream.linear.gather [hbm4b:s7+s3], $0x2800, $0x38;
	[tilespmem:$0x2D80] =	vst v63  }
0x1c: {  	_ =	swait.ge [sflag:s11], $0x2800  }
0x1d: {  	[sflag:s11] =	ssyncset.done $0x0  }
0x1e: {  	[sflag:s11] =	ssyncadd.s32 $0xFFFFD800  }
0x1f: {  	s19 =	simm.s32 $0x0;
	[bflag:$0x0] =	sbarrier.arrive $0xFFFF  }
0x20: {  	[spmem:s2] =	stream.indirect.scatter.add.f32 [tilespmem:s12], [sflag:$0x1], $0x1, s19, s13, $0xb8;
	[tilespmem:$0x2D80] =	vst v63  }
0x21: {  	_ =	swait.ge [sflag:s11], $0x80  }
0x22: {  	s19 =	simm.s32 $0x200;
	[sflag:s11] =	ssyncset.done $0x0  }
.LBB2_2:
0x23: {  	s20 =	sshra.s32 s19, $0x2;
	[sflag:s11] =	ssyncadd.s32 $0xFFFFFF80;
	p0 =	sne.s32 s19, $0x9E00  }
0x24: {  	[spmem:s2] =	stream.indirect.scatter.add.f32 [tilespmem:s12], [sflag:$0x1], $0x1, s20, s13, $0xb8;
	[tilespmem:$0x2D80] =	vst v63  }
.Ltmp0:
0x25: {  	_ = 	snop;
	(pc) =	sbr.rel @p0 .LBB2_2-.Ltmp0, $4  }
0x26: {  	_ = 	snop  }
0x27: {  	s19 =	sadd.s32 $0x200, s19  }
0x28: {  	_ =	swait.ge [sflag:s11], $0x80  }
0x29: {  	[sflag:s11] =	ssyncset.done $0x0  }
0x2a: {  	s18 =	sadd.s32 $0x1, s18  }
0x2b: {  	[sflag:s11] =	ssyncadd.s32 $0xFFFFFF80;
	p0 =	sne.s32 s18, s9  }
.Ltmp1:
0x2c: {  	[bflag:$0x0] =	sbarrier.arrive $0xFFFF;
	(pc) =	sbr.rel @p0 .LBB2_1-.Ltmp1, $4  }
0x2d: {  	[hbm:s8@s16], [sflag:s14] =	dma.strided [spmem:s15@s17], $0x50, s11, $0x10   }
0x2e: {  	_ =	swait.ge [sflag:s11], $0x50  }
0x2f: {  	[sflag:s11] =	ssyncset.done $0x0  }
0x30: {  	[sflag:s11] =	ssyncadd.s32 $0xFFFFFFB0  }
0x31: {  	_ =	sfence.sel $0x180000  }
0x32: {  	[bflag:$0x0] =	sbarrier.arrive $0xFFFF  }
0x33: {  	p0 =	sne.s32 s0, $0x0;
	_ =	strace $0x90000047  }
0x34: {  	s0 =	sadd.s32 @!p0 $0x100000, s1;
	[bflag:$0x2] =	sbarrier.arrive $0xFFFF  }
0x35: {  	[sflag:s0] =	ssyncadd.tile.s32 @!p0 $0x1;
	_ =	shalt  }
.Lfunc_end2:
_tile_overlayer_lowered:
.L_overlay_start_2:
0x36: {  	(tag) =	ssettag $0x2  }
0x37: {  	s0 =	rddreg [dreg:$0x0];
	s2 =	stileid.u32  }
0x38: {  	s1 =	rddreg [dreg:$0x1];
	p0 =	sne.s32 s2, $0x0  }
0x39: {  	s3 =	rddreg [dreg:$0x2];
	[bflag:$0x3] =	sbarrier.arrive $0xFFFF;
	s2 =	simm.s32 @!p0 $0x1C01  }
0x3a: {  	[timem:s3], [sflag:s2] =	dma.local @!p0 [hbm:s0], s1  }
0x3b: {  	s0 =	simm.s32 @!p0 $0x1  }
0x3c: {  	_ =	swait.ge @!p0 [sflag:s0], s1  }
0x3d: {  	s1 =	ssub.s32 @!p0 $0x0, s1;
	[sflag:s0] =	ssyncset.done @!p0 $0x0  }
0x3e: {  	[sflag:s0] =	ssyncadd.s32 @!p0 s1  }
0x3f: {  	[bflag:$0x3] =	sbarrier.arrive $0xFFFF  }
0x40: {  	_ =	shalt  }

// kernel: kernel.16.cloned.1.call-start
scs
__scs_entry_jumppad:
0x0: {  	(pc) =	sbr.rel $0x88, $3  }
0x1: {  	(tag) =	ssettag $0x0;
	lr =	simm.s32 $0x1  }
0x2: {  	[smem:$0x3F95] =	sst lr;
	_ =	strace $0xD0000000  }
0x3: {  	_ = 	snop  }
0x4: {  	_ = 	snop  }
0x5: {  	_ = 	snop  }
0x6: {  	_ = 	snop  }
0x7: {  	_ = 	snop  }
__scs_overlays_trampoline_lowered:
0x8: {  	[smem:$0x3FA4] =	sst s0  }
0x9: {  	[smem:$0x3FA5] =	sst s1  }
0xa: {  	[smem:$0x3FA6] =	sst s2  }
0xb: {  	[smem:$0x3FA7] =	sst s3  }
0xc: {  	[smem:$0x3FA8] =	sst s4  }
0xd: {  	[smem:$0x3FA9] =	sst s5  }
0xe: {  	[smem:$0x3FAA] =	sst s6  }
0xf: {  	[smem:$0x3FAB] =	sst s7  }
0x10: {  	[smem:$0x3FAC] =	sst s8  }
0x11: {  	[smem:$0x3FAD] =	sst s9;
	s0 =	simm.s32 @!p0 $0x0  }
0x12: {  	s1 =	sld [smem:$0x3F93];
	s0 =	simm.s32 @p0 $0x1  }
0x13: {  	[smem:$0x3FAE] =	sst s0;
	s0 =	simm.s32 @!p1 $0x0  }
0x14: {  	s2 =	sld [smem:$0x3F92];
	s0 =	simm.s32 @p1 $0x1  }
0x15: {  	[smem:$0x3FAF] =	sst s0;
	s0 =	simm.s32 @!p2 $0x0  }
0x16: {  	s3 =	sld [smem:$0x3FDB];
	s0 =	simm.s32 @p2 $0x1  }
0x17: {  	s4 =	simm.s32 $0x1BF5;
	[smem:$0x3FB1] =	sst s0  }
0x18: {  	s0 =	sld [smem:$0x3F94];
	_ =	swait.ge [sflag:s4], $0x0  }
0x19: {  	s7 =	sld [smem:$0x3F95]  }
0x1a: {  	s8 =	sadd.s32 $0xFFFFE003, lr  }
0x1b: {  	s9 =	sadd.s32 $0xFFFFFEF7, lr;
	s5 =	simm.s32 $0xFFFFFFFF;
	p2 =	slt.u32 s8, $0xFFFFF086  }
0x1c: {  	p1 =	slt.u32 s9, $0xF7A;
	s5 =	simm.s32 @!p2 $0x0  }
0x1d: {  	s5 =	simm.s32 @p1 $0x1;
	p0 =	seq.s32 s7, s2  }
0x1e: {  	s7 =	smul.u32 @!p0 $0xF7A, s2;
	p2 =	seq.s32 @!p0 s5, $0x0  }
0x1f: {  	s9 =	smul.u32 $0xF7A, s1;
	s8 =	simm.s32 @!p0 $0x1BF5;
	p2 =	por !p2, p0  }
0x20: {  	[sflag:s8] =	ssyncset.s32 @!p0 $0xFFFFF086;
	s6 =	sadd.s32 @!p0 s3, s7;
	s7 =	simm.s32 @!p0 $0x108  }
0x21: {  	s3 =	sadd.s32 s3, s9;
	s6 =	sadd.s32 @!p0 $0x88, s6;
	s7 =	simm.s32 @p2 $0x1082  }
0x22: {  	[simem:s7], [sflag:s8] =	dma.local @!p0 [hbm:s6], $0xF7A  }
0x23: {  	s9 =	sor.u32 $0xD0000000, s2;
	s6 =	simm.s32 $0x108;
	_ =	swait.ge @!p0 [sflag:s8], $0x0  }
0x24: {  	s3 =	sadd.s32 $0x88, s3;
	s6 =	simm.s32 @!p1 $0x1082;
	[sflag:s4] =	ssyncset.s32 $0xFFFFF086  }
0x25: {  	[simem:s6], [sflag:s4] =	dma.local [hbm:s3], $0xF7A  }
0x26: {  	[smem:$0x3F95] =	sst s1;
	(tag) =	ssettag s2;
	_ =	strace s9  }
0x27: {  	s1 =	sld [smem:$0x3FA5]  }
0x28: {  	s2 =	sld [smem:$0x3FA6]  }
0x29: {  	s4 =	sld [smem:$0x3FA8]  }
0x2a: {  	p0 =	seq.s32 s5, $0x0;
	s5 =	sld [smem:$0x3FA9]  }
0x2b: {  	s6 =	sld [smem:$0x3FAA]  }
0x2c: {  	s7 =	sld [smem:$0x3FAB]  }
0x2d: {  	s3 =	simm.s32 $0x108;
	s8 =	sld [smem:$0x3FAC]  }
0x2e: {  	s3 =	simm.s32 @!p0 $0x1082;
	s9 =	sld [smem:$0x3FAD]  }
0x2f: {  	lr =	sadd.s32 s0, s3;
	s0 =	sld [smem:$0x3FA4]  }
0x30: {  	s3 =	sld [smem:$0x3FA7]  }
0x31: {  	[smem:$0x3FB0] =	sst s10  }
0x32: {  	s10 =	sld [smem:$0x3FAE];
	_ =	sdelay $0x3  }
0x33: {  	p0 =	seq.s32 s10, $0x1;
	s10 =	sld [smem:$0x3FB0];
	_ =	sdelay $0x3  }
0x34: {  	[smem:$0x3FB0] =	sst s10  }
0x35: {  	s10 =	sld [smem:$0x3FAF];
	_ =	sdelay $0x3  }
0x36: {  	p1 =	seq.s32 s10, $0x1;
	s10 =	sld [smem:$0x3FB0];
	_ =	sdelay $0x3  }
0x37: {  	[smem:$0x3FB0] =	sst s10  }
0x38: {  	s10 =	sld [smem:$0x3FB1]  }
0x39: {  	_ = 	snop;
	(pc) =	sbr.ind lr, $3  }
0x3a: {  	_ = 	snop  }
0x3b: {  	_ = 	snop  }
0x3c: {  	p2 =	seq.s32 s10, $0x1;
	s10 =	sld [smem:$0x3FB0]  }
0x3d: {  	_ =	shalt  }
0x3e: {  	_ =	shalt  }
0x3f: {  	_ =	shalt  }
0x40: {  	_ =	shalt  }
0x41: {  	_ =	shalt  }
0x42: {  	_ =	shalt  }
0x43: {  	_ =	shalt  }
0x44: {  	_ =	shalt  }
0x45: {  	_ =	shalt  }
0x46: {  	_ =	shalt  }
0x47: {  	_ =	shalt  }
0x48: {  	_ =	shalt  }
0x49: {  	_ =	shalt  }
0x4a: {  	_ =	shalt  }
0x4b: {  	_ =	shalt  }
0x4c: {  	_ =	shalt  }
0x4d: {  	_ =	shalt  }
0x4e: {  	_ =	shalt  }
0x4f: {  	_ =	shalt  }
0x50: {  	_ =	shalt  }
0x51: {  	_ =	shalt  }
0x52: {  	_ =	shalt  }
0x53: {  	_ =	shalt  }
0x54: {  	_ =	shalt  }
0x55: {  	_ =	shalt  }
0x56: {  	_ =	shalt  }
0x57: {  	_ =	shalt  }
0x58: {  	_ =	shalt  }
0x59: {  	_ =	shalt  }
0x5a: {  	_ =	shalt  }
0x5b: {  	_ =	shalt  }
0x5c: {  	_ =	shalt  }
0x5d: {  	_ =	shalt  }
0x5e: {  	_ =	shalt  }
0x5f: {  	_ =	shalt  }
0x60: {  	_ =	shalt  }
0x61: {  	_ =	shalt  }
0x62: {  	_ =	shalt  }
0x63: {  	_ =	shalt  }
0x64: {  	_ =	shalt  }
0x65: {  	_ =	shalt  }
0x66: {  	_ =	shalt  }
0x67: {  	_ =	shalt  }
0x68: {  	_ =	shalt  }
0x69: {  	_ =	shalt  }
0x6a: {  	_ =	shalt  }
0x6b: {  	_ =	shalt  }
0x6c: {  	_ =	shalt  }
0x6d: {  	_ =	shalt  }
0x6e: {  	_ =	shalt  }
0x6f: {  	_ =	shalt  }
0x70: {  	_ =	shalt  }
0x71: {  	_ =	shalt  }
0x72: {  	_ =	shalt  }
0x73: {  	_ =	shalt  }
0x74: {  	_ =	shalt  }
0x75: {  	_ =	shalt  }
0x76: {  	_ =	shalt  }
0x77: {  	_ =	shalt  }
0x78: {  	_ =	shalt  }
0x79: {  	_ =	shalt  }
0x7a: {  	_ =	shalt  }
0x7b: {  	_ =	shalt  }
0x7c: {  	_ =	shalt  }
0x7d: {  	_ =	shalt  }
0x7e: {  	_ =	shalt  }
0x7f: {  	_ =	shalt  }
0x80: {  	_ =	shalt  }
0x81: {  	_ =	shalt  }
0x82: {  	_ =	shalt  }
0x83: {  	_ =	shalt  }
0x84: {  	_ =	shalt  }
0x85: {  	_ =	shalt  }
0x86: {  	_ =	shalt  }
0x87: {  	_ =	shalt  }
.Lfunc_end0:
.L_simem_size_0:
called_computation.1_lowered:
.L_overlay_start_0:
0x88: {  	s2 =	sld [smem:$0x3FD9]  }
0x89: {  	s3 =	sld [smem:$0x3FFE];
	_ =	sdelay $0x1  }
0x8a: {  	s1 =	srdreg.scid  }
0x8b: {  	s0 =	sand.u32 $0x1, s1  }
0x8c: {  	s17 =	sshll.u32 s0, $0xA;
	s2 =	sadd.s32 s3, s2  }
0x8d: {  	s2 =	sadd.s32 s2, s17  }
0x8e: {  	[smem:$0x3FBC] =	sst s2  }
0x8f: {  	_ = 	snop  }
0x90: {  	s2 =	sld [smem:$0x3FD0];
	(tm) =	ssettm $0x1  }
0x91: {  	s18 =	sld [smem:$0x3FFB];
	_ =	sdelay $0x3  }
0x92: {  	_ =	strace s18  }
0x93: {  	s3 =	sld [smem:$0x3FFC];
	_ =	sdelay $0x3  }
0x94: {  	_ =	strace s3  }
0x95: {  	s3 =	sld [smem:$0x3FFD];
	_ =	sdelay $0x3  }
0x96: {  	_ =	strace s3  }
0x97: {  	_ =	strace $0x8FFFFFFF  }
0x98: {  	s19 =	sld [smem:$0x3FDB];
	_ =	sdelay $0x1  }
0x99: {  	s4 =	simm.s32 $_scs_section_size  }
0x9a: {  	s5 =	simm.s32 $_size__tile_overlayer_lowered;
	s6 =	simm.s32 $_tile_overlayer_lowered  }
0x9b: {  	s22 =	simm.s32 $0x1BFF;
	s21 =	sshll.u32 s6, $0x1;
	s3 =	sadd.s32 s4, s19  }
0x9c: {  	s7 =	simm.s32 $0x0;
	s20 =	sshll.u32 s5, $0x1;
	s5 =	sadd.s32 s21, s3  }
0x9d: {  	[timem:s7], [sflag:s22] =	dma.local [hbm:s5], s20  }
0x9e: {  	_ =	swait.ge [sflag:s22], s20  }
0x9f: {  	s4 =	ssub.s32 $0x0, s20;
	[sflag:s22] =	ssyncset.done $0x0  }
0xa0: {  	[sflag:s22] =	ssyncadd.s32 s4;
	_ =	sdelay $0x1  }
0xa1: {  	s23 =	simm.s32 $0x1B8B  }
0xa2: {  	_ =	swait.ge [sflag:s23], $0x1  }
0xa3: {  	[sflag:s23] =	ssyncset.done $0x0  }
0xa4: {  	s25 =	simm.s32 $0x1B8E;
	s24 =	sld [smem:$0x3FFE];
	[sflag:s23] =	ssyncadd.s32 $0xFFFFFFFF  }
0xa5: {  	s26 =	simm.s32 $execute0_lowered;
	[smem:$0x3FD2] =	sst s25  }
0xa6: {  	s5 =	sshll.u32 s26, $0x1;
	_ =	strace $0x80000049;
	[dreg:$0x1] =	wrdreg $0xFFFFFFFF  }
0xa7: {  	s28 =	simm.s32 $_size_execute0_lowered;
	s3 =	sadd.s32 s3, s5;
	[dreg:$0x0] =	wrdreg $0x0  }
0xa8: {  	s5 =	sshll.u32 s28, $0x1;
	[dreg:$0x2] =	wrdreg s3  }
0xa9: {  	[dreg:$0x3] =	wrdreg s5  }
0xaa: {  	[dreg:$0x4] =	wrdreg $0xC0  }
0xab: {  	_ =	task [dreg:s7], $0x5FFFF  }
0xac: {  	[dreg:$0x1] =	wrdreg $0xFFFFFFFF  }
0xad: {  	[dreg:$0x0] =	wrdreg $0x60  }
0xae: {  	[dreg:$0x2] =	wrdreg s2  }
0xaf: {  	[dreg:$0x3] =	wrdreg s24  }
0xb0: {  	[dreg:$0x4] =	wrdreg $0x100000  }
0xb1: {  	[dreg:$0x5] =	wrdreg $0x9  }
0xb2: {  	_ =	task.clear_ibuf [dreg:s7], $0x6FFFF;
	_ =	strace $0x90000049  }
0xb3: {  	s29 =	simm.s32 $0x9;
	_ =	strace $0x8000004B  }
0xb4: {  	_ =	swait.ge [sflag:s29], $0x1  }
0xb5: {  	[sflag:s29] =	ssyncadd.s32 $0xFFFFFFFF  }
0xb6: {  	_ =	strace $0x9000004B  }
0xb7: {  	_ =	sfence  }
0xb8: {  	s30 =	sld [smem:$0x0];
	_ =	sdelay $0x2  }
0xb9: {  	s31 =	sshll.u32 s1, $0xD;
	s1 =	sshrl.u32 s1, $0x2  }
0xba: {  	s3 =	sand.u32 $0x4000, s31;
	s1 =	sadd.s32 s1, s30  }
0xbb: {  	s0 =	sor.u32 s3, s0;
	s1 =	sshll.u32 s1, $0x11  }
0xbc: {  	s0 =	sor.u32 s1, s0  }
0xbd: {  	s0 =	sadd.s32 $0x8F2B, s0  }
0xbe: {  	[sflag:s0] =	ssyncadd.remote.s32 $0x1  }
0xbf: {  	_ =	sfence.sel $0xFFFF  }
0xc0: {  	[dreg:$0x0] =	wrdreg $0xFFFFFFFF;
	(pc) =	sbr.abs _section_cstart, $3  }
0xc1: {  	[dreg:$0x1] =	wrdreg $0xFFFFFFFF  }
0xc2: {  	_ =	task.clear_ibuf [dreg:s7], $0x2FFFF;
	_ =	strace $0x9FFFFFFF  }
0xc3: {  	(tm) =	ssettm $0x7FFFFFFF  }
tec
execute0_lowered:
.L_overlay_start_1:
0x0: {  	(tag) =	ssettag $0x1  }
0x1: {  	s14 =	rddreg [dreg:$0x0]  }
0x2: {  	s6 =	rddreg [dreg:$0x1]  }
0x3: {  	s2 =	rddreg [dreg:$0x2]  }
0x4: {  	s1 =	stileid.u32;
	s3 =	simm.s32 $0x0;
	s4 =	srdreg.scid  }
0x5: {  	s18 =	simm.s32 $0x80;
	s19 =	simm.s32 $0xA000;
	s20 =	simm.s32 $0xC000  }
0x6: {  	s21 =	simm.s32 $0x1;
	s22 =	simm.s32 $0x2;
	s23 =	simm.s32 $0x4F80  }
0x7: {  	s24 =	simm.s32 $0x9F00;
	s25 =	simm.s32 $0x9F80;
	s15 =	smul.u32 $0xA00, s1  }
0x8: {  	s26 =	simm.s32 $0x0;
	[smem:$0x7FF] =	sst s3;
	s7 =	smul.u32 $0xA000, s1  }
0x9: {  	s10 =	sand.u32 $0x1, s4;
	s12 =	sadd.s32 $0xE200, s6;
	s9 =	smul.u32 $0x28000, s1  }
0xa: {  	s4 =	sadd.s32 $0x68200, s6;
	s5 =	sadd.s32 $0xD400, s6;
	_ =	strace $0x8000004A  }
0xb: {  	s8 =	smul.u32 $0xA0000, s10;
	s13 =	ssub.s32 $0x2, s10;
	p0 =	seq.s32 s10, $0x1  }
0xc: {  	s11 =	sadd.s32 s15, s6;
	s9 =	sshrl.u32 s9, $0x2;
	s31 =	sshrl.u32 s13, $0x1  }
0xd: {  	s14 =	smov.u32 @p0 s12;
	s8 =	sadd.s32 s7, s8;
	s17 =	sadd.s32 s9, s2  }
0xe: {  	s13 =	ssub.s32 s13, s31;
	s11 =	sadd.s32 $0x3400, s11;
	s14 =	sadd.s32 s14, s15  }
0xf: {  	s15 =	simm.s32 $0xE000;
	s8 =	sshrl.u32 s8, $0x3;
	s9 =	sadd.s32 $0x6000, s17  }
0x10: {  	s10 =	sadd.s32 $0x8000, s17;
	s13 =	smax.u32 s13, $0x1;
	s16 =	sadd.s32 s8, s6  }
0x11: {  	s6 =	sadd.s32 s7, s2;
	s7 =	sadd.s32 $0x2000, s17;
	s8 =	sadd.s32 $0x4000, s17  }
0x12: {  	s17 =	simm.s32 $0x5000;
	s12 =	sadd.s32 $0x90200, s16;
	s16 =	simm.s32 $0x3  }
.LBB2_1:
0x13: {  	[tilespmem:s15], [sflag:$0x3] =	stream.linear.gather [hbm4b:s5+s3], $0x2000, $0x38;
	[tilespmem:$0x1A000] =	vst v63  }
0x14: {  	_ =	swait.ge [sflag:s16], $0x2000  }
0x15: {  	[sflag:s16] =	ssyncset.done $0x0  }
0x16: {  	[sflag:s16] =	ssyncadd.s32 $0xFFFFE000  }
0x17: {  	[spmem:s6] =	stream.linear.scatter [tilespmem:s15], [sflag:$0x3], $0x2000, $0x38;
	[tilespmem:$0x1A000] =	vst v63  }
0x18: {  	_ =	swait.ge [sflag:s16], $0x2000  }
0x19: {  	[sflag:s16] =	ssyncset.done $0x0  }
0x1a: {  	[sflag:s16] =	ssyncadd.s32 $0xFFFFE000  }
0x1b: {  	[spmem:s7] =	stream.linear.scatter [tilespmem:s15], [sflag:$0x3], $0x2000, $0x38;
	[tilespmem:$0x1A000] =	vst v63  }
0x1c: {  	_ =	swait.ge [sflag:s16], $0x2000  }
0x1d: {  	[sflag:s16] =	ssyncset.done $0x0  }
0x1e: {  	[sflag:s16] =	ssyncadd.s32 $0xFFFFE000  }
0x1f: {  	[spmem:s8] =	stream.linear.scatter [tilespmem:s15], [sflag:$0x3], $0x2000, $0x38;
	[tilespmem:$0x1A000] =	vst v63  }
0x20: {  	_ =	swait.ge [sflag:s16], $0x2000  }
0x21: {  	[sflag:s16] =	ssyncset.done $0x0  }
0x22: {  	[sflag:s16] =	ssyncadd.s32 $0xFFFFE000  }
0x23: {  	[spmem:s9] =	stream.linear.scatter [tilespmem:s15], [sflag:$0x3], $0x2000, $0x38;
	[tilespmem:$0x1A000] =	vst v63  }
0x24: {  	_ =	swait.ge [sflag:s16], $0x2000  }
0x25: {  	[sflag:s16] =	ssyncset.done $0x0  }
0x26: {  	[sflag:s16] =	ssyncadd.s32 $0xFFFFE000  }
0x27: {  	[spmem:s10] =	stream.linear.scatter [tilespmem:s15], [sflag:$0x3], $0x2000, $0x38;
	[tilespmem:$0x1A000] =	vst v63  }
0x28: {  	_ =	swait.ge [sflag:s16], $0x2000  }
0x29: {  	[sflag:s16] =	ssyncset.done $0x0  }
0x2a: {  	[sflag:s16] =	ssyncadd.s32 $0xFFFFE000  }
0x2b: {  	[tilespmem:s3], [sflag:$0x3] =	stream.linear.gather [hbm4b:s14+s3], $0x5000, $0x38;
	[tilespmem:$0x1A000] =	vst v63  }
0x2c: {  	_ =	swait.ge [sflag:s16], $0x5000  }
0x2d: {  	[sflag:s16] =	ssyncset.done $0x0  }
0x2e: {  	[sflag:s16] =	ssyncadd.s32 $0xFFFFB000  }
0x2f: {  	[tilespmem:s17], [sflag:$0x3] =	stream.linear.gather [hbm4b:s11+s3], $0x5000, $0x38;
	[tilespmem:$0x1A000] =	vst v63  }
0x30: {  	_ =	swait.ge [sflag:s16], $0x5000  }
0x31: {  	[sflag:s16] =	ssyncset.done $0x0  }
0x32: {  	[sflag:s16] =	ssyncadd.s32 $0xFFFFB000  }
0x33: {  	[bflag:$0x0] =	sbarrier.arrive $0xFFFF  }
0x34: {  	[tilespmem:s19], [sflag:$0x1] =	stream.indirect.gather [hbm4b:s4+s18], $0x40, s3, s18, $0xb8;
	[tilespmem:$0x1A000] =	vst v63  }
0x35: {  	s28 =	simm.s32 $0x80  }
0x36: {  	[tilespmem:s20], [sflag:$0x2] =	stream.indirect.gather [hbm4b:s4+s18], $0x40, s28, s18, $0xb8;
	[tilespmem:$0x1A000] =	vst v63  }
0x37: {  	_ =	swait.ge [sflag:s21], $0x2000  }
0x38: {  	[sflag:s21] =	ssyncset.done $0x0  }
0x39: {  	s28 =	simm.s32 $0x5000;
	[sflag:s21] =	ssyncadd.s32 $0xFFFFE000  }
0x3a: {  	[spmem:s2] =	stream.indirect.scatter.add.f32 [tilespmem:s19], [sflag:$0x3], $0x40, s28, s18, $0xb8;
	[tilespmem:$0x1A000] =	vst v63  }
0x3b: {  	_ =	swait.ge [sflag:s16], $0x2000  }
0x3c: {  	[sflag:s16] =	ssyncset.done $0x0  }
0x3d: {  	s28 =	simm.s32 $0x100;
	[sflag:s16] =	ssyncadd.s32 $0xFFFFE000  }
0x3e: {  	[tilespmem:s19], [sflag:$0x1] =	stream.indirect.gather [hbm4b:s4+s18], $0x40, s28, s18, $0xb8;
	[tilespmem:$0x1A000] =	vst v63  }
0x3f: {  	_ =	swait.ge [sflag:s22], $0x2000  }
0x40: {  	[sflag:s22] =	ssyncset.done $0x0  }
0x41: {  	s28 =	simm.s32 $0x5080;
	[sflag:s22] =	ssyncadd.s32 $0xFFFFE000  }
0x42: {  	[spmem:s2] =	stream.indirect.scatter.add.f32 [tilespmem:s20], [sflag:$0x3], $0x40, s28, s18, $0xb8;
	[tilespmem:$0x1A000] =	vst v63  }
0x43: {  	_ =	swait.ge [sflag:s16], $0x2000  }
0x44: {  	s29 =	simm.s32 $0x800;
	s28 =	simm.s32 $0x100;
	[sflag:s16] =	ssyncset.done $0x0  }
.LBB2_2:
0x45: {  	s30 =	sadd.s32 $0x80, s28  }
0x46: {  	[sflag:s16] =	ssyncadd.s32 $0xFFFFE000;
	s31 =	smov.u32 s29;
	s0 =	sadd.s32 $0x400, s29  }
0x47: {  	[tilespmem:s20], [sflag:$0x2] =	stream.indirect.gather [hbm4b:s4+s18], $0x40, s30, s18, $0xb8;
	[tilespmem:$0x1A000] =	vst v63  }
0x48: {  	p0 =	sne.s32 s29, $0x13800;
	_ =	swait.ge [sflag:s21], $0x2000  }
0x49: {  	[sflag:s21] =	ssyncset.done $0x0  }
0x4a: {  	s29 =	sadd.s32 $0x5000, s28;
	[sflag:s21] =	ssyncadd.s32 $0xFFFFE000  }
0x4b: {  	[spmem:s2] =	stream.indirect.scatter.add.f32 [tilespmem:s19], [sflag:$0x3], $0x40, s29, s18, $0xb8;
	[tilespmem:$0x1A000] =	vst v63  }
0x4c: {  	_ =	swait.ge [sflag:s16], $0x2000  }
0x4d: {  	[sflag:s16] =	ssyncset.done $0x0  }
0x4e: {  	s29 =	sadd.s32 $0x100, s28;
	[sflag:s16] =	ssyncadd.s32 $0xFFFFE000  }
0x4f: {  	[tilespmem:s19], [sflag:$0x1] =	stream.indirect.gather [hbm4b:s4+s18], $0x40, s29, s18, $0xb8;
	[tilespmem:$0x1A000] =	vst v63  }
0x50: {  	_ =	swait.ge [sflag:s22], $0x2000  }
.Ltmp0:
0x51: {  	[sflag:s22] =	ssyncset.done $0x0;
	(pc) =	sbr.rel @p0 .LBB2_2-.Ltmp0, $4  }
0x52: {  	s28 =	sadd.s32 $0x5080, s28;
	[sflag:s22] =	ssyncadd.s32 $0xFFFFE000  }
0x53: {  	[spmem:s2] =	stream.indirect.scatter.add.f32 [tilespmem:s20], [sflag:$0x3], $0x40, s28, s18, $0xb8;
	[tilespmem:$0x1A000] =	vst v63  }
0x54: {  	_ =	swait.ge [sflag:s16], $0x2000  }
0x55: {  	s29 =	smov.u32 s0;
	s28 =	sshra.s32 s31, $0x2;
	[sflag:s16] =	ssyncset.done $0x0  }
0x56: {  	s0 =	sadd.s32 $0x80, s28;
	[sflag:s16] =	ssyncadd.s32 $0xFFFFE000  }
0x57: {  	[tilespmem:s20], [sflag:$0x2] =	stream.indirect.gather [hbm4b:s4+s18], $0x40, s0, s18, $0xb8;
	[tilespmem:$0x1A000] =	vst v63  }
0x58: {  	_ =	swait.ge [sflag:s21], $0x2000  }
0x59: {  	[sflag:s21] =	ssyncset.done $0x0  }
0x5a: {  	s30 =	sadd.s32 $0x5000, s28;
	[sflag:s21] =	ssyncadd.s32 $0xFFFFE000  }
0x5b: {  	[spmem:s2] =	stream.indirect.scatter.add.f32 [tilespmem:s19], [sflag:$0x3], $0x40, s30, s18, $0xb8;
	[tilespmem:$0x1A000] =	vst v63  }
0x5c: {  	_ =	swait.ge [sflag:s16], $0x2000  }
0x5d: {  	[sflag:s16] =	ssyncset.done $0x0  }
0x5e: {  	s31 =	sadd.s32 $0x100, s28;
	[sflag:s16] =	ssyncadd.s32 $0xFFFFE000  }
0x5f: {  	[tilespmem:s19], [sflag:$0x1] =	stream.indirect.gather [hbm4b:s4+s18], $0x40, s31, s18, $0xb8;
	[tilespmem:$0x1A000] =	vst v63  }
0x60: {  	_ =	swait.ge [sflag:s22], $0x2000  }
0x61: {  	[sflag:s22] =	ssyncset.done $0x0  }
0x62: {  	s29 =	sadd.s32 $0x5080, s28;
	[sflag:s22] =	ssyncadd.s32 $0xFFFFE000  }
0x63: {  	[spmem:s2] =	stream.indirect.scatter.add.f32 [tilespmem:s20], [sflag:$0x3], $0x40, s29, s18, $0xb8;
	[tilespmem:$0x1A000] =	vst v63  }
0x64: {  	_ =	swait.ge [sflag:s16], $0x2000  }
0x65: {  	[sflag:s16] =	ssyncset.done $0x0  }
0x66: {  	[sflag:s16] =	ssyncadd.s32 $0xFFFFE000  }
0x67: {  	[tilespmem:s20], [sflag:$0x2] =	stream.indirect.gather [hbm4b:s4+s18], $0x40, s23, s18, $0xb8;
	[tilespmem:$0x1A000] =	vst v63  }
0x68: {  	_ =	swait.ge [sflag:s21], $0x2000  }
0x69: {  	[sflag:s21] =	ssyncset.done $0x0  }
0x6a: {  	[sflag:s21] =	ssyncadd.s32 $0xFFFFE000  }
0x6b: {  	[spmem:s2] =	stream.indirect.scatter.add.f32 [tilespmem:s19], [sflag:$0x3], $0x40, s24, s18, $0xb8;
	[tilespmem:$0x1A000] =	vst v63  }
0x6c: {  	_ =	swait.ge [sflag:s16], $0x2000  }
0x6d: {  	[sflag:s16] =	ssyncset.done $0x0  }
0x6e: {  	[sflag:s16] =	ssyncadd.s32 $0xFFFFE000  }
0x6f: {  	_ =	swait.ge [sflag:s22], $0x2000  }
0x70: {  	[sflag:s22] =	ssyncset.done $0x0  }
0x71: {  	[sflag:s22] =	ssyncadd.s32 $0xFFFFE000  }
0x72: {  	[spmem:s2] =	stream.indirect.scatter.add.f32 [tilespmem:s20], [sflag:$0x3], $0x40, s25, s18, $0xb8;
	[tilespmem:$0x1A000] =	vst v63  }
0x73: {  	_ =	swait.ge [sflag:s16], $0x2000  }
0x74: {  	s26 =	sadd.s32 $0x1, s26;
	s30 =	sshll.u32 s1, $0x6;
	[sflag:s16] =	ssyncset.done $0x0  }
0x75: {  	p0 =	sne.s32 s26, s13;
	s0 =	sor.u32 $0x1C03, s30;
	[sflag:s16] =	ssyncadd.s32 $0xFFFFE000  }
.Ltmp1:
0x76: {  	s31 =	sshrl.u32 s6, $0x3;
	[bflag:$0x0] =	sbarrier.arrive $0xFFFF;
	(pc) =	sbr.rel @p0 .LBB2_1-.Ltmp1, $4  }
0x77: {  	[hbm:s12], [sflag:s0] =	dma.local [spmem:s31], $0x1400  }
0x78: {  	_ =	swait.ge [sflag:s16], $0x1400  }
0x79: {  	[sflag:s16] =	ssyncset.done $0x0  }
0x7a: {  	[sflag:s16] =	ssyncadd.s32 $0xFFFFEC00  }
0x7b: {  	_ =	sfence.sel $0x180000  }
0x7c: {  	[bflag:$0x0] =	sbarrier.arrive $0xFFFF  }
0x7d: {  	_ =	strace $0x9000004A  }
0x7e: {  	[bflag:$0x2] =	sbarrier.arrive $0xFFFF  }
0x7f: {  	p0 =	sne.s32 s1, $0x0;
	s0 =	rddreg [dreg:$0x3]  }
0x80: {  	s0 =	sadd.s32 @!p0 $0x100000, s0  }
0x81: {  	[sflag:s0] =	ssyncadd.tile.s32 @!p0 $0x1;
	_ =	shalt  }
.Lfunc_end2:
_tile_overlayer_lowered:
.L_overlay_start_2:
0x82: {  	(tag) =	ssettag $0x2  }
0x83: {  	s0 =	rddreg [dreg:$0x0];
	s2 =	stileid.u32  }
0x84: {  	s1 =	rddreg [dreg:$0x1];
	p0 =	sne.s32 s2, $0x0  }
0x85: {  	s3 =	rddreg [dreg:$0x2];
	[bflag:$0x3] =	sbarrier.arrive $0xFFFF;
	s2 =	simm.s32 @!p0 $0x1C03  }
0x86: {  	[timem:s3], [sflag:s2] =	dma.local @!p0 [hbm:s0], s1  }
0x87: {  	s0 =	simm.s32 @!p0 $0x3  }
0x88: {  	_ =	swait.ge @!p0 [sflag:s0], s1  }
0x89: {  	s1 =	ssub.s32 @!p0 $0x0, s1;
	[sflag:s0] =	ssyncset.done @!p0 $0x0  }
0x8a: {  	[sflag:s0] =	ssyncadd.s32 @!p0 s1  }
0x8b: {  	[bflag:$0x3] =	sbarrier.arrive $0xFFFF  }
0x8c: {  	_ =	shalt  }

// kernel: kernel.19.cloned.1.call-start
scs
__scs_entry_jumppad:
0x0: {  	(pc) =	sbr.rel $0x88, $3  }
0x1: {  	(tag) =	ssettag $0x0;
	lr =	simm.s32 $0x1  }
0x2: {  	[smem:$0x3F95] =	sst lr;
	_ =	strace $0xD0000000  }
0x3: {  	_ = 	snop  }
0x4: {  	_ = 	snop  }
0x5: {  	_ = 	snop  }
0x6: {  	_ = 	snop  }
0x7: {  	_ = 	snop  }
__scs_overlays_trampoline_lowered:
0x8: {  	[smem:$0x3FA4] =	sst s0  }
0x9: {  	[smem:$0x3FA5] =	sst s1  }
0xa: {  	[smem:$0x3FA6] =	sst s2  }
0xb: {  	[smem:$0x3FA7] =	sst s3  }
0xc: {  	[smem:$0x3FA8] =	sst s4  }
0xd: {  	[smem:$0x3FA9] =	sst s5  }
0xe: {  	[smem:$0x3FAA] =	sst s6  }
0xf: {  	[smem:$0x3FAB] =	sst s7  }
0x10: {  	[smem:$0x3FAC] =	sst s8  }
0x11: {  	[smem:$0x3FAD] =	sst s9;
	s0 =	simm.s32 @!p0 $0x0  }
0x12: {  	s1 =	sld [smem:$0x3F93];
	s0 =	simm.s32 @p0 $0x1  }
0x13: {  	[smem:$0x3FAE] =	sst s0;
	s0 =	simm.s32 @!p1 $0x0  }
0x14: {  	s2 =	sld [smem:$0x3F92];
	s0 =	simm.s32 @p1 $0x1  }
0x15: {  	[smem:$0x3FAF] =	sst s0;
	s0 =	simm.s32 @!p2 $0x0  }
0x16: {  	s3 =	sld [smem:$0x3FDB];
	s0 =	simm.s32 @p2 $0x1  }
0x17: {  	s4 =	simm.s32 $0x1BF5;
	[smem:$0x3FB1] =	sst s0  }
0x18: {  	s0 =	sld [smem:$0x3F94];
	_ =	swait.ge [sflag:s4], $0x0  }
0x19: {  	s7 =	sld [smem:$0x3F95]  }
0x1a: {  	s8 =	sadd.s32 $0xFFFFE003, lr  }
0x1b: {  	s9 =	sadd.s32 $0xFFFFFEF7, lr;
	s5 =	simm.s32 $0xFFFFFFFF;
	p2 =	slt.u32 s8, $0xFFFFF086  }
0x1c: {  	p1 =	slt.u32 s9, $0xF7A;
	s5 =	simm.s32 @!p2 $0x0  }
0x1d: {  	s5 =	simm.s32 @p1 $0x1;
	p0 =	seq.s32 s7, s2  }
0x1e: {  	s7 =	smul.u32 @!p0 $0xF7A, s2;
	p2 =	seq.s32 @!p0 s5, $0x0  }
0x1f: {  	s9 =	smul.u32 $0xF7A, s1;
	s8 =	simm.s32 @!p0 $0x1BF5;
	p2 =	por !p2, p0  }
0x20: {  	[sflag:s8] =	ssyncset.s32 @!p0 $0xFFFFF086;
	s6 =	sadd.s32 @!p0 s3, s7;
	s7 =	simm.s32 @!p0 $0x108  }
0x21: {  	s3 =	sadd.s32 s3, s9;
	s6 =	sadd.s32 @!p0 $0x88, s6;
	s7 =	simm.s32 @p2 $0x1082  }
0x22: {  	[simem:s7], [sflag:s8] =	dma.local @!p0 [hbm:s6], $0xF7A  }
0x23: {  	s9 =	sor.u32 $0xD0000000, s2;
	s6 =	simm.s32 $0x108;
	_ =	swait.ge @!p0 [sflag:s8], $0x0  }
0x24: {  	s3 =	sadd.s32 $0x88, s3;
	s6 =	simm.s32 @!p1 $0x1082;
	[sflag:s4] =	ssyncset.s32 $0xFFFFF086  }
0x25: {  	[simem:s6], [sflag:s4] =	dma.local [hbm:s3], $0xF7A  }
0x26: {  	[smem:$0x3F95] =	sst s1;
	(tag) =	ssettag s2;
	_ =	strace s9  }
0x27: {  	s1 =	sld [smem:$0x3FA5]  }
0x28: {  	s2 =	sld [smem:$0x3FA6]  }
0x29: {  	s4 =	sld [smem:$0x3FA8]  }
0x2a: {  	p0 =	seq.s32 s5, $0x0;
	s5 =	sld [smem:$0x3FA9]  }
0x2b: {  	s6 =	sld [smem:$0x3FAA]  }
0x2c: {  	s7 =	sld [smem:$0x3FAB]  }
0x2d: {  	s3 =	simm.s32 $0x108;
	s8 =	sld [smem:$0x3FAC]  }
0x2e: {  	s3 =	simm.s32 @!p0 $0x1082;
	s9 =	sld [smem:$0x3FAD]  }
0x2f: {  	lr =	sadd.s32 s0, s3;
	s0 =	sld [smem:$0x3FA4]  }
0x30: {  	s3 =	sld [smem:$0x3FA7]  }
0x31: {  	[smem:$0x3FB0] =	sst s10  }
0x32: {  	s10 =	sld [smem:$0x3FAE];
	_ =	sdelay $0x3  }
0x33: {  	p0 =	seq.s32 s10, $0x1;
	s10 =	sld [smem:$0x3FB0];
	_ =	sdelay $0x3  }
0x34: {  	[smem:$0x3FB0] =	sst s10  }
0x35: {  	s10 =	sld [smem:$0x3FAF];
	_ =	sdelay $0x3  }
0x36: {  	p1 =	seq.s32 s10, $0x1;
	s10 =	sld [smem:$0x3FB0];
	_ =	sdelay $0x3  }
0x37: {  	[smem:$0x3FB0] =	sst s10  }
0x38: {  	s10 =	sld [smem:$0x3FB1]  }
0x39: {  	_ = 	snop;
	(pc) =	sbr.ind lr, $3  }
0x3a: {  	_ = 	snop  }
0x3b: {  	_ = 	snop  }
0x3c: {  	p2 =	seq.s32 s10, $0x1;
	s10 =	sld [smem:$0x3FB0]  }
0x3d: {  	_ =	shalt  }
0x3e: {  	_ =	shalt  }
0x3f: {  	_ =	shalt  }
0x40: {  	_ =	shalt  }
0x41: {  	_ =	shalt  }
0x42: {  	_ =	shalt  }
0x43: {  	_ =	shalt  }
0x44: {  	_ =	shalt  }
0x45: {  	_ =	shalt  }
0x46: {  	_ =	shalt  }
0x47: {  	_ =	shalt  }
0x48: {  	_ =	shalt  }
0x49: {  	_ =	shalt  }
0x4a: {  	_ =	shalt  }
0x4b: {  	_ =	shalt  }
0x4c: {  	_ =	shalt  }
0x4d: {  	_ =	shalt  }
0x4e: {  	_ =	shalt  }
0x4f: {  	_ =	shalt  }
0x50: {  	_ =	shalt  }
0x51: {  	_ =	shalt  }
0x52: {  	_ =	shalt  }
0x53: {  	_ =	shalt  }
0x54: {  	_ =	shalt  }
0x55: {  	_ =	shalt  }
0x56: {  	_ =	shalt  }
0x57: {  	_ =	shalt  }
0x58: {  	_ =	shalt  }
0x59: {  	_ =	shalt  }
0x5a: {  	_ =	shalt  }
0x5b: {  	_ =	shalt  }
0x5c: {  	_ =	shalt  }
0x5d: {  	_ =	shalt  }
0x5e: {  	_ =	shalt  }
0x5f: {  	_ =	shalt  }
0x60: {  	_ =	shalt  }
0x61: {  	_ =	shalt  }
0x62: {  	_ =	shalt  }
0x63: {  	_ =	shalt  }
0x64: {  	_ =	shalt  }
0x65: {  	_ =	shalt  }
0x66: {  	_ =	shalt  }
0x67: {  	_ =	shalt  }
0x68: {  	_ =	shalt  }
0x69: {  	_ =	shalt  }
0x6a: {  	_ =	shalt  }
0x6b: {  	_ =	shalt  }
0x6c: {  	_ =	shalt  }
0x6d: {  	_ =	shalt  }
0x6e: {  	_ =	shalt  }
0x6f: {  	_ =	shalt  }
0x70: {  	_ =	shalt  }
0x71: {  	_ =	shalt  }
0x72: {  	_ =	shalt  }
0x73: {  	_ =	shalt  }
0x74: {  	_ =	shalt  }
0x75: {  	_ =	shalt  }
0x76: {  	_ =	shalt  }
0x77: {  	_ =	shalt  }
0x78: {  	_ =	shalt  }
0x79: {  	_ =	shalt  }
0x7a: {  	_ =	shalt  }
0x7b: {  	_ =	shalt  }
0x7c: {  	_ =	shalt  }
0x7d: {  	_ =	shalt  }
0x7e: {  	_ =	shalt  }
0x7f: {  	_ =	shalt  }
0x80: {  	_ =	shalt  }
0x81: {  	_ =	shalt  }
0x82: {  	_ =	shalt  }
0x83: {  	_ =	shalt  }
0x84: {  	_ =	shalt  }
0x85: {  	_ =	shalt  }
0x86: {  	_ =	shalt  }
0x87: {  	_ =	shalt  }
.Lfunc_end0:
.L_simem_size_0:
called_computation.2_lowered:
.L_overlay_start_0:
0x88: {  	s2 =	sld [smem:$0x3FD9]  }
0x89: {  	s3 =	sld [smem:$0x3FFE];
	_ =	sdelay $0x1  }
0x8a: {  	s1 =	srdreg.scid  }
0x8b: {  	s0 =	sand.u32 $0x1, s1  }
0x8c: {  	s17 =	sshll.u32 s0, $0xA;
	s2 =	sadd.s32 s3, s2  }
0x8d: {  	s2 =	sadd.s32 s2, s17  }
0x8e: {  	[smem:$0x3FBC] =	sst s2  }
0x8f: {  	_ = 	snop  }
0x90: {  	s2 =	sld [smem:$0x3FD0];
	(tm) =	ssettm $0x1  }
0x91: {  	s18 =	sld [smem:$0x3FFB];
	_ =	sdelay $0x3  }
0x92: {  	_ =	strace s18  }
0x93: {  	s3 =	sld [smem:$0x3FFC];
	_ =	sdelay $0x3  }
0x94: {  	_ =	strace s3  }
0x95: {  	s3 =	sld [smem:$0x3FFD];
	_ =	sdelay $0x3  }
0x96: {  	_ =	strace s3  }
0x97: {  	_ =	strace $0x8FFFFFFF  }
0x98: {  	s19 =	sld [smem:$0x3FDB];
	_ =	sdelay $0x1  }
0x99: {  	s4 =	simm.s32 $_scs_section_size  }
0x9a: {  	s5 =	simm.s32 $_size__tile_overlayer_lowered;
	s6 =	simm.s32 $_tile_overlayer_lowered  }
0x9b: {  	s22 =	simm.s32 $0x1BFF;
	s21 =	sshll.u32 s6, $0x1;
	s3 =	sadd.s32 s4, s19  }
0x9c: {  	s7 =	simm.s32 $0x0;
	s20 =	sshll.u32 s5, $0x1;
	s5 =	sadd.s32 s21, s3  }
0x9d: {  	[timem:s7], [sflag:s22] =	dma.local [hbm:s5], s20  }
0x9e: {  	_ =	swait.ge [sflag:s22], s20  }
0x9f: {  	s4 =	ssub.s32 $0x0, s20;
	[sflag:s22] =	ssyncset.done $0x0  }
0xa0: {  	[sflag:s22] =	ssyncadd.s32 s4;
	_ =	sdelay $0x1  }
0xa1: {  	s23 =	simm.s32 $0x1B8B  }
0xa2: {  	_ =	swait.ge [sflag:s23], $0x1  }
0xa3: {  	[sflag:s23] =	ssyncset.done $0x0  }
0xa4: {  	s25 =	simm.s32 $0x1B8E;
	s24 =	sld [smem:$0x3FFE];
	[sflag:s23] =	ssyncadd.s32 $0xFFFFFFFF  }
0xa5: {  	s26 =	simm.s32 $execute0_lowered;
	[smem:$0x3FD2] =	sst s25  }
0xa6: {  	s5 =	sshll.u32 s26, $0x1;
	_ =	strace $0x8000004C;
	[dreg:$0x1] =	wrdreg $0xFFFFFFFF  }
0xa7: {  	s28 =	simm.s32 $_size_execute0_lowered;
	s3 =	sadd.s32 s3, s5;
	[dreg:$0x0] =	wrdreg $0x0  }
0xa8: {  	s5 =	sshll.u32 s28, $0x1;
	[dreg:$0x2] =	wrdreg s3  }
0xa9: {  	[dreg:$0x3] =	wrdreg s5  }
0xaa: {  	[dreg:$0x4] =	wrdreg $0xC0  }
0xab: {  	_ =	task [dreg:s7], $0x5FFFF  }
0xac: {  	[dreg:$0x1] =	wrdreg $0xFFFFFFFF  }
0xad: {  	[dreg:$0x0] =	wrdreg $0x60  }
0xae: {  	[dreg:$0x2] =	wrdreg s2  }
0xaf: {  	[dreg:$0x3] =	wrdreg s24  }
0xb0: {  	[dreg:$0x4] =	wrdreg $0x100000  }
0xb1: {  	[dreg:$0x5] =	wrdreg $0x9  }
0xb2: {  	_ =	task.clear_ibuf [dreg:s7], $0x6FFFF;
	_ =	strace $0x9000004C  }
0xb3: {  	s29 =	simm.s32 $0x9;
	_ =	strace $0x8000004E  }
0xb4: {  	_ =	swait.ge [sflag:s29], $0x1  }
0xb5: {  	[sflag:s29] =	ssyncadd.s32 $0xFFFFFFFF  }
0xb6: {  	_ =	strace $0x9000004E  }
0xb7: {  	_ =	sfence  }
0xb8: {  	s30 =	sld [smem:$0x0];
	_ =	sdelay $0x2  }
0xb9: {  	s31 =	sshll.u32 s1, $0xD;
	s1 =	sshrl.u32 s1, $0x2  }
0xba: {  	s3 =	sand.u32 $0x4000, s31;
	s1 =	sadd.s32 s1, s30  }
0xbb: {  	s0 =	sor.u32 s3, s0;
	s1 =	sshll.u32 s1, $0x11  }
0xbc: {  	s0 =	sor.u32 s1, s0  }
0xbd: {  	s0 =	sadd.s32 $0x8F2B, s0  }
0xbe: {  	[sflag:s0] =	ssyncadd.remote.s32 $0x1  }
0xbf: {  	_ =	sfence.sel $0xFFFF  }
0xc0: {  	[dreg:$0x0] =	wrdreg $0xFFFFFFFF;
	(pc) =	sbr.abs _section_cstart, $3  }
0xc1: {  	[dreg:$0x1] =	wrdreg $0xFFFFFFFF  }
0xc2: {  	_ =	task.clear_ibuf [dreg:s7], $0x2FFFF;
	_ =	strace $0x9FFFFFFF  }
0xc3: {  	(tm) =	ssettm $0x7FFFFFFF  }
tec
execute0_lowered:
.L_overlay_start_1:
0x0: {  	(tag) =	ssettag $0x1  }
0x1: {  	s14 =	rddreg [dreg:$0x0]  }
0x2: {  	s6 =	rddreg [dreg:$0x1]  }
0x3: {  	s2 =	rddreg [dreg:$0x2]  }
0x4: {  	s1 =	stileid.u32;
	s3 =	simm.s32 $0x0;
	s4 =	srdreg.scid  }
0x5: {  	s18 =	simm.s32 $0x80;
	s19 =	simm.s32 $0xA000;
	s20 =	simm.s32 $0xC000  }
0x6: {  	s21 =	simm.s32 $0x1;
	s22 =	simm.s32 $0x2;
	s23 =	simm.s32 $0x4F80  }
0x7: {  	s24 =	simm.s32 $0x9F00;
	s25 =	simm.s32 $0x9F80;
	s15 =	smul.u32 $0xA00, s1  }
0x8: {  	s26 =	simm.s32 $0x0;
	[smem:$0x7FF] =	sst s3;
	s7 =	smul.u32 $0xA000, s1  }
0x9: {  	s10 =	sand.u32 $0x1, s4;
	s12 =	sadd.s32 $0xE200, s6;
	s9 =	smul.u32 $0x28000, s1  }
0xa: {  	s4 =	sadd.s32 $0x68200, s6;
	s5 =	sadd.s32 $0xD400, s6;
	_ =	strace $0x8000004D  }
0xb: {  	s8 =	smul.u32 $0xA0000, s10;
	s13 =	ssub.s32 $0x2, s10;
	p0 =	seq.s32 s10, $0x1  }
0xc: {  	s11 =	sadd.s32 s15, s6;
	s9 =	sshrl.u32 s9, $0x2;
	s31 =	sshrl.u32 s13, $0x1  }
0xd: {  	s14 =	smov.u32 @p0 s12;
	s8 =	sadd.s32 s7, s8;
	s17 =	sadd.s32 s9, s2  }
0xe: {  	s13 =	ssub.s32 s13, s31;
	s11 =	sadd.s32 $0x3400, s11;
	s14 =	sadd.s32 s14, s15  }
0xf: {  	s15 =	simm.s32 $0xE000;
	s8 =	sshrl.u32 s8, $0x3;
	s9 =	sadd.s32 $0x6000, s17  }
0x10: {  	s10 =	sadd.s32 $0x8000, s17;
	s13 =	smax.u32 s13, $0x1;
	s16 =	sadd.s32 s8, s6  }
0x11: {  	s6 =	sadd.s32 s7, s2;
	s7 =	sadd.s32 $0x2000, s17;
	s8 =	sadd.s32 $0x4000, s17  }
0x12: {  	s17 =	simm.s32 $0x5000;
	s12 =	sadd.s32 $0x90200, s16;
	s16 =	simm.s32 $0x3  }
.LBB2_1:
0x13: {  	[tilespmem:s15], [sflag:$0x3] =	stream.linear.gather [hbm4b:s5+s3], $0x2000, $0x38;
	[tilespmem:$0x1A000] =	vst v63  }
0x14: {  	_ =	swait.ge [sflag:s16], $0x2000  }
0x15: {  	[sflag:s16] =	ssyncset.done $0x0  }
0x16: {  	[sflag:s16] =	ssyncadd.s32 $0xFFFFE000  }
0x17: {  	[spmem:s6] =	stream.linear.scatter [tilespmem:s15], [sflag:$0x3], $0x2000, $0x38;
	[tilespmem:$0x1A000] =	vst v63  }
0x18: {  	_ =	swait.ge [sflag:s16], $0x2000  }
0x19: {  	[sflag:s16] =	ssyncset.done $0x0  }
0x1a: {  	[sflag:s16] =	ssyncadd.s32 $0xFFFFE000  }
0x1b: {  	[spmem:s7] =	stream.linear.scatter [tilespmem:s15], [sflag:$0x3], $0x2000, $0x38;
	[tilespmem:$0x1A000] =	vst v63  }
0x1c: {  	_ =	swait.ge [sflag:s16], $0x2000  }
0x1d: {  	[sflag:s16] =	ssyncset.done $0x0  }
0x1e: {  	[sflag:s16] =	ssyncadd.s32 $0xFFFFE000  }
0x1f: {  	[spmem:s8] =	stream.linear.scatter [tilespmem:s15], [sflag:$0x3], $0x2000, $0x38;
	[tilespmem:$0x1A000] =	vst v63  }
0x20: {  	_ =	swait.ge [sflag:s16], $0x2000  }
0x21: {  	[sflag:s16] =	ssyncset.done $0x0  }
0x22: {  	[sflag:s16] =	ssyncadd.s32 $0xFFFFE000  }
0x23: {  	[spmem:s9] =	stream.linear.scatter [tilespmem:s15], [sflag:$0x3], $0x2000, $0x38;
	[tilespmem:$0x1A000] =	vst v63  }
0x24: {  	_ =	swait.ge [sflag:s16], $0x2000  }
0x25: {  	[sflag:s16] =	ssyncset.done $0x0  }
0x26: {  	[sflag:s16] =	ssyncadd.s32 $0xFFFFE000  }
0x27: {  	[spmem:s10] =	stream.linear.scatter [tilespmem:s15], [sflag:$0x3], $0x2000, $0x38;
	[tilespmem:$0x1A000] =	vst v63  }
0x28: {  	_ =	swait.ge [sflag:s16], $0x2000  }
0x29: {  	[sflag:s16] =	ssyncset.done $0x0  }
0x2a: {  	[sflag:s16] =	ssyncadd.s32 $0xFFFFE000  }
0x2b: {  	[tilespmem:s3], [sflag:$0x3] =	stream.linear.gather [hbm4b:s14+s3], $0x5000, $0x38;
	[tilespmem:$0x1A000] =	vst v63  }
0x2c: {  	_ =	swait.ge [sflag:s16], $0x5000  }
0x2d: {  	[sflag:s16] =	ssyncset.done $0x0  }
0x2e: {  	[sflag:s16] =	ssyncadd.s32 $0xFFFFB000  }
0x2f: {  	[tilespmem:s17], [sflag:$0x3] =	stream.linear.gather [hbm4b:s11+s3], $0x5000, $0x38;
	[tilespmem:$0x1A000] =	vst v63  }
0x30: {  	_ =	swait.ge [sflag:s16], $0x5000  }
0x31: {  	[sflag:s16] =	ssyncset.done $0x0  }
0x32: {  	[sflag:s16] =	ssyncadd.s32 $0xFFFFB000  }
0x33: {  	[bflag:$0x0] =	sbarrier.arrive $0xFFFF  }
0x34: {  	[tilespmem:s19], [sflag:$0x1] =	stream.indirect.gather [hbm4b:s4+s18], $0x40, s3, s18, $0xb8;
	[tilespmem:$0x1A000] =	vst v63  }
0x35: {  	s28 =	simm.s32 $0x80  }
0x36: {  	[tilespmem:s20], [sflag:$0x2] =	stream.indirect.gather [hbm4b:s4+s18], $0x40, s28, s18, $0xb8;
	[tilespmem:$0x1A000] =	vst v63  }
0x37: {  	_ =	swait.ge [sflag:s21], $0x2000  }
0x38: {  	[sflag:s21] =	ssyncset.done $0x0  }
0x39: {  	s28 =	simm.s32 $0x5000;
	[sflag:s21] =	ssyncadd.s32 $0xFFFFE000  }
0x3a: {  	[spmem:s2] =	stream.indirect.scatter.add.f32 [tilespmem:s19], [sflag:$0x3], $0x40, s28, s18, $0xb8;
	[tilespmem:$0x1A000] =	vst v63  }
0x3b: {  	_ =	swait.ge [sflag:s16], $0x2000  }
0x3c: {  	[sflag:s16] =	ssyncset.done $0x0  }
0x3d: {  	s28 =	simm.s32 $0x100;
	[sflag:s16] =	ssyncadd.s32 $0xFFFFE000  }
0x3e: {  	[tilespmem:s19], [sflag:$0x1] =	stream.indirect.gather [hbm4b:s4+s18], $0x40, s28, s18, $0xb8;
	[tilespmem:$0x1A000] =	vst v63  }
0x3f: {  	_ =	swait.ge [sflag:s22], $0x2000  }
0x40: {  	[sflag:s22] =	ssyncset.done $0x0  }
0x41: {  	s28 =	simm.s32 $0x5080;
	[sflag:s22] =	ssyncadd.s32 $0xFFFFE000  }
0x42: {  	[spmem:s2] =	stream.indirect.scatter.add.f32 [tilespmem:s20], [sflag:$0x3], $0x40, s28, s18, $0xb8;
	[tilespmem:$0x1A000] =	vst v63  }
0x43: {  	_ =	swait.ge [sflag:s16], $0x2000  }
0x44: {  	s29 =	simm.s32 $0x800;
	s28 =	simm.s32 $0x100;
	[sflag:s16] =	ssyncset.done $0x0  }
.LBB2_2:
0x45: {  	s30 =	sadd.s32 $0x80, s28  }
0x46: {  	[sflag:s16] =	ssyncadd.s32 $0xFFFFE000;
	s31 =	smov.u32 s29;
	s0 =	sadd.s32 $0x400, s29  }
0x47: {  	[tilespmem:s20], [sflag:$0x2] =	stream.indirect.gather [hbm4b:s4+s18], $0x40, s30, s18, $0xb8;
	[tilespmem:$0x1A000] =	vst v63  }
0x48: {  	p0 =	sne.s32 s29, $0x13800;
	_ =	swait.ge [sflag:s21], $0x2000  }
0x49: {  	[sflag:s21] =	ssyncset.done $0x0  }
0x4a: {  	s29 =	sadd.s32 $0x5000, s28;
	[sflag:s21] =	ssyncadd.s32 $0xFFFFE000  }
0x4b: {  	[spmem:s2] =	stream.indirect.scatter.add.f32 [tilespmem:s19], [sflag:$0x3], $0x40, s29, s18, $0xb8;
	[tilespmem:$0x1A000] =	vst v63  }
0x4c: {  	_ =	swait.ge [sflag:s16], $0x2000  }
0x4d: {  	[sflag:s16] =	ssyncset.done $0x0  }
0x4e: {  	s29 =	sadd.s32 $0x100, s28;
	[sflag:s16] =	ssyncadd.s32 $0xFFFFE000  }
0x4f: {  	[tilespmem:s19], [sflag:$0x1] =	stream.indirect.gather [hbm4b:s4+s18], $0x40, s29, s18, $0xb8;
	[tilespmem:$0x1A000] =	vst v63  }
0x50: {  	_ =	swait.ge [sflag:s22], $0x2000  }
.Ltmp0:
0x51: {  	[sflag:s22] =	ssyncset.done $0x0;
	(pc) =	sbr.rel @p0 .LBB2_2-.Ltmp0, $4  }
0x52: {  	s28 =	sadd.s32 $0x5080, s28;
	[sflag:s22] =	ssyncadd.s32 $0xFFFFE000  }
0x53: {  	[spmem:s2] =	stream.indirect.scatter.add.f32 [tilespmem:s20], [sflag:$0x3], $0x40, s28, s18, $0xb8;
	[tilespmem:$0x1A000] =	vst v63  }
0x54: {  	_ =	swait.ge [sflag:s16], $0x2000  }
0x55: {  	s29 =	smov.u32 s0;
	s28 =	sshra.s32 s31, $0x2;
	[sflag:s16] =	ssyncset.done $0x0  }
0x56: {  	s0 =	sadd.s32 $0x80, s28;
	[sflag:s16] =	ssyncadd.s32 $0xFFFFE000  }
0x57: {  	[tilespmem:s20], [sflag:$0x2] =	stream.indirect.gather [hbm4b:s4+s18], $0x40, s0, s18, $0xb8;
	[tilespmem:$0x1A000] =	vst v63  }
0x58: {  	_ =	swait.ge [sflag:s21], $0x2000  }
0x59: {  	[sflag:s21] =	ssyncset.done $0x0  }
0x5a: {  	s30 =	sadd.s32 $0x5000, s28;
	[sflag:s21] =	ssyncadd.s32 $0xFFFFE000  }
0x5b: {  	[spmem:s2] =	stream.indirect.scatter.add.f32 [tilespmem:s19], [sflag:$0x3], $0x40, s30, s18, $0xb8;
	[tilespmem:$0x1A000] =	vst v63  }
0x5c: {  	_ =	swait.ge [sflag:s16], $0x2000  }
0x5d: {  	[sflag:s16] =	ssyncset.done $0x0  }
0x5e: {  	s31 =	sadd.s32 $0x100, s28;
	[sflag:s16] =	ssyncadd.s32 $0xFFFFE000  }
0x5f: {  	[tilespmem:s19], [sflag:$0x1] =	stream.indirect.gather [hbm4b:s4+s18], $0x40, s31, s18, $0xb8;
	[tilespmem:$0x1A000] =	vst v63  }
0x60: {  	_ =	swait.ge [sflag:s22], $0x2000  }
0x61: {  	[sflag:s22] =	ssyncset.done $0x0  }
0x62: {  	s29 =	sadd.s32 $0x5080, s28;
	[sflag:s22] =	ssyncadd.s32 $0xFFFFE000  }
0x63: {  	[spmem:s2] =	stream.indirect.scatter.add.f32 [tilespmem:s20], [sflag:$0x3], $0x40, s29, s18, $0xb8;
	[tilespmem:$0x1A000] =	vst v63  }
0x64: {  	_ =	swait.ge [sflag:s16], $0x2000  }
0x65: {  	[sflag:s16] =	ssyncset.done $0x0  }
0x66: {  	[sflag:s16] =	ssyncadd.s32 $0xFFFFE000  }
0x67: {  	[tilespmem:s20], [sflag:$0x2] =	stream.indirect.gather [hbm4b:s4+s18], $0x40, s23, s18, $0xb8;
	[tilespmem:$0x1A000] =	vst v63  }
0x68: {  	_ =	swait.ge [sflag:s21], $0x2000  }
0x69: {  	[sflag:s21] =	ssyncset.done $0x0  }
0x6a: {  	[sflag:s21] =	ssyncadd.s32 $0xFFFFE000  }
0x6b: {  	[spmem:s2] =	stream.indirect.scatter.add.f32 [tilespmem:s19], [sflag:$0x3], $0x40, s24, s18, $0xb8;
	[tilespmem:$0x1A000] =	vst v63  }
0x6c: {  	_ =	swait.ge [sflag:s16], $0x2000  }
0x6d: {  	[sflag:s16] =	ssyncset.done $0x0  }
0x6e: {  	[sflag:s16] =	ssyncadd.s32 $0xFFFFE000  }
0x6f: {  	_ =	swait.ge [sflag:s22], $0x2000  }
0x70: {  	[sflag:s22] =	ssyncset.done $0x0  }
0x71: {  	[sflag:s22] =	ssyncadd.s32 $0xFFFFE000  }
0x72: {  	[spmem:s2] =	stream.indirect.scatter.add.f32 [tilespmem:s20], [sflag:$0x3], $0x40, s25, s18, $0xb8;
	[tilespmem:$0x1A000] =	vst v63  }
0x73: {  	_ =	swait.ge [sflag:s16], $0x2000  }
0x74: {  	s26 =	sadd.s32 $0x1, s26;
	s30 =	sshll.u32 s1, $0x6;
	[sflag:s16] =	ssyncset.done $0x0  }
0x75: {  	p0 =	sne.s32 s26, s13;
	s0 =	sor.u32 $0x1C03, s30;
	[sflag:s16] =	ssyncadd.s32 $0xFFFFE000  }
.Ltmp1:
0x76: {  	s31 =	sshrl.u32 s6, $0x3;
	[bflag:$0x0] =	sbarrier.arrive $0xFFFF;
	(pc) =	sbr.rel @p0 .LBB2_1-.Ltmp1, $4  }
0x77: {  	[hbm:s12], [sflag:s0] =	dma.local [spmem:s31], $0x1400  }
0x78: {  	_ =	swait.ge [sflag:s16], $0x1400  }
0x79: {  	[sflag:s16] =	ssyncset.done $0x0  }
0x7a: {  	[sflag:s16] =	ssyncadd.s32 $0xFFFFEC00  }
0x7b: {  	_ =	sfence.sel $0x180000  }
0x7c: {  	[bflag:$0x0] =	sbarrier.arrive $0xFFFF  }
0x7d: {  	_ =	strace $0x9000004D  }
0x7e: {  	[bflag:$0x2] =	sbarrier.arrive $0xFFFF  }
0x7f: {  	p0 =	sne.s32 s1, $0x0;
	s0 =	rddreg [dreg:$0x3]  }
0x80: {  	s0 =	sadd.s32 @!p0 $0x100000, s0  }
0x81: {  	[sflag:s0] =	ssyncadd.tile.s32 @!p0 $0x1;
	_ =	shalt  }
.Lfunc_end2:
_tile_overlayer_lowered:
.L_overlay_start_2:
0x82: {  	(tag) =	ssettag $0x2  }
0x83: {  	s0 =	rddreg [dreg:$0x0];
	s2 =	stileid.u32  }
0x84: {  	s1 =	rddreg [dreg:$0x1];
	p0 =	sne.s32 s2, $0x0  }
0x85: {  	s3 =	rddreg [dreg:$0x2];
	[bflag:$0x3] =	sbarrier.arrive $0xFFFF;
	s2 =	simm.s32 @!p0 $0x1C03  }
0x86: {  	[timem:s3], [sflag:s2] =	dma.local @!p0 [hbm:s0], s1  }
0x87: {  	s0 =	simm.s32 @!p0 $0x3  }
0x88: {  	_ =	swait.ge @!p0 [sflag:s0], s1  }
0x89: {  	s1 =	ssub.s32 @!p0 $0x0, s1;
	[sflag:s0] =	ssyncset.done @!p0 $0x0  }
0x8a: {  	[sflag:s0] =	ssyncadd.s32 @!p0 s1  }
0x8b: {  	[bflag:$0x3] =	sbarrier.arrive $0xFFFF  }
0x8c: {  	_ =	shalt  }

// kernel: kernel.22.cloned.1.call-start
scs
__scs_entry_jumppad:
0x0: {  	(pc) =	sbr.rel $0x88, $3  }
0x1: {  	(tag) =	ssettag $0x0;
	lr =	simm.s32 $0x1  }
0x2: {  	[smem:$0x3F95] =	sst lr;
	_ =	strace $0xD0000000  }
0x3: {  	_ = 	snop  }
0x4: {  	_ = 	snop  }
0x5: {  	_ = 	snop  }
0x6: {  	_ = 	snop  }
0x7: {  	_ = 	snop  }
__scs_overlays_trampoline_lowered:
0x8: {  	[smem:$0x3FA4] =	sst s0  }
0x9: {  	[smem:$0x3FA5] =	sst s1  }
0xa: {  	[smem:$0x3FA6] =	sst s2  }
0xb: {  	[smem:$0x3FA7] =	sst s3  }
0xc: {  	[smem:$0x3FA8] =	sst s4  }
0xd: {  	[smem:$0x3FA9] =	sst s5  }
0xe: {  	[smem:$0x3FAA] =	sst s6  }
0xf: {  	[smem:$0x3FAB] =	sst s7  }
0x10: {  	[smem:$0x3FAC] =	sst s8  }
0x11: {  	[smem:$0x3FAD] =	sst s9;
	s0 =	simm.s32 @!p0 $0x0  }
0x12: {  	s1 =	sld [smem:$0x3F93];
	s0 =	simm.s32 @p0 $0x1  }
0x13: {  	[smem:$0x3FAE] =	sst s0;
	s0 =	simm.s32 @!p1 $0x0  }
0x14: {  	s2 =	sld [smem:$0x3F92];
	s0 =	simm.s32 @p1 $0x1  }
0x15: {  	[smem:$0x3FAF] =	sst s0;
	s0 =	simm.s32 @!p2 $0x0  }
0x16: {  	s3 =	sld [smem:$0x3FDB];
	s0 =	simm.s32 @p2 $0x1  }
0x17: {  	s4 =	simm.s32 $0x1BF5;
	[smem:$0x3FB1] =	sst s0  }
0x18: {  	s0 =	sld [smem:$0x3F94];
	_ =	swait.ge [sflag:s4], $0x0  }
0x19: {  	s7 =	sld [smem:$0x3F95]  }
0x1a: {  	s8 =	sadd.s32 $0xFFFFE003, lr  }
0x1b: {  	s9 =	sadd.s32 $0xFFFFFEF7, lr;
	s5 =	simm.s32 $0xFFFFFFFF;
	p2 =	slt.u32 s8, $0xFFFFF086  }
0x1c: {  	p1 =	slt.u32 s9, $0xF7A;
	s5 =	simm.s32 @!p2 $0x0  }
0x1d: {  	s5 =	simm.s32 @p1 $0x1;
	p0 =	seq.s32 s7, s2  }
0x1e: {  	s7 =	smul.u32 @!p0 $0xF7A, s2;
	p2 =	seq.s32 @!p0 s5, $0x0  }
0x1f: {  	s9 =	smul.u32 $0xF7A, s1;
	s8 =	simm.s32 @!p0 $0x1BF5;
	p2 =	por !p2, p0  }
0x20: {  	[sflag:s8] =	ssyncset.s32 @!p0 $0xFFFFF086;
	s6 =	sadd.s32 @!p0 s3, s7;
	s7 =	simm.s32 @!p0 $0x108  }
0x21: {  	s3 =	sadd.s32 s3, s9;
	s6 =	sadd.s32 @!p0 $0x88, s6;
	s7 =	simm.s32 @p2 $0x1082  }
0x22: {  	[simem:s7], [sflag:s8] =	dma.local @!p0 [hbm:s6], $0xF7A  }
0x23: {  	s9 =	sor.u32 $0xD0000000, s2;
	s6 =	simm.s32 $0x108;
	_ =	swait.ge @!p0 [sflag:s8], $0x0  }
0x24: {  	s3 =	sadd.s32 $0x88, s3;
	s6 =	simm.s32 @!p1 $0x1082;
	[sflag:s4] =	ssyncset.s32 $0xFFFFF086  }
0x25: {  	[simem:s6], [sflag:s4] =	dma.local [hbm:s3], $0xF7A  }
0x26: {  	[smem:$0x3F95] =	sst s1;
	(tag) =	ssettag s2;
	_ =	strace s9  }
0x27: {  	s1 =	sld [smem:$0x3FA5]  }
0x28: {  	s2 =	sld [smem:$0x3FA6]  }
0x29: {  	s4 =	sld [smem:$0x3FA8]  }
0x2a: {  	p0 =	seq.s32 s5, $0x0;
	s5 =	sld [smem:$0x3FA9]  }
0x2b: {  	s6 =	sld [smem:$0x3FAA]  }
0x2c: {  	s7 =	sld [smem:$0x3FAB]  }
0x2d: {  	s3 =	simm.s32 $0x108;
	s8 =	sld [smem:$0x3FAC]  }
0x2e: {  	s3 =	simm.s32 @!p0 $0x1082;
	s9 =	sld [smem:$0x3FAD]  }
0x2f: {  	lr =	sadd.s32 s0, s3;
	s0 =	sld [smem:$0x3FA4]  }
0x30: {  	s3 =	sld [smem:$0x3FA7]  }
0x31: {  	[smem:$0x3FB0] =	sst s10  }
0x32: {  	s10 =	sld [smem:$0x3FAE];
	_ =	sdelay $0x3  }
0x33: {  	p0 =	seq.s32 s10, $0x1;
	s10 =	sld [smem:$0x3FB0];
	_ =	sdelay $0x3  }
0x34: {  	[smem:$0x3FB0] =	sst s10  }
0x35: {  	s10 =	sld [smem:$0x3FAF];
	_ =	sdelay $0x3  }
0x36: {  	p1 =	seq.s32 s10, $0x1;
	s10 =	sld [smem:$0x3FB0];
	_ =	sdelay $0x3  }
0x37: {  	[smem:$0x3FB0] =	sst s10  }
0x38: {  	s10 =	sld [smem:$0x3FB1]  }
0x39: {  	_ = 	snop;
	(pc) =	sbr.ind lr, $3  }
0x3a: {  	_ = 	snop  }
0x3b: {  	_ = 	snop  }
0x3c: {  	p2 =	seq.s32 s10, $0x1;
	s10 =	sld [smem:$0x3FB0]  }
0x3d: {  	_ =	shalt  }
0x3e: {  	_ =	shalt  }
0x3f: {  	_ =	shalt  }
0x40: {  	_ =	shalt  }
0x41: {  	_ =	shalt  }
0x42: {  	_ =	shalt  }
0x43: {  	_ =	shalt  }
0x44: {  	_ =	shalt  }
0x45: {  	_ =	shalt  }
0x46: {  	_ =	shalt  }
0x47: {  	_ =	shalt  }
0x48: {  	_ =	shalt  }
0x49: {  	_ =	shalt  }
0x4a: {  	_ =	shalt  }
0x4b: {  	_ =	shalt  }
0x4c: {  	_ =	shalt  }
0x4d: {  	_ =	shalt  }
0x4e: {  	_ =	shalt  }
0x4f: {  	_ =	shalt  }
0x50: {  	_ =	shalt  }
0x51: {  	_ =	shalt  }
0x52: {  	_ =	shalt  }
0x53: {  	_ =	shalt  }
0x54: {  	_ =	shalt  }
0x55: {  	_ =	shalt  }
0x56: {  	_ =	shalt  }
0x57: {  	_ =	shalt  }
0x58: {  	_ =	shalt  }
0x59: {  	_ =	shalt  }
0x5a: {  	_ =	shalt  }
0x5b: {  	_ =	shalt  }
0x5c: {  	_ =	shalt  }
0x5d: {  	_ =	shalt  }
0x5e: {  	_ =	shalt  }
0x5f: {  	_ =	shalt  }
0x60: {  	_ =	shalt  }
0x61: {  	_ =	shalt  }
0x62: {  	_ =	shalt  }
0x63: {  	_ =	shalt  }
0x64: {  	_ =	shalt  }
0x65: {  	_ =	shalt  }
0x66: {  	_ =	shalt  }
0x67: {  	_ =	shalt  }
0x68: {  	_ =	shalt  }
0x69: {  	_ =	shalt  }
0x6a: {  	_ =	shalt  }
0x6b: {  	_ =	shalt  }
0x6c: {  	_ =	shalt  }
0x6d: {  	_ =	shalt  }
0x6e: {  	_ =	shalt  }
0x6f: {  	_ =	shalt  }
0x70: {  	_ =	shalt  }
0x71: {  	_ =	shalt  }
0x72: {  	_ =	shalt  }
0x73: {  	_ =	shalt  }
0x74: {  	_ =	shalt  }
0x75: {  	_ =	shalt  }
0x76: {  	_ =	shalt  }
0x77: {  	_ =	shalt  }
0x78: {  	_ =	shalt  }
0x79: {  	_ =	shalt  }
0x7a: {  	_ =	shalt  }
0x7b: {  	_ =	shalt  }
0x7c: {  	_ =	shalt  }
0x7d: {  	_ =	shalt  }
0x7e: {  	_ =	shalt  }
0x7f: {  	_ =	shalt  }
0x80: {  	_ =	shalt  }
0x81: {  	_ =	shalt  }
0x82: {  	_ =	shalt  }
0x83: {  	_ =	shalt  }
0x84: {  	_ =	shalt  }
0x85: {  	_ =	shalt  }
0x86: {  	_ =	shalt  }
0x87: {  	_ =	shalt  }
.Lfunc_end0:
.L_simem_size_0:
called_computation.3_lowered:
.L_overlay_start_0:
0x88: {  	s2 =	sld [smem:$0x3FD9]  }
0x89: {  	s3 =	sld [smem:$0x3FFE];
	_ =	sdelay $0x1  }
0x8a: {  	s1 =	srdreg.scid  }
0x8b: {  	s0 =	sand.u32 $0x1, s1  }
0x8c: {  	s17 =	sshll.u32 s0, $0xA;
	s2 =	sadd.s32 s3, s2  }
0x8d: {  	s2 =	sadd.s32 s2, s17  }
0x8e: {  	[smem:$0x3FBC] =	sst s2  }
0x8f: {  	_ = 	snop  }
0x90: {  	s2 =	sld [smem:$0x3FD0];
	(tm) =	ssettm $0x1  }
0x91: {  	s18 =	sld [smem:$0x3FFB];
	_ =	sdelay $0x3  }
0x92: {  	_ =	strace s18  }
0x93: {  	s3 =	sld [smem:$0x3FFC];
	_ =	sdelay $0x3  }
0x94: {  	_ =	strace s3  }
0x95: {  	s3 =	sld [smem:$0x3FFD];
	_ =	sdelay $0x3  }
0x96: {  	_ =	strace s3  }
0x97: {  	_ =	strace $0x8FFFFFFF  }
0x98: {  	s19 =	sld [smem:$0x3FDB];
	_ =	sdelay $0x1  }
0x99: {  	s4 =	simm.s32 $_scs_section_size  }
0x9a: {  	s5 =	simm.s32 $_size__tile_overlayer_lowered;
	s6 =	simm.s32 $_tile_overlayer_lowered  }
0x9b: {  	s22 =	simm.s32 $0x1BFF;
	s21 =	sshll.u32 s6, $0x1;
	s3 =	sadd.s32 s4, s19  }
0x9c: {  	s7 =	simm.s32 $0x0;
	s20 =	sshll.u32 s5, $0x1;
	s5 =	sadd.s32 s21, s3  }
0x9d: {  	[timem:s7], [sflag:s22] =	dma.local [hbm:s5], s20  }
0x9e: {  	_ =	swait.ge [sflag:s22], s20  }
0x9f: {  	s4 =	ssub.s32 $0x0, s20;
	[sflag:s22] =	ssyncset.done $0x0  }
0xa0: {  	[sflag:s22] =	ssyncadd.s32 s4;
	_ =	sdelay $0x1  }
0xa1: {  	s23 =	simm.s32 $0x1B8B  }
0xa2: {  	_ =	swait.ge [sflag:s23], $0x1  }
0xa3: {  	[sflag:s23] =	ssyncset.done $0x0  }
0xa4: {  	s25 =	simm.s32 $0x1B8E;
	s24 =	sld [smem:$0x3FFE];
	[sflag:s23] =	ssyncadd.s32 $0xFFFFFFFF  }
0xa5: {  	s26 =	simm.s32 $execute0_lowered;
	[smem:$0x3FD2] =	sst s25  }
0xa6: {  	s5 =	sshll.u32 s26, $0x1;
	_ =	strace $0x8000004F;
	[dreg:$0x1] =	wrdreg $0xFFFFFFFF  }
0xa7: {  	s28 =	simm.s32 $_size_execute0_lowered;
	s3 =	sadd.s32 s3, s5;
	[dreg:$0x0] =	wrdreg $0x0  }
0xa8: {  	s5 =	sshll.u32 s28, $0x1;
	[dreg:$0x2] =	wrdreg s3  }
0xa9: {  	[dreg:$0x3] =	wrdreg s5  }
0xaa: {  	[dreg:$0x4] =	wrdreg $0xC0  }
0xab: {  	_ =	task [dreg:s7], $0x5FFFF  }
0xac: {  	[dreg:$0x1] =	wrdreg $0xFFFFFFFF  }
0xad: {  	[dreg:$0x0] =	wrdreg $0x60  }
0xae: {  	[dreg:$0x2] =	wrdreg s2  }
0xaf: {  	[dreg:$0x3] =	wrdreg s24  }
0xb0: {  	[dreg:$0x4] =	wrdreg $0x100000  }
0xb1: {  	[dreg:$0x5] =	wrdreg $0x9  }
0xb2: {  	_ =	task.clear_ibuf [dreg:s7], $0x6FFFF;
	_ =	strace $0x9000004F  }
0xb3: {  	s29 =	simm.s32 $0x9;
	_ =	strace $0x80000051  }
0xb4: {  	_ =	swait.ge [sflag:s29], $0x1  }
0xb5: {  	[sflag:s29] =	ssyncadd.s32 $0xFFFFFFFF  }
0xb6: {  	_ =	strace $0x90000051  }
0xb7: {  	_ =	sfence  }
0xb8: {  	s30 =	sld [smem:$0x0];
	_ =	sdelay $0x2  }
0xb9: {  	s31 =	sshll.u32 s1, $0xD;
	s1 =	sshrl.u32 s1, $0x2  }
0xba: {  	s3 =	sand.u32 $0x4000, s31;
	s1 =	sadd.s32 s1, s30  }
0xbb: {  	s0 =	sor.u32 s3, s0;
	s1 =	sshll.u32 s1, $0x11  }
0xbc: {  	s0 =	sor.u32 s1, s0  }
0xbd: {  	s0 =	sadd.s32 $0x8F2B, s0  }
0xbe: {  	[sflag:s0] =	ssyncadd.remote.s32 $0x1  }
0xbf: {  	_ =	sfence.sel $0xFFFF  }
0xc0: {  	[dreg:$0x0] =	wrdreg $0xFFFFFFFF;
	(pc) =	sbr.abs _section_cstart, $3  }
0xc1: {  	[dreg:$0x1] =	wrdreg $0xFFFFFFFF  }
0xc2: {  	_ =	task.clear_ibuf [dreg:s7], $0x2FFFF;
	_ =	strace $0x9FFFFFFF  }
0xc3: {  	(tm) =	ssettm $0x7FFFFFFF  }
tec
execute0_lowered:
.L_overlay_start_1:
0x0: {  	(tag) =	ssettag $0x1  }
0x1: {  	s14 =	rddreg [dreg:$0x0]  }
0x2: {  	s6 =	rddreg [dreg:$0x1]  }
0x3: {  	s2 =	rddreg [dreg:$0x2]  }
0x4: {  	s1 =	stileid.u32;
	s3 =	simm.s32 $0x0;
	s4 =	srdreg.scid  }
0x5: {  	s18 =	simm.s32 $0x80;
	s19 =	simm.s32 $0xA000;
	s20 =	simm.s32 $0xC000  }
0x6: {  	s21 =	simm.s32 $0x1;
	s22 =	simm.s32 $0x2;
	s23 =	simm.s32 $0x4F80  }
0x7: {  	s24 =	simm.s32 $0x9F00;
	s25 =	simm.s32 $0x9F80;
	s15 =	smul.u32 $0xA00, s1  }
0x8: {  	s26 =	simm.s32 $0x0;
	[smem:$0x7FF] =	sst s3;
	s7 =	smul.u32 $0xA000, s1  }
0x9: {  	s10 =	sand.u32 $0x1, s4;
	s12 =	sadd.s32 $0xE200, s6;
	s9 =	smul.u32 $0x28000, s1  }
0xa: {  	s4 =	sadd.s32 $0x68200, s6;
	s5 =	sadd.s32 $0xD400, s6;
	_ =	strace $0x80000050  }
0xb: {  	s8 =	smul.u32 $0xA0000, s10;
	s13 =	ssub.s32 $0x2, s10;
	p0 =	seq.s32 s10, $0x1  }
0xc: {  	s11 =	sadd.s32 s15, s6;
	s9 =	sshrl.u32 s9, $0x2;
	s31 =	sshrl.u32 s13, $0x1  }
0xd: {  	s14 =	smov.u32 @p0 s12;
	s8 =	sadd.s32 s7, s8;
	s17 =	sadd.s32 s9, s2  }
0xe: {  	s13 =	ssub.s32 s13, s31;
	s11 =	sadd.s32 $0x3400, s11;
	s14 =	sadd.s32 s14, s15  }
0xf: {  	s15 =	simm.s32 $0xE000;
	s8 =	sshrl.u32 s8, $0x3;
	s9 =	sadd.s32 $0x6000, s17  }
0x10: {  	s10 =	sadd.s32 $0x8000, s17;
	s13 =	smax.u32 s13, $0x1;
	s16 =	sadd.s32 s8, s6  }
0x11: {  	s6 =	sadd.s32 s7, s2;
	s7 =	sadd.s32 $0x2000, s17;
	s8 =	sadd.s32 $0x4000, s17  }
0x12: {  	s17 =	simm.s32 $0x5000;
	s12 =	sadd.s32 $0x90200, s16;
	s16 =	simm.s32 $0x3  }
.LBB2_1:
0x13: {  	[tilespmem:s15], [sflag:$0x3] =	stream.linear.gather [hbm4b:s5+s3], $0x2000, $0x38;
	[tilespmem:$0x1A000] =	vst v63  }
0x14: {  	_ =	swait.ge [sflag:s16], $0x2000  }
0x15: {  	[sflag:s16] =	ssyncset.done $0x0  }
0x16: {  	[sflag:s16] =	ssyncadd.s32 $0xFFFFE000  }
0x17: {  	[spmem:s6] =	stream.linear.scatter [tilespmem:s15], [sflag:$0x3], $0x2000, $0x38;
	[tilespmem:$0x1A000] =	vst v63  }
0x18: {  	_ =	swait.ge [sflag:s16], $0x2000  }
0x19: {  	[sflag:s16] =	ssyncset.done $0x0  }
0x1a: {  	[sflag:s16] =	ssyncadd.s32 $0xFFFFE000  }
0x1b: {  	[spmem:s7] =	stream.linear.scatter [tilespmem:s15], [sflag:$0x3], $0x2000, $0x38;
	[tilespmem:$0x1A000] =	vst v63  }
0x1c: {  	_ =	swait.ge [sflag:s16], $0x2000  }
0x1d: {  	[sflag:s16] =	ssyncset.done $0x0  }
0x1e: {  	[sflag:s16] =	ssyncadd.s32 $0xFFFFE000  }
0x1f: {  	[spmem:s8] =	stream.linear.scatter [tilespmem:s15], [sflag:$0x3], $0x2000, $0x38;
	[tilespmem:$0x1A000] =	vst v63  }
0x20: {  	_ =	swait.ge [sflag:s16], $0x2000  }
0x21: {  	[sflag:s16] =	ssyncset.done $0x0  }
0x22: {  	[sflag:s16] =	ssyncadd.s32 $0xFFFFE000  }
0x23: {  	[spmem:s9] =	stream.linear.scatter [tilespmem:s15], [sflag:$0x3], $0x2000, $0x38;
	[tilespmem:$0x1A000] =	vst v63  }
0x24: {  	_ =	swait.ge [sflag:s16], $0x2000  }
0x25: {  	[sflag:s16] =	ssyncset.done $0x0  }
0x26: {  	[sflag:s16] =	ssyncadd.s32 $0xFFFFE000  }
0x27: {  	[spmem:s10] =	stream.linear.scatter [tilespmem:s15], [sflag:$0x3], $0x2000, $0x38;
	[tilespmem:$0x1A000] =	vst v63  }
0x28: {  	_ =	swait.ge [sflag:s16], $0x2000  }
0x29: {  	[sflag:s16] =	ssyncset.done $0x0  }
0x2a: {  	[sflag:s16] =	ssyncadd.s32 $0xFFFFE000  }
0x2b: {  	[tilespmem:s3], [sflag:$0x3] =	stream.linear.gather [hbm4b:s14+s3], $0x5000, $0x38;
	[tilespmem:$0x1A000] =	vst v63  }
0x2c: {  	_ =	swait.ge [sflag:s16], $0x5000  }
0x2d: {  	[sflag:s16] =	ssyncset.done $0x0  }
0x2e: {  	[sflag:s16] =	ssyncadd.s32 $0xFFFFB000  }
0x2f: {  	[tilespmem:s17], [sflag:$0x3] =	stream.linear.gather [hbm4b:s11+s3], $0x5000, $0x38;
	[tilespmem:$0x1A000] =	vst v63  }
0x30: {  	_ =	swait.ge [sflag:s16], $0x5000  }
0x31: {  	[sflag:s16] =	ssyncset.done $0x0  }
0x32: {  	[sflag:s16] =	ssyncadd.s32 $0xFFFFB000  }
0x33: {  	[bflag:$0x0] =	sbarrier.arrive $0xFFFF  }
0x34: {  	[tilespmem:s19], [sflag:$0x1] =	stream.indirect.gather [hbm4b:s4+s18], $0x40, s3, s18, $0xb8;
	[tilespmem:$0x1A000] =	vst v63  }
0x35: {  	s28 =	simm.s32 $0x80  }
0x36: {  	[tilespmem:s20], [sflag:$0x2] =	stream.indirect.gather [hbm4b:s4+s18], $0x40, s28, s18, $0xb8;
	[tilespmem:$0x1A000] =	vst v63  }
0x37: {  	_ =	swait.ge [sflag:s21], $0x2000  }
0x38: {  	[sflag:s21] =	ssyncset.done $0x0  }
0x39: {  	s28 =	simm.s32 $0x5000;
	[sflag:s21] =	ssyncadd.s32 $0xFFFFE000  }
0x3a: {  	[spmem:s2] =	stream.indirect.scatter.add.f32 [tilespmem:s19], [sflag:$0x3], $0x40, s28, s18, $0xb8;
	[tilespmem:$0x1A000] =	vst v63  }
0x3b: {  	_ =	swait.ge [sflag:s16], $0x2000  }
0x3c: {  	[sflag:s16] =	ssyncset.done $0x0  }
0x3d: {  	s28 =	simm.s32 $0x100;
	[sflag:s16] =	ssyncadd.s32 $0xFFFFE000  }
0x3e: {  	[tilespmem:s19], [sflag:$0x1] =	stream.indirect.gather [hbm4b:s4+s18], $0x40, s28, s18, $0xb8;
	[tilespmem:$0x1A000] =	vst v63  }
0x3f: {  	_ =	swait.ge [sflag:s22], $0x2000  }
0x40: {  	[sflag:s22] =	ssyncset.done $0x0  }
0x41: {  	s28 =	simm.s32 $0x5080;
	[sflag:s22] =	ssyncadd.s32 $0xFFFFE000  }
0x42: {  	[spmem:s2] =	stream.indirect.scatter.add.f32 [tilespmem:s20], [sflag:$0x3], $0x40, s28, s18, $0xb8;
	[tilespmem:$0x1A000] =	vst v63  }
0x43: {  	_ =	swait.ge [sflag:s16], $0x2000  }
0x44: {  	s29 =	simm.s32 $0x800;
	s28 =	simm.s32 $0x100;
	[sflag:s16] =	ssyncset.done $0x0  }
.LBB2_2:
0x45: {  	s30 =	sadd.s32 $0x80, s28  }
0x46: {  	[sflag:s16] =	ssyncadd.s32 $0xFFFFE000;
	s31 =	smov.u32 s29;
	s0 =	sadd.s32 $0x400, s29  }
0x47: {  	[tilespmem:s20], [sflag:$0x2] =	stream.indirect.gather [hbm4b:s4+s18], $0x40, s30, s18, $0xb8;
	[tilespmem:$0x1A000] =	vst v63  }
0x48: {  	p0 =	sne.s32 s29, $0x13800;
	_ =	swait.ge [sflag:s21], $0x2000  }
0x49: {  	[sflag:s21] =	ssyncset.done $0x0  }
0x4a: {  	s29 =	sadd.s32 $0x5000, s28;
	[sflag:s21] =	ssyncadd.s32 $0xFFFFE000  }
0x4b: {  	[spmem:s2] =	stream.indirect.scatter.add.f32 [tilespmem:s19], [sflag:$0x3], $0x40, s29, s18, $0xb8;
	[tilespmem:$0x1A000] =	vst v63  }
0x4c: {  	_ =	swait.ge [sflag:s16], $0x2000  }
0x4d: {  	[sflag:s16] =	ssyncset.done $0x0  }
0x4e: {  	s29 =	sadd.s32 $0x100, s28;
	[sflag:s16] =	ssyncadd.s32 $0xFFFFE000  }
0x4f: {  	[tilespmem:s19], [sflag:$0x1] =	stream.indirect.gather [hbm4b:s4+s18], $0x40, s29, s18, $0xb8;
	[tilespmem:$0x1A000] =	vst v63  }
0x50: {  	_ =	swait.ge [sflag:s22], $0x2000  }
.Ltmp0:
0x51: {  	[sflag:s22] =	ssyncset.done $0x0;
	(pc) =	sbr.rel @p0 .LBB2_2-.Ltmp0, $4  }
0x52: {  	s28 =	sadd.s32 $0x5080, s28;
	[sflag:s22] =	ssyncadd.s32 $0xFFFFE000  }
0x53: {  	[spmem:s2] =	stream.indirect.scatter.add.f32 [tilespmem:s20], [sflag:$0x3], $0x40, s28, s18, $0xb8;
	[tilespmem:$0x1A000] =	vst v63  }
0x54: {  	_ =	swait.ge [sflag:s16], $0x2000  }
0x55: {  	s29 =	smov.u32 s0;
	s28 =	sshra.s32 s31, $0x2;
	[sflag:s16] =	ssyncset.done $0x0  }
0x56: {  	s0 =	sadd.s32 $0x80, s28;
	[sflag:s16] =	ssyncadd.s32 $0xFFFFE000  }
0x57: {  	[tilespmem:s20], [sflag:$0x2] =	stream.indirect.gather [hbm4b:s4+s18], $0x40, s0, s18, $0xb8;
	[tilespmem:$0x1A000] =	vst v63  }
0x58: {  	_ =	swait.ge [sflag:s21], $0x2000  }
0x59: {  	[sflag:s21] =	ssyncset.done $0x0  }
0x5a: {  	s30 =	sadd.s32 $0x5000, s28;
	[sflag:s21] =	ssyncadd.s32 $0xFFFFE000  }
0x5b: {  	[spmem:s2] =	stream.indirect.scatter.add.f32 [tilespmem:s19], [sflag:$0x3], $0x40, s30, s18, $0xb8;
	[tilespmem:$0x1A000] =	vst v63  }
0x5c: {  	_ =	swait.ge [sflag:s16], $0x2000  }
0x5d: {  	[sflag:s16] =	ssyncset.done $0x0  }
0x5e: {  	s31 =	sadd.s32 $0x100, s28;
	[sflag:s16] =	ssyncadd.s32 $0xFFFFE000  }
0x5f: {  	[tilespmem:s19], [sflag:$0x1] =	stream.indirect.gather [hbm4b:s4+s18], $0x40, s31, s18, $0xb8;
	[tilespmem:$0x1A000] =	vst v63  }
0x60: {  	_ =	swait.ge [sflag:s22], $0x2000  }
0x61: {  	[sflag:s22] =	ssyncset.done $0x0  }
0x62: {  	s29 =	sadd.s32 $0x5080, s28;
	[sflag:s22] =	ssyncadd.s32 $0xFFFFE000  }
0x63: {  	[spmem:s2] =	stream.indirect.scatter.add.f32 [tilespmem:s20], [sflag:$0x3], $0x40, s29, s18, $0xb8;
	[tilespmem:$0x1A000] =	vst v63  }
0x64: {  	_ =	swait.ge [sflag:s16], $0x2000  }
0x65: {  	[sflag:s16] =	ssyncset.done $0x0  }
0x66: {  	[sflag:s16] =	ssyncadd.s32 $0xFFFFE000  }
0x67: {  	[tilespmem:s20], [sflag:$0x2] =	stream.indirect.gather [hbm4b:s4+s18], $0x40, s23, s18, $0xb8;
	[tilespmem:$0x1A000] =	vst v63  }
0x68: {  	_ =	swait.ge [sflag:s21], $0x2000  }
0x69: {  	[sflag:s21] =	ssyncset.done $0x0  }
0x6a: {  	[sflag:s21] =	ssyncadd.s32 $0xFFFFE000  }
0x6b: {  	[spmem:s2] =	stream.indirect.scatter.add.f32 [tilespmem:s19], [sflag:$0x3], $0x40, s24, s18, $0xb8;
	[tilespmem:$0x1A000] =	vst v63  }
0x6c: {  	_ =	swait.ge [sflag:s16], $0x2000  }
0x6d: {  	[sflag:s16] =	ssyncset.done $0x0  }
0x6e: {  	[sflag:s16] =	ssyncadd.s32 $0xFFFFE000  }
0x6f: {  	_ =	swait.ge [sflag:s22], $0x2000  }
0x70: {  	[sflag:s22] =	ssyncset.done $0x0  }
0x71: {  	[sflag:s22] =	ssyncadd.s32 $0xFFFFE000  }
0x72: {  	[spmem:s2] =	stream.indirect.scatter.add.f32 [tilespmem:s20], [sflag:$0x3], $0x40, s25, s18, $0xb8;
	[tilespmem:$0x1A000] =	vst v63  }
0x73: {  	_ =	swait.ge [sflag:s16], $0x2000  }
0x74: {  	s26 =	sadd.s32 $0x1, s26;
	s30 =	sshll.u32 s1, $0x6;
	[sflag:s16] =	ssyncset.done $0x0  }
0x75: {  	p0 =	sne.s32 s26, s13;
	s0 =	sor.u32 $0x1C03, s30;
	[sflag:s16] =	ssyncadd.s32 $0xFFFFE000  }
.Ltmp1:
0x76: {  	s31 =	sshrl.u32 s6, $0x3;
	[bflag:$0x0] =	sbarrier.arrive $0xFFFF;
	(pc) =	sbr.rel @p0 .LBB2_1-.Ltmp1, $4  }
0x77: {  	[hbm:s12], [sflag:s0] =	dma.local [spmem:s31], $0x1400  }
0x78: {  	_ =	swait.ge [sflag:s16], $0x1400  }
0x79: {  	[sflag:s16] =	ssyncset.done $0x0  }
0x7a: {  	[sflag:s16] =	ssyncadd.s32 $0xFFFFEC00  }
0x7b: {  	_ =	sfence.sel $0x180000  }
0x7c: {  	[bflag:$0x0] =	sbarrier.arrive $0xFFFF  }
0x7d: {  	_ =	strace $0x90000050  }
0x7e: {  	[bflag:$0x2] =	sbarrier.arrive $0xFFFF  }
0x7f: {  	p0 =	sne.s32 s1, $0x0;
	s0 =	rddreg [dreg:$0x3]  }
0x80: {  	s0 =	sadd.s32 @!p0 $0x100000, s0  }
0x81: {  	[sflag:s0] =	ssyncadd.tile.s32 @!p0 $0x1;
	_ =	shalt  }
.Lfunc_end2:
_tile_overlayer_lowered:
.L_overlay_start_2:
0x82: {  	(tag) =	ssettag $0x2  }
0x83: {  	s0 =	rddreg [dreg:$0x0];
	s2 =	stileid.u32  }
0x84: {  	s1 =	rddreg [dreg:$0x1];
	p0 =	sne.s32 s2, $0x0  }
0x85: {  	s3 =	rddreg [dreg:$0x2];
	[bflag:$0x3] =	sbarrier.arrive $0xFFFF;
	s2 =	simm.s32 @!p0 $0x1C03  }
0x86: {  	[timem:s3], [sflag:s2] =	dma.local @!p0 [hbm:s0], s1  }
0x87: {  	s0 =	simm.s32 @!p0 $0x3  }
0x88: {  	_ =	swait.ge @!p0 [sflag:s0], s1  }
0x89: {  	s1 =	ssub.s32 @!p0 $0x0, s1;
	[sflag:s0] =	ssyncset.done @!p0 $0x0  }
0x8a: {  	[sflag:s0] =	ssyncadd.s32 @!p0 s1  }
0x8b: {  	[bflag:$0x3] =	sbarrier.arrive $0xFFFF  }
0x8c: {  	_ =	shalt  }

</sc_bundles>
